<compile_context>
chip_gen: v7x
topology: tpu7x:2x2x1
jax: 0.10.2.dev20260603
libtpu: 0.0.44.dev20260713+nightly
codegen_flags: <defaults>
</compile_context>

<pallas_src>
import functools

import jax
import jax.numpy as jnp
from jax import lax
from jax.experimental import pallas as pl
from jax.experimental.pallas import tpu as pltpu
from jax.experimental.pallas import tpu_sc as plsc

N = 10000
E = 320000
D = 128

NC = 2
NS = 16
C = 128
NCHUNK = E // C
CPT = NCHUNK // (NC * NS)
LEFTOVER = NCHUNK - CPT * NC * NS
SCH = 26
NACC = 10112
RPT = NACC // NS
ZR = 40


def _segsum_sc(x, adjc, zeros_blk):
    mesh = plsc.VectorSubcoreMesh(core_axis_name="c", subcore_axis_name="s")

    @functools.partial(
        pl.kernel,
        mesh=mesh,
        out_type=jax.ShapeDtypeStruct((NC, N, D), jnp.float32),
        scratch_types=[
            pltpu.VMEM((SCH, 2, C), jnp.int32),
            pltpu.VMEM((SCH, 2, C), jnp.int32),
            pltpu.VMEM((C, D), jnp.float32),
            pltpu.VMEM((C, D), jnp.float32),
            pltpu.VMEM_SHARED((NACC, D), jnp.float32),
            pltpu.SemaphoreType.DMA,
            pltpu.SemaphoreType.DMA,
            pltpu.SemaphoreType.DMA,
            pltpu.SemaphoreType.DMA,
            pltpu.SemaphoreType.DMA,
            pltpu.SemaphoreType.DMA,
        ],
    )
    def seg_kernel(x_hbm, adj_hbm, z_hbm, out_hbm,
                   idx0, idx1, rb0, rb1, acc,
                   isem0, isem1, gsem0, gsem1, ssem0, ssem1):
        c = lax.axis_index("c")
        s = lax.axis_index("s")
        wid = c * NS + s
        row0 = s * RPT
        chunk0 = wid * CPT
        ibufs = [(idx0, isem0), (idx1, isem1)]

        def idx_start(st, buf, sem):
            pltpu.async_copy(adj_hbm.at[pl.ds(chunk0 + st * SCH, SCH)],
                             buf, sem)

        def idx_wait(buf, sem):
            pltpu.make_async_copy(adj_hbm.at[pl.ds(chunk0, SCH)],
                                  buf, sem).wait()

        def g_start(ib, j, buf, sem):
            pltpu.async_copy(x_hbm.at[ib.at[j, 0]], buf, sem)

        def g_wait(buf, sem):
            pltpu.make_async_copy(x_hbm.at[idx0.at[0, 0]], buf, sem).wait()

        def s_start(ib, j, buf, sem):
            pltpu.async_copy(buf, acc.at[ib.at[j, 1]], sem, add=True)

        def s_wait(buf, sem):
            pltpu.make_async_copy(buf, acc.at[idx0.at[0, 1]], sem).wait()

        idx_start(0, idx0, isem0)
        pltpu.sync_copy(z_hbm, rb0.at[pl.ds(0, ZR)])
        for r in range(RPT // ZR):
            pltpu.sync_copy(rb0.at[pl.ds(0, ZR)],
                            acc.at[pl.ds(row0 + r * ZR, ZR)])
        pltpu.sync_copy(rb0.at[pl.ds(0, RPT % ZR)],
                        acc.at[pl.ds(row0 + (RPT // ZR) * ZR, RPT % ZR)])
        idx_wait(idx0, isem0)
        idx_start(1, idx1, isem1)
        g_start(idx0, 0, rb1, gsem1)
        plsc.subcore_barrier()

        for st in range(CPT // SCH):
            ib, _ = ibufs[st % 2]

            def chunk_body(i, carry, ib=ib):
                j0 = 2 * i
                g_wait(rb1, gsem1)
                g_start(ib, j0 + 1, rb0, gsem0)
                s_start(ib, j0, rb1, ssem1)
                g_wait(rb0, gsem0)
                s_wait(rb1, ssem1)

                @pl.when(j0 + 2 < SCH)
                def _():
                    g_start(ib, j0 + 2, rb1, gsem1)

                s_start(ib, j0 + 1, rb0, ssem0)
                s_wait(rb0, ssem0)
                return carry

            lax.fori_loop(0, SCH // 2, chunk_body, 0)
            if st + 1 < CPT // SCH:
                nb, nsem = ibufs[(st + 1) % 2]
                idx_wait(nb, nsem)
                if st + 2 < CPT // SCH:
                    fb, fsem = ibufs[st % 2]
                    idx_start(st + 2, fb, fsem)
                g_start(nb, 0, rb1, gsem1)

        lw = wid - (NC * NS - LEFTOVER)

        @pl.when(lw >= 0)
        def _():
            off = CPT * NC * NS + lw
            pltpu.sync_copy(adj_hbm.at[pl.ds(off, 1)], idx0.at[pl.ds(0, 1)])
            g_start(idx0, 0, rb0, gsem0)
            g_wait(rb0, gsem0)
            s_start(idx0, 0, rb0, ssem0)
            s_wait(rb0, ssem0)

        plsc.subcore_barrier()
        @pl.when(s < NS - 1)
        def _():
            pltpu.sync_copy(acc.at[pl.ds(row0, RPT)],
                            out_hbm.at[c, pl.ds(row0, RPT)])

        @pl.when(s == NS - 1)
        def _():
            pltpu.sync_copy(acc.at[pl.ds(row0, N - (NS - 1) * RPT)],
                            out_hbm.at[c, pl.ds(row0, N - (NS - 1) * RPT)])

    return seg_kernel(x, adjc, zeros_blk)


def _lrelu(x):
    return jnp.where(x > 0, x, 0.01 * x)


_BR = 2000


def _matmul_act(parts, w, b, act):
    def body(p_ref, w_ref, b_ref, o_ref):
        sblk = p_ref[0] + p_ref[1]
        h = jnp.dot(sblk, w_ref[...], preferred_element_type=jnp.float32,
                    precision=lax.Precision.HIGHEST) + b_ref[...]
        o_ref[...] = _lrelu(h) if act else h

    pair = pl.BlockSpec((NC, _BR, D), lambda i: (0, i, 0))
    row = pl.BlockSpec((_BR, D), lambda i: (i, 0))
    full = pl.BlockSpec((D, D), lambda i: (0, 0))
    vec = pl.BlockSpec((1, D), lambda i: (0, 0))
    return pl.pallas_call(
        body,
        grid=(N // _BR,),
        in_specs=[pair, full, vec],
        out_specs=row,
        out_shape=jax.ShapeDtypeStruct((N, D), jnp.float32),
    )(parts, w, b.reshape(1, D))


def _stage2(parts, w2, b2, p3):
    def body(p_ref, w2_ref, b2_ref, p3_ref, o_ref):
        tblk = p_ref[0] + p_ref[1]
        h2 = jnp.dot(tblk, w2_ref[...], preferred_element_type=jnp.float32,
                     precision=lax.Precision.HIGHEST) + b2_ref[...]
        o_ref[...] = _lrelu(_lrelu(h2) + p3_ref[...])

    pair = pl.BlockSpec((NC, _BR, D), lambda i: (0, i, 0))
    row = pl.BlockSpec((_BR, D), lambda i: (i, 0))
    full = pl.BlockSpec((D, D), lambda i: (0, 0))
    vec = pl.BlockSpec((1, D), lambda i: (0, 0))
    return pl.pallas_call(
        body,
        grid=(N // _BR,),
        in_specs=[pair, full, vec, row],
        out_specs=row,
        out_shape=jax.ShapeDtypeStruct((N, D), jnp.float32),
    )(parts, w2, b2.reshape(1, D), p3)


def kernel(X, adj, W1, b1, W2, b2, W3, b3):
    adjc = adj.reshape(2, NCHUNK, C).transpose(1, 0, 2)
    zeros_blk = jnp.zeros((ZR, D), jnp.float32)

    parts = _segsum_sc(X, adjc, zeros_blk)
    y1 = _matmul_act(parts, W1, b1, act=True)
    parts2 = _segsum_sc(y1, adjc, zeros_blk)
    p3 = _matmul_act(parts, W3, b3, act=False)
    return _stage2(parts2, W2, b2, p3)

# --- scband reference (transcript-rebuilt; emitter-appended) ---
"""Pipeline reference for scband-residual-block-25546465476883 (READ-ONLY COPY).

The authoritative reference and input builder live on the scoring server;
editing this copy changes nothing except your own understanding.
"""

import jax, jax.numpy as jnp
import numpy as np

N = 10000
E = 320000
D = 128


def _leaky_relu(x):
    return jnp.where(x > 0, x, 0.01 * x)


def _gcn_layer(X, W, b, src, dst):
    # Layer(in, out): message = (X @ W)[src], aggregate by scatter-add into dst
    h = X @ W
    agg = jax.ops.segment_sum(h[src], dst, num_segments=N)
    return agg + b


def setup_inputs(seed: int = 0) -> dict:
    key = jax.random.key(seed)
    ks = jax.random.split(key, 8)
    X = jax.random.normal(ks[0], (N, D), dtype=jnp.float32)
    edge_index = jax.random.randint(ks[1], (2, E), 0, N, dtype=jnp.int32)
    s = 1.0 / np.sqrt(D)
    W1 = jax.random.normal(ks[2], (D, D), dtype=jnp.float32) * s
    b1 = jnp.zeros((D,), dtype=jnp.float32)
    W2 = jax.random.normal(ks[3], (D, D), dtype=jnp.float32) * s
    b2 = jnp.zeros((D,), dtype=jnp.float32)
    W3 = jax.random.normal(ks[4], (D, D), dtype=jnp.float32) * s
    b3 = jnp.zeros((D,), dtype=jnp.float32)
    return {"X": X, "adj": edge_index, "W1": W1, "b1": b1, "W2": W2, "b2": b2, "W3": W3, "b3": b3}


def reference(X, adj, W1, b1, W2, b2, W3, b3):
    src = adj[0]
    dst = adj[1]
    Y = _leaky_relu(_gcn_layer(X, W1, b1, src, dst))
    Y = _leaky_relu(_gcn_layer(Y, W2, b2, src, dst))
    Xp = _gcn_layer(X, W3, b3, src, dst)  # is_first_layer=True -> projection path
    Y = Y + Xp
    return _leaky_relu(Y)

if __name__ == "__main__":
    import jax
    _d = setup_inputs()
    print(jax.jit(kernel)(*tuple(_d.values())))

</pallas_src>

<mosaic_0001>
#map = affine_map<(d0, d1) -> (0, 0)>
#map1 = affine_map<(d0, d1) -> (0, 0, 0)>
module attributes {stable_mosaic.version = 14 : i64} {
  func.func @seg_kernel(%arg0: i32, %arg1: i32, %arg2: memref<10000x128xf32, #tpu.memory_space<hbm>>, %arg3: memref<2500x2x128xi32, #tpu.memory_space<hbm>>, %arg4: memref<40x128xf32, #tpu.memory_space<hbm>>, %arg5: memref<2x10000x128xf32, #tpu.memory_space<hbm>>, %arg6: memref<26x2x128xi32, #tpu.memory_space<vmem>>, %arg7: memref<26x2x128xi32, #tpu.memory_space<vmem>>, %arg8: memref<128x128xf32, #tpu.memory_space<vmem>>, %arg9: memref<128x128xf32, #tpu.memory_space<vmem>>, %arg10: memref<10112x128xf32, #tpu.memory_space<vmem_shared>>, %arg11: memref<!tpu.dma_semaphore, #tpu.memory_space<semaphore_mem>>, %arg12: memref<!tpu.dma_semaphore, #tpu.memory_space<semaphore_mem>>, %arg13: memref<!tpu.dma_semaphore, #tpu.memory_space<semaphore_mem>>, %arg14: memref<!tpu.dma_semaphore, #tpu.memory_space<semaphore_mem>>, %arg15: memref<!tpu.dma_semaphore, #tpu.memory_space<semaphore_mem>>, %arg16: memref<!tpu.dma_semaphore, #tpu.memory_space<semaphore_mem>>) attributes {dimension_semantics = [#tpu.dimension_semantics<core_parallel>, #tpu.dimension_semantics<subcore_parallel>], iteration_bounds = array<i64: 2, 16>, scalar_prefetch = 0 : i64, scratch_operands = 11 : i64, tpu.core_type = #tpu.core_type<sc_vector_subcore>, window_params = [{transform_indices = #map}, {transform_indices = #map1}, {transform_indices = #map}, {transform_indices = #map1}]} {
    %mul3A = arith.constant 16 : i32
    %mul3A_0 = arith.muli %arg0, %mul3A : i32
    %add3A = arith.addi %mul3A_0, %arg1 : i32
    %mul3A_1 = arith.constant 632 : i32
    %mul3A_2 = arith.muli %arg1, %mul3A_1 : i32
    %mul3A_3 = arith.constant 78 : i32
    %mul3A_4 = arith.muli %add3A, %mul3A_3 : i32
    %add3A_5 = arith.constant 0 : i32
    %add3A_6 = arith.addi %mul3A_4, %add3A_5 : i32
    %dma_start3A = arith.constant 0 : i32
    %dma_start3A_7 = arith.constant 0 : i32
    %dma_start3A_8 = tpu.memref_slice %arg3[%add3A_6, %dma_start3A, %dma_start3A_7] : memref<2500x2x128xi32, #tpu.memory_space<hbm>> -> memref<26x2x128xi32, #tpu.memory_space<hbm>>
    %dma_start3A_9 = arith.constant 0 : i32
    %dma_start3A_10 = arith.constant 0 : i32
    %dma_start3A_11 = tpu.memref_slice %arg3[%add3A_6, %dma_start3A_9, %dma_start3A_10] : memref<2500x2x128xi32, #tpu.memory_space<hbm>> -> memref<26x2x128xi32, #tpu.memory_space<hbm>>
    tpu.enqueue_dma source(%dma_start3A_11 : memref<26x2x128xi32, #tpu.memory_space<hbm>>) target(%arg6 : memref<26x2x128xi32, #tpu.memory_space<vmem>>) target_semaphore(%arg11 : memref<!tpu.dma_semaphore, #tpu.memory_space<semaphore_mem>>)
    "tpu.region"() ({
      %run_scoped3A = tpu.sem_alloc : memref<!tpu.dma_semaphore, #tpu.memory_space<semaphore_mem>>
      %dma_start3A_130 = arith.constant 0 : i32
      %dma_start3A_131 = arith.constant 0 : i32
      %dma_start3A_132 = tpu.memref_slice %arg8[%dma_start3A_130, %dma_start3A_131] : memref<128x128xf32, #tpu.memory_space<vmem>> -> memref<40x128xf32, #tpu.memory_space<vmem>>
      %dma_start3A_133 = arith.constant 0 : i32
      %dma_start3A_134 = arith.constant 0 : i32
      %dma_start3A_135 = tpu.memref_slice %arg8[%dma_start3A_133, %dma_start3A_134] : memref<128x128xf32, #tpu.memory_space<vmem>> -> memref<40x128xf32, #tpu.memory_space<vmem>>
      tpu.enqueue_dma source(%arg4 : memref<40x128xf32, #tpu.memory_space<hbm>>) target(%dma_start3A_135 : memref<40x128xf32, #tpu.memory_space<vmem>>) target_semaphore(%run_scoped3A : memref<!tpu.dma_semaphore, #tpu.memory_space<semaphore_mem>>)
      %dma_wait3A_136 = arith.constant 0 : i32
      %dma_wait3A_137 = arith.constant 0 : i32
      %dma_wait3A_138 = tpu.memref_slice %arg8[%dma_wait3A_136, %dma_wait3A_137] : memref<128x128xf32, #tpu.memory_space<vmem>> -> memref<40x128xf32, #tpu.memory_space<vmem>>
      %dma_wait3A_139 = arith.constant 0 : i32
      %dma_wait3A_140 = arith.constant 0 : i32
      %dma_wait3A_141 = tpu.memref_slice %arg8[%dma_wait3A_139, %dma_wait3A_140] : memref<128x128xf32, #tpu.memory_space<vmem>> -> memref<40x128xf32, #tpu.memory_space<vmem>>
      tpu.wait_dma2 semaphore(%run_scoped3A : memref<!tpu.dma_semaphore, #tpu.memory_space<semaphore_mem>>) src(%arg4 : memref<40x128xf32, #tpu.memory_space<hbm>>) dst(%dma_wait3A_141 : memref<40x128xf32, #tpu.memory_space<vmem>>)
      tpu.yield
    }) : () -> ()
    %add3A_12 = arith.constant 0 : i32
    %add3A_13 = arith.addi %mul3A_2, %add3A_12 : i32
    "tpu.region"() ({
      %run_scoped3A = tpu.sem_alloc : memref<!tpu.dma_semaphore, #tpu.memory_space<semaphore_mem>>
      %dma_start3A_130 = arith.constant 0 : i32
      %dma_start3A_131 = arith.constant 0 : i32
      %dma_start3A_132 = tpu.memref_slice %arg8[%dma_start3A_130, %dma_start3A_131] : memref<128x128xf32, #tpu.memory_space<vmem>> -> memref<40x128xf32, #tpu.memory_space<vmem>>
      %dma_start3A_133 = arith.constant 0 : i32
      %dma_start3A_134 = tpu.memref_slice %arg10[%add3A_13, %dma_start3A_133] : memref<10112x128xf32, #tpu.memory_space<vmem_shared>> -> memref<40x128xf32, #tpu.memory_space<vmem_shared>>
      %dma_start3A_135 = arith.constant 0 : i32
      %dma_start3A_136 = tpu.memref_slice %arg10[%add3A_13, %dma_start3A_135] : memref<10112x128xf32, #tpu.memory_space<vmem_shared>> -> memref<40x128xf32, #tpu.memory_space<vmem_shared>>
      %dma_start3A_137 = arith.constant 0 : i32
      %dma_start3A_138 = arith.constant 0 : i32
      %dma_start3A_139 = tpu.memref_slice %arg8[%dma_start3A_137, %dma_start3A_138] : memref<128x128xf32, #tpu.memory_space<vmem>> -> memref<40x128xf32, #tpu.memory_space<vmem>>
      tpu.enqueue_dma source(%dma_start3A_139 : memref<40x128xf32, #tpu.memory_space<vmem>>) target(%dma_start3A_136 : memref<40x128xf32, #tpu.memory_space<vmem_shared>>) target_semaphore(%run_scoped3A : memref<!tpu.dma_semaphore, #tpu.memory_space<semaphore_mem>>)
      %dma_wait3A_140 = arith.constant 0 : i32
      %dma_wait3A_141 = arith.constant 0 : i32
      %dma_wait3A_142 = tpu.memref_slice %arg8[%dma_wait3A_140, %dma_wait3A_141] : memref<128x128xf32, #tpu.memory_space<vmem>> -> memref<40x128xf32, #tpu.memory_space<vmem>>
      %dma_wait3A_143 = arith.constant 0 : i32
      %dma_wait3A_144 = tpu.memref_slice %arg10[%add3A_13, %dma_wait3A_143] : memref<10112x128xf32, #tpu.memory_space<vmem_shared>> -> memref<40x128xf32, #tpu.memory_space<vmem_shared>>
      %dma_wait3A_145 = arith.constant 0 : i32
      %dma_wait3A_146 = tpu.memref_slice %arg10[%add3A_13, %dma_wait3A_145] : memref<10112x128xf32, #tpu.memory_space<vmem_shared>> -> memref<40x128xf32, #tpu.memory_space<vmem_shared>>
      %dma_wait3A_147 = arith.constant 0 : i32
      %dma_wait3A_148 = arith.constant 0 : i32
      %dma_wait3A_149 = tpu.memref_slice %arg8[%dma_wait3A_147, %dma_wait3A_148] : memref<128x128xf32, #tpu.memory_space<vmem>> -> memref<40x128xf32, #tpu.memory_space<vmem>>
      tpu.wait_dma2 semaphore(%run_scoped3A : memref<!tpu.dma_semaphore, #tpu.memory_space<semaphore_mem>>) src(%dma_wait3A_149 : memref<40x128xf32, #tpu.memory_space<vmem>>) dst(%dma_wait3A_146 : memref<40x128xf32, #tpu.memory_space<vmem_shared>>)
      tpu.yield
    }) : () -> ()
    %add3A_14 = arith.constant 40 : i32
    %add3A_15 = arith.addi %mul3A_2, %add3A_14 : i32
    "tpu.region"() ({
      %run_scoped3A = tpu.sem_alloc : memref<!tpu.dma_semaphore, #tpu.memory_space<semaphore_mem>>
      %dma_start3A_130 = arith.constant 0 : i32
      %dma_start3A_131 = arith.constant 0 : i32
      %dma_start3A_132 = tpu.memref_slice %arg8[%dma_start3A_130, %dma_start3A_131] : memref<128x128xf32, #tpu.memory_space<vmem>> -> memref<40x128xf32, #tpu.memory_space<vmem>>
      %dma_start3A_133 = arith.constant 0 : i32
      %dma_start3A_134 = tpu.memref_slice %arg10[%add3A_15, %dma_start3A_133] : memref<10112x128xf32, #tpu.memory_space<vmem_shared>> -> memref<40x128xf32, #tpu.memory_space<vmem_shared>>
      %dma_start3A_135 = arith.constant 0 : i32
      %dma_start3A_136 = tpu.memref_slice %arg10[%add3A_15, %dma_start3A_135] : memref<10112x128xf32, #tpu.memory_space<vmem_shared>> -> memref<40x128xf32, #tpu.memory_space<vmem_shared>>
      %dma_start3A_137 = arith.constant 0 : i32
      %dma_start3A_138 = arith.constant 0 : i32
      %dma_start3A_139 = tpu.memref_slice %arg8[%dma_start3A_137, %dma_start3A_138] : memref<128x128xf32, #tpu.memory_space<vmem>> -> memref<40x128xf32, #tpu.memory_space<vmem>>
      tpu.enqueue_dma source(%dma_start3A_139 : memref<40x128xf32, #tpu.memory_space<vmem>>) target(%dma_start3A_136 : memref<40x128xf32, #tpu.memory_space<vmem_shared>>) target_semaphore(%run_scoped3A : memref<!tpu.dma_semaphore, #tpu.memory_space<semaphore_mem>>)
      %dma_wait3A_140 = arith.constant 0 : i32
      %dma_wait3A_141 = arith.constant 0 : i32
      %dma_wait3A_142 = tpu.memref_slice %arg8[%dma_wait3A_140, %dma_wait3A_141] : memref<128x128xf32, #tpu.memory_space<vmem>> -> memref<40x128xf32, #tpu.memory_space<vmem>>
      %dma_wait3A_143 = arith.constant 0 : i32
      %dma_wait3A_144 = tpu.memref_slice %arg10[%add3A_15, %dma_wait3A_143] : memref<10112x128xf32, #tpu.memory_space<vmem_shared>> -> memref<40x128xf32, #tpu.memory_space<vmem_shared>>
      %dma_wait3A_145 = arith.constant 0 : i32
      %dma_wait3A_146 = tpu.memref_slice %arg10[%add3A_15, %dma_wait3A_145] : memref<10112x128xf32, #tpu.memory_space<vmem_shared>> -> memref<40x128xf32, #tpu.memory_space<vmem_shared>>
      %dma_wait3A_147 = arith.constant 0 : i32
      %dma_wait3A_148 = arith.constant 0 : i32
      %dma_wait3A_149 = tpu.memref_slice %arg8[%dma_wait3A_147, %dma_wait3A_148] : memref<128x128xf32, #tpu.memory_space<vmem>> -> memref<40x128xf32, #tpu.memory_space<vmem>>
      tpu.wait_dma2 semaphore(%run_scoped3A : memref<!tpu.dma_semaphore, #tpu.memory_space<semaphore_mem>>) src(%dma_wait3A_149 : memref<40x128xf32, #tpu.memory_space<vmem>>) dst(%dma_wait3A_146 : memref<40x128xf32, #tpu.memory_space<vmem_shared>>)
      tpu.yield
    }) : () -> ()
    %add3A_16 = arith.constant 80 : i32
    %add3A_17 = arith.addi %mul3A_2, %add3A_16 : i32
    "tpu.region"() ({
      %run_scoped3A = tpu.sem_alloc : memref<!tpu.dma_semaphore, #tpu.memory_space<semaphore_mem>>
      %dma_start3A_130 = arith.constant 0 : i32
      %dma_start3A_131 = arith.constant 0 : i32
      %dma_start3A_132 = tpu.memref_slice %arg8[%dma_start3A_130, %dma_start3A_131] : memref<128x128xf32, #tpu.memory_space<vmem>> -> memref<40x128xf32, #tpu.memory_space<vmem>>
      %dma_start3A_133 = arith.constant 0 : i32
      %dma_start3A_134 = tpu.memref_slice %arg10[%add3A_17, %dma_start3A_133] : memref<10112x128xf32, #tpu.memory_space<vmem_shared>> -> memref<40x128xf32, #tpu.memory_space<vmem_shared>>
      %dma_start3A_135 = arith.constant 0 : i32
      %dma_start3A_136 = tpu.memref_slice %arg10[%add3A_17, %dma_start3A_135] : memref<10112x128xf32, #tpu.memory_space<vmem_shared>> -> memref<40x128xf32, #tpu.memory_space<vmem_shared>>
      %dma_start3A_137 = arith.constant 0 : i32
      %dma_start3A_138 = arith.constant 0 : i32
      %dma_start3A_139 = tpu.memref_slice %arg8[%dma_start3A_137, %dma_start3A_138] : memref<128x128xf32, #tpu.memory_space<vmem>> -> memref<40x128xf32, #tpu.memory_space<vmem>>
      tpu.enqueue_dma source(%dma_start3A_139 : memref<40x128xf32, #tpu.memory_space<vmem>>) target(%dma_start3A_136 : memref<40x128xf32, #tpu.memory_space<vmem_shared>>) target_semaphore(%run_scoped3A : memref<!tpu.dma_semaphore, #tpu.memory_space<semaphore_mem>>)
      %dma_wait3A_140 = arith.constant 0 : i32
      %dma_wait3A_141 = arith.constant 0 : i32
      %dma_wait3A_142 = tpu.memref_slice %arg8[%dma_wait3A_140, %dma_wait3A_141] : memref<128x128xf32, #tpu.memory_space<vmem>> -> memref<40x128xf32, #tpu.memory_space<vmem>>
      %dma_wait3A_143 = arith.constant 0 : i32
      %dma_wait3A_144 = tpu.memref_slice %arg10[%add3A_17, %dma_wait3A_143] : memref<10112x128xf32, #tpu.memory_space<vmem_shared>> -> memref<40x128xf32, #tpu.memory_space<vmem_shared>>
      %dma_wait3A_145 = arith.constant 0 : i32
      %dma_wait3A_146 = tpu.memref_slice %arg10[%add3A_17, %dma_wait3A_145] : memref<10112x128xf32, #tpu.memory_space<vmem_shared>> -> memref<40x128xf32, #tpu.memory_space<vmem_shared>>
      %dma_wait3A_147 = arith.constant 0 : i32
      %dma_wait3A_148 = arith.constant 0 : i32
      %dma_wait3A_149 = tpu.memref_slice %arg8[%dma_wait3A_147, %dma_wait3A_148] : memref<128x128xf32, #tpu.memory_space<vmem>> -> memref<40x128xf32, #tpu.memory_space<vmem>>
      tpu.wait_dma2 semaphore(%run_scoped3A : memref<!tpu.dma_semaphore, #tpu.memory_space<semaphore_mem>>) src(%dma_wait3A_149 : memref<40x128xf32, #tpu.memory_space<vmem>>) dst(%dma_wait3A_146 : memref<40x128xf32, #tpu.memory_space<vmem_shared>>)
      tpu.yield
    }) : () -> ()
    %add3A_18 = arith.constant 120 : i32
    %add3A_19 = arith.addi %mul3A_2, %add3A_18 : i32
    "tpu.region"() ({
      %run_scoped3A = tpu.sem_alloc : memref<!tpu.dma_semaphore, #tpu.memory_space<semaphore_mem>>
      %dma_start3A_130 = arith.constant 0 : i32
      %dma_start3A_131 = arith.constant 0 : i32
      %dma_start3A_132 = tpu.memref_slice %arg8[%dma_start3A_130, %dma_start3A_131] : memref<128x128xf32, #tpu.memory_space<vmem>> -> memref<40x128xf32, #tpu.memory_space<vmem>>
      %dma_start3A_133 = arith.constant 0 : i32
      %dma_start3A_134 = tpu.memref_slice %arg10[%add3A_19, %dma_start3A_133] : memref<10112x128xf32, #tpu.memory_space<vmem_shared>> -> memref<40x128xf32, #tpu.memory_space<vmem_shared>>
      %dma_start3A_135 = arith.constant 0 : i32
      %dma_start3A_136 = tpu.memref_slice %arg10[%add3A_19, %dma_start3A_135] : memref<10112x128xf32, #tpu.memory_space<vmem_shared>> -> memref<40x128xf32, #tpu.memory_space<vmem_shared>>
      %dma_start3A_137 = arith.constant 0 : i32
      %dma_start3A_138 = arith.constant 0 : i32
      %dma_start3A_139 = tpu.memref_slice %arg8[%dma_start3A_137, %dma_start3A_138] : memref<128x128xf32, #tpu.memory_space<vmem>> -> memref<40x128xf32, #tpu.memory_space<vmem>>
      tpu.enqueue_dma source(%dma_start3A_139 : memref<40x128xf32, #tpu.memory_space<vmem>>) target(%dma_start3A_136 : memref<40x128xf32, #tpu.memory_space<vmem_shared>>) target_semaphore(%run_scoped3A : memref<!tpu.dma_semaphore, #tpu.memory_space<semaphore_mem>>)
      %dma_wait3A_140 = arith.constant 0 : i32
      %dma_wait3A_141 = arith.constant 0 : i32
      %dma_wait3A_142 = tpu.memref_slice %arg8[%dma_wait3A_140, %dma_wait3A_141] : memref<128x128xf32, #tpu.memory_space<vmem>> -> memref<40x128xf32, #tpu.memory_space<vmem>>
      %dma_wait3A_143 = arith.constant 0 : i32
      %dma_wait3A_144 = tpu.memref_slice %arg10[%add3A_19, %dma_wait3A_143] : memref<10112x128xf32, #tpu.memory_space<vmem_shared>> -> memref<40x128xf32, #tpu.memory_space<vmem_shared>>
      %dma_wait3A_145 = arith.constant 0 : i32
      %dma_wait3A_146 = tpu.memref_slice %arg10[%add3A_19, %dma_wait3A_145] : memref<10112x128xf32, #tpu.memory_space<vmem_shared>> -> memref<40x128xf32, #tpu.memory_space<vmem_shared>>
      %dma_wait3A_147 = arith.constant 0 : i32
      %dma_wait3A_148 = arith.constant 0 : i32
      %dma_wait3A_149 = tpu.memref_slice %arg8[%dma_wait3A_147, %dma_wait3A_148] : memref<128x128xf32, #tpu.memory_space<vmem>> -> memref<40x128xf32, #tpu.memory_space<vmem>>
      tpu.wait_dma2 semaphore(%run_scoped3A : memref<!tpu.dma_semaphore, #tpu.memory_space<semaphore_mem>>) src(%dma_wait3A_149 : memref<40x128xf32, #tpu.memory_space<vmem>>) dst(%dma_wait3A_146 : memref<40x128xf32, #tpu.memory_space<vmem_shared>>)
      tpu.yield
    }) : () -> ()
    %add3A_20 = arith.constant 160 : i32
    %add3A_21 = arith.addi %mul3A_2, %add3A_20 : i32
    "tpu.region"() ({
      %run_scoped3A = tpu.sem_alloc : memref<!tpu.dma_semaphore, #tpu.memory_space<semaphore_mem>>
      %dma_start3A_130 = arith.constant 0 : i32
      %dma_start3A_131 = arith.constant 0 : i32
      %dma_start3A_132 = tpu.memref_slice %arg8[%dma_start3A_130, %dma_start3A_131] : memref<128x128xf32, #tpu.memory_space<vmem>> -> memref<40x128xf32, #tpu.memory_space<vmem>>
      %dma_start3A_133 = arith.constant 0 : i32
      %dma_start3A_134 = tpu.memref_slice %arg10[%add3A_21, %dma_start3A_133] : memref<10112x128xf32, #tpu.memory_space<vmem_shared>> -> memref<40x128xf32, #tpu.memory_space<vmem_shared>>
      %dma_start3A_135 = arith.constant 0 : i32
      %dma_start3A_136 = tpu.memref_slice %arg10[%add3A_21, %dma_start3A_135] : memref<10112x128xf32, #tpu.memory_space<vmem_shared>> -> memref<40x128xf32, #tpu.memory_space<vmem_shared>>
      %dma_start3A_137 = arith.constant 0 : i32
      %dma_start3A_138 = arith.constant 0 : i32
      %dma_start3A_139 = tpu.memref_slice %arg8[%dma_start3A_137, %dma_start3A_138] : memref<128x128xf32, #tpu.memory_space<vmem>> -> memref<40x128xf32, #tpu.memory_space<vmem>>
      tpu.enqueue_dma source(%dma_start3A_139 : memref<40x128xf32, #tpu.memory_space<vmem>>) target(%dma_start3A_136 : memref<40x128xf32, #tpu.memory_space<vmem_shared>>) target_semaphore(%run_scoped3A : memref<!tpu.dma_semaphore, #tpu.memory_space<semaphore_mem>>)
      %dma_wait3A_140 = arith.constant 0 : i32
      %dma_wait3A_141 = arith.constant 0 : i32
      %dma_wait3A_142 = tpu.memref_slice %arg8[%dma_wait3A_140, %dma_wait3A_141] : memref<128x128xf32, #tpu.memory_space<vmem>> -> memref<40x128xf32, #tpu.memory_space<vmem>>
      %dma_wait3A_143 = arith.constant 0 : i32
      %dma_wait3A_144 = tpu.memref_slice %arg10[%add3A_21, %dma_wait3A_143] : memref<10112x128xf32, #tpu.memory_space<vmem_shared>> -> memref<40x128xf32, #tpu.memory_space<vmem_shared>>
      %dma_wait3A_145 = arith.constant 0 : i32
      %dma_wait3A_146 = tpu.memref_slice %arg10[%add3A_21, %dma_wait3A_145] : memref<10112x128xf32, #tpu.memory_space<vmem_shared>> -> memref<40x128xf32, #tpu.memory_space<vmem_shared>>
      %dma_wait3A_147 = arith.constant 0 : i32
      %dma_wait3A_148 = arith.constant 0 : i32
      %dma_wait3A_149 = tpu.memref_slice %arg8[%dma_wait3A_147, %dma_wait3A_148] : memref<128x128xf32, #tpu.memory_space<vmem>> -> memref<40x128xf32, #tpu.memory_space<vmem>>
      tpu.wait_dma2 semaphore(%run_scoped3A : memref<!tpu.dma_semaphore, #tpu.memory_space<semaphore_mem>>) src(%dma_wait3A_149 : memref<40x128xf32, #tpu.memory_space<vmem>>) dst(%dma_wait3A_146 : memref<40x128xf32, #tpu.memory_space<vmem_shared>>)
      tpu.yield
    }) : () -> ()
    %add3A_22 = arith.constant 200 : i32
    %add3A_23 = arith.addi %mul3A_2, %add3A_22 : i32
    "tpu.region"() ({
      %run_scoped3A = tpu.sem_alloc : memref<!tpu.dma_semaphore, #tpu.memory_space<semaphore_mem>>
      %dma_start3A_130 = arith.constant 0 : i32
      %dma_start3A_131 = arith.constant 0 : i32
      %dma_start3A_132 = tpu.memref_slice %arg8[%dma_start3A_130, %dma_start3A_131] : memref<128x128xf32, #tpu.memory_space<vmem>> -> memref<40x128xf32, #tpu.memory_space<vmem>>
      %dma_start3A_133 = arith.constant 0 : i32
      %dma_start3A_134 = tpu.memref_slice %arg10[%add3A_23, %dma_start3A_133] : memref<10112x128xf32, #tpu.memory_space<vmem_shared>> -> memref<40x128xf32, #tpu.memory_space<vmem_shared>>
      %dma_start3A_135 = arith.constant 0 : i32
      %dma_start3A_136 = tpu.memref_slice %arg10[%add3A_23, %dma_start3A_135] : memref<10112x128xf32, #tpu.memory_space<vmem_shared>> -> memref<40x128xf32, #tpu.memory_space<vmem_shared>>
      %dma_start3A_137 = arith.constant 0 : i32
      %dma_start3A_138 = arith.constant 0 : i32
      %dma_start3A_139 = tpu.memref_slice %arg8[%dma_start3A_137, %dma_start3A_138] : memref<128x128xf32, #tpu.memory_space<vmem>> -> memref<40x128xf32, #tpu.memory_space<vmem>>
      tpu.enqueue_dma source(%dma_start3A_139 : memref<40x128xf32, #tpu.memory_space<vmem>>) target(%dma_start3A_136 : memref<40x128xf32, #tpu.memory_space<vmem_shared>>) target_semaphore(%run_scoped3A : memref<!tpu.dma_semaphore, #tpu.memory_space<semaphore_mem>>)
      %dma_wait3A_140 = arith.constant 0 : i32
      %dma_wait3A_141 = arith.constant 0 : i32
      %dma_wait3A_142 = tpu.memref_slice %arg8[%dma_wait3A_140, %dma_wait3A_141] : memref<128x128xf32, #tpu.memory_space<vmem>> -> memref<40x128xf32, #tpu.memory_space<vmem>>
      %dma_wait3A_143 = arith.constant 0 : i32
      %dma_wait3A_144 = tpu.memref_slice %arg10[%add3A_23, %dma_wait3A_143] : memref<10112x128xf32, #tpu.memory_space<vmem_shared>> -> memref<40x128xf32, #tpu.memory_space<vmem_shared>>
      %dma_wait3A_145 = arith.constant 0 : i32
      %dma_wait3A_146 = tpu.memref_slice %arg10[%add3A_23, %dma_wait3A_145] : memref<10112x128xf32, #tpu.memory_space<vmem_shared>> -> memref<40x128xf32, #tpu.memory_space<vmem_shared>>
      %dma_wait3A_147 = arith.constant 0 : i32
      %dma_wait3A_148 = arith.constant 0 : i32
      %dma_wait3A_149 = tpu.memref_slice %arg8[%dma_wait3A_147, %dma_wait3A_148] : memref<128x128xf32, #tpu.memory_space<vmem>> -> memref<40x128xf32, #tpu.memory_space<vmem>>
      tpu.wait_dma2 semaphore(%run_scoped3A : memref<!tpu.dma_semaphore, #tpu.memory_space<semaphore_mem>>) src(%dma_wait3A_149 : memref<40x128xf32, #tpu.memory_space<vmem>>) dst(%dma_wait3A_146 : memref<40x128xf32, #tpu.memory_space<vmem_shared>>)
      tpu.yield
    }) : () -> ()
    %add3A_24 = arith.constant 240 : i32
    %add3A_25 = arith.addi %mul3A_2, %add3A_24 : i32
    "tpu.region"() ({
      %run_scoped3A = tpu.sem_alloc : memref<!tpu.dma_semaphore, #tpu.memory_space<semaphore_mem>>
      %dma_start3A_130 = arith.constant 0 : i32
      %dma_start3A_131 = arith.constant 0 : i32
      %dma_start3A_132 = tpu.memref_slice %arg8[%dma_start3A_130, %dma_start3A_131] : memref<128x128xf32, #tpu.memory_space<vmem>> -> memref<40x128xf32, #tpu.memory_space<vmem>>
      %dma_start3A_133 = arith.constant 0 : i32
      %dma_start3A_134 = tpu.memref_slice %arg10[%add3A_25, %dma_start3A_133] : memref<10112x128xf32, #tpu.memory_space<vmem_shared>> -> memref<40x128xf32, #tpu.memory_space<vmem_shared>>
      %dma_start3A_135 = arith.constant 0 : i32
      %dma_start3A_136 = tpu.memref_slice %arg10[%add3A_25, %dma_start3A_135] : memref<10112x128xf32, #tpu.memory_space<vmem_shared>> -> memref<40x128xf32, #tpu.memory_space<vmem_shared>>
      %dma_start3A_137 = arith.constant 0 : i32
      %dma_start3A_138 = arith.constant 0 : i32
      %dma_start3A_139 = tpu.memref_slice %arg8[%dma_start3A_137, %dma_start3A_138] : memref<128x128xf32, #tpu.memory_space<vmem>> -> memref<40x128xf32, #tpu.memory_space<vmem>>
      tpu.enqueue_dma source(%dma_start3A_139 : memref<40x128xf32, #tpu.memory_space<vmem>>) target(%dma_start3A_136 : memref<40x128xf32, #tpu.memory_space<vmem_shared>>) target_semaphore(%run_scoped3A : memref<!tpu.dma_semaphore, #tpu.memory_space<semaphore_mem>>)
      %dma_wait3A_140 = arith.constant 0 : i32
      %dma_wait3A_141 = arith.constant 0 : i32
      %dma_wait3A_142 = tpu.memref_slice %arg8[%dma_wait3A_140, %dma_wait3A_141] : memref<128x128xf32, #tpu.memory_space<vmem>> -> memref<40x128xf32, #tpu.memory_space<vmem>>
      %dma_wait3A_143 = arith.constant 0 : i32
      %dma_wait3A_144 = tpu.memref_slice %arg10[%add3A_25, %dma_wait3A_143] : memref<10112x128xf32, #tpu.memory_space<vmem_shared>> -> memref<40x128xf32, #tpu.memory_space<vmem_shared>>
      %dma_wait3A_145 = arith.constant 0 : i32
      %dma_wait3A_146 = tpu.memref_slice %arg10[%add3A_25, %dma_wait3A_145] : memref<10112x128xf32, #tpu.memory_space<vmem_shared>> -> memref<40x128xf32, #tpu.memory_space<vmem_shared>>
      %dma_wait3A_147 = arith.constant 0 : i32
      %dma_wait3A_148 = arith.constant 0 : i32
      %dma_wait3A_149 = tpu.memref_slice %arg8[%dma_wait3A_147, %dma_wait3A_148] : memref<128x128xf32, #tpu.memory_space<vmem>> -> memref<40x128xf32, #tpu.memory_space<vmem>>
      tpu.wait_dma2 semaphore(%run_scoped3A : memref<!tpu.dma_semaphore, #tpu.memory_space<semaphore_mem>>) src(%dma_wait3A_149 : memref<40x128xf32, #tpu.memory_space<vmem>>) dst(%dma_wait3A_146 : memref<40x128xf32, #tpu.memory_space<vmem_shared>>)
      tpu.yield
    }) : () -> ()
    %add3A_26 = arith.constant 280 : i32
    %add3A_27 = arith.addi %mul3A_2, %add3A_26 : i32
    "tpu.region"() ({
      %run_scoped3A = tpu.sem_alloc : memref<!tpu.dma_semaphore, #tpu.memory_space<semaphore_mem>>
      %dma_start3A_130 = arith.constant 0 : i32
      %dma_start3A_131 = arith.constant 0 : i32
      %dma_start3A_132 = tpu.memref_slice %arg8[%dma_start3A_130, %dma_start3A_131] : memref<128x128xf32, #tpu.memory_space<vmem>> -> memref<40x128xf32, #tpu.memory_space<vmem>>
      %dma_start3A_133 = arith.constant 0 : i32
      %dma_start3A_134 = tpu.memref_slice %arg10[%add3A_27, %dma_start3A_133] : memref<10112x128xf32, #tpu.memory_space<vmem_shared>> -> memref<40x128xf32, #tpu.memory_space<vmem_shared>>
      %dma_start3A_135 = arith.constant 0 : i32
      %dma_start3A_136 = tpu.memref_slice %arg10[%add3A_27, %dma_start3A_135] : memref<10112x128xf32, #tpu.memory_space<vmem_shared>> -> memref<40x128xf32, #tpu.memory_space<vmem_shared>>
      %dma_start3A_137 = arith.constant 0 : i32
      %dma_start3A_138 = arith.constant 0 : i32
      %dma_start3A_139 = tpu.memref_slice %arg8[%dma_start3A_137, %dma_start3A_138] : memref<128x128xf32, #tpu.memory_space<vmem>> -> memref<40x128xf32, #tpu.memory_space<vmem>>
      tpu.enqueue_dma source(%dma_start3A_139 : memref<40x128xf32, #tpu.memory_space<vmem>>) target(%dma_start3A_136 : memref<40x128xf32, #tpu.memory_space<vmem_shared>>) target_semaphore(%run_scoped3A : memref<!tpu.dma_semaphore, #tpu.memory_space<semaphore_mem>>)
      %dma_wait3A_140 = arith.constant 0 : i32
      %dma_wait3A_141 = arith.constant 0 : i32
      %dma_wait3A_142 = tpu.memref_slice %arg8[%dma_wait3A_140, %dma_wait3A_141] : memref<128x128xf32, #tpu.memory_space<vmem>> -> memref<40x128xf32, #tpu.memory_space<vmem>>
      %dma_wait3A_143 = arith.constant 0 : i32
      %dma_wait3A_144 = tpu.memref_slice %arg10[%add3A_27, %dma_wait3A_143] : memref<10112x128xf32, #tpu.memory_space<vmem_shared>> -> memref<40x128xf32, #tpu.memory_space<vmem_shared>>
      %dma_wait3A_145 = arith.constant 0 : i32
      %dma_wait3A_146 = tpu.memref_slice %arg10[%add3A_27, %dma_wait3A_145] : memref<10112x128xf32, #tpu.memory_space<vmem_shared>> -> memref<40x128xf32, #tpu.memory_space<vmem_shared>>
      %dma_wait3A_147 = arith.constant 0 : i32
      %dma_wait3A_148 = arith.constant 0 : i32
      %dma_wait3A_149 = tpu.memref_slice %arg8[%dma_wait3A_147, %dma_wait3A_148] : memref<128x128xf32, #tpu.memory_space<vmem>> -> memref<40x128xf32, #tpu.memory_space<vmem>>
      tpu.wait_dma2 semaphore(%run_scoped3A : memref<!tpu.dma_semaphore, #tpu.memory_space<semaphore_mem>>) src(%dma_wait3A_149 : memref<40x128xf32, #tpu.memory_space<vmem>>) dst(%dma_wait3A_146 : memref<40x128xf32, #tpu.memory_space<vmem_shared>>)
      tpu.yield
    }) : () -> ()
    %add3A_28 = arith.constant 320 : i32
    %add3A_29 = arith.addi %mul3A_2, %add3A_28 : i32
    "tpu.region"() ({
      %run_scoped3A = tpu.sem_alloc : memref<!tpu.dma_semaphore, #tpu.memory_space<semaphore_mem>>
      %dma_start3A_130 = arith.constant 0 : i32
      %dma_start3A_131 = arith.constant 0 : i32
      %dma_start3A_132 = tpu.memref_slice %arg8[%dma_start3A_130, %dma_start3A_131] : memref<128x128xf32, #tpu.memory_space<vmem>> -> memref<40x128xf32, #tpu.memory_space<vmem>>
      %dma_start3A_133 = arith.constant 0 : i32
      %dma_start3A_134 = tpu.memref_slice %arg10[%add3A_29, %dma_start3A_133] : memref<10112x128xf32, #tpu.memory_space<vmem_shared>> -> memref<40x128xf32, #tpu.memory_space<vmem_shared>>
      %dma_start3A_135 = arith.constant 0 : i32
      %dma_start3A_136 = tpu.memref_slice %arg10[%add3A_29, %dma_start3A_135] : memref<10112x128xf32, #tpu.memory_space<vmem_shared>> -> memref<40x128xf32, #tpu.memory_space<vmem_shared>>
      %dma_start3A_137 = arith.constant 0 : i32
      %dma_start3A_138 = arith.constant 0 : i32
      %dma_start3A_139 = tpu.memref_slice %arg8[%dma_start3A_137, %dma_start3A_138] : memref<128x128xf32, #tpu.memory_space<vmem>> -> memref<40x128xf32, #tpu.memory_space<vmem>>
      tpu.enqueue_dma source(%dma_start3A_139 : memref<40x128xf32, #tpu.memory_space<vmem>>) target(%dma_start3A_136 : memref<40x128xf32, #tpu.memory_space<vmem_shared>>) target_semaphore(%run_scoped3A : memref<!tpu.dma_semaphore, #tpu.memory_space<semaphore_mem>>)
      %dma_wait3A_140 = arith.constant 0 : i32
      %dma_wait3A_141 = arith.constant 0 : i32
      %dma_wait3A_142 = tpu.memref_slice %arg8[%dma_wait3A_140, %dma_wait3A_141] : memref<128x128xf32, #tpu.memory_space<vmem>> -> memref<40x128xf32, #tpu.memory_space<vmem>>
      %dma_wait3A_143 = arith.constant 0 : i32
      %dma_wait3A_144 = tpu.memref_slice %arg10[%add3A_29, %dma_wait3A_143] : memref<10112x128xf32, #tpu.memory_space<vmem_shared>> -> memref<40x128xf32, #tpu.memory_space<vmem_shared>>
      %dma_wait3A_145 = arith.constant 0 : i32
      %dma_wait3A_146 = tpu.memref_slice %arg10[%add3A_29, %dma_wait3A_145] : memref<10112x128xf32, #tpu.memory_space<vmem_shared>> -> memref<40x128xf32, #tpu.memory_space<vmem_shared>>
      %dma_wait3A_147 = arith.constant 0 : i32
      %dma_wait3A_148 = arith.constant 0 : i32
      %dma_wait3A_149 = tpu.memref_slice %arg8[%dma_wait3A_147, %dma_wait3A_148] : memref<128x128xf32, #tpu.memory_space<vmem>> -> memref<40x128xf32, #tpu.memory_space<vmem>>
      tpu.wait_dma2 semaphore(%run_scoped3A : memref<!tpu.dma_semaphore, #tpu.memory_space<semaphore_mem>>) src(%dma_wait3A_149 : memref<40x128xf32, #tpu.memory_space<vmem>>) dst(%dma_wait3A_146 : memref<40x128xf32, #tpu.memory_space<vmem_shared>>)
      tpu.yield
    }) : () -> ()
    %add3A_30 = arith.constant 360 : i32
    %add3A_31 = arith.addi %mul3A_2, %add3A_30 : i32
    "tpu.region"() ({
      %run_scoped3A = tpu.sem_alloc : memref<!tpu.dma_semaphore, #tpu.memory_space<semaphore_mem>>
      %dma_start3A_130 = arith.constant 0 : i32
      %dma_start3A_131 = arith.constant 0 : i32
      %dma_start3A_132 = tpu.memref_slice %arg8[%dma_start3A_130, %dma_start3A_131] : memref<128x128xf32, #tpu.memory_space<vmem>> -> memref<40x128xf32, #tpu.memory_space<vmem>>
      %dma_start3A_133 = arith.constant 0 : i32
      %dma_start3A_134 = tpu.memref_slice %arg10[%add3A_31, %dma_start3A_133] : memref<10112x128xf32, #tpu.memory_space<vmem_shared>> -> memref<40x128xf32, #tpu.memory_space<vmem_shared>>
      %dma_start3A_135 = arith.constant 0 : i32
      %dma_start3A_136 = tpu.memref_slice %arg10[%add3A_31, %dma_start3A_135] : memref<10112x128xf32, #tpu.memory_space<vmem_shared>> -> memref<40x128xf32, #tpu.memory_space<vmem_shared>>
      %dma_start3A_137 = arith.constant 0 : i32
      %dma_start3A_138 = arith.constant 0 : i32
      %dma_start3A_139 = tpu.memref_slice %arg8[%dma_start3A_137, %dma_start3A_138] : memref<128x128xf32, #tpu.memory_space<vmem>> -> memref<40x128xf32, #tpu.memory_space<vmem>>
      tpu.enqueue_dma source(%dma_start3A_139 : memref<40x128xf32, #tpu.memory_space<vmem>>) target(%dma_start3A_136 : memref<40x128xf32, #tpu.memory_space<vmem_shared>>) target_semaphore(%run_scoped3A : memref<!tpu.dma_semaphore, #tpu.memory_space<semaphore_mem>>)
      %dma_wait3A_140 = arith.constant 0 : i32
      %dma_wait3A_141 = arith.constant 0 : i32
      %dma_wait3A_142 = tpu.memref_slice %arg8[%dma_wait3A_140, %dma_wait3A_141] : memref<128x128xf32, #tpu.memory_space<vmem>> -> memref<40x128xf32, #tpu.memory_space<vmem>>
      %dma_wait3A_143 = arith.constant 0 : i32
      %dma_wait3A_144 = tpu.memref_slice %arg10[%add3A_31, %dma_wait3A_143] : memref<10112x128xf32, #tpu.memory_space<vmem_shared>> -> memref<40x128xf32, #tpu.memory_space<vmem_shared>>
      %dma_wait3A_145 = arith.constant 0 : i32
      %dma_wait3A_146 = tpu.memref_slice %arg10[%add3A_31, %dma_wait3A_145] : memref<10112x128xf32, #tpu.memory_space<vmem_shared>> -> memref<40x128xf32, #tpu.memory_space<vmem_shared>>
      %dma_wait3A_147 = arith.constant 0 : i32
      %dma_wait3A_148 = arith.constant 0 : i32
      %dma_wait3A_149 = tpu.memref_slice %arg8[%dma_wait3A_147, %dma_wait3A_148] : memref<128x128xf32, #tpu.memory_space<vmem>> -> memref<40x128xf32, #tpu.memory_space<vmem>>
      tpu.wait_dma2 semaphore(%run_scoped3A : memref<!tpu.dma_semaphore, #tpu.memory_space<semaphore_mem>>) src(%dma_wait3A_149 : memref<40x128xf32, #tpu.memory_space<vmem>>) dst(%dma_wait3A_146 : memref<40x128xf32, #tpu.memory_space<vmem_shared>>)
      tpu.yield
    }) : () -> ()
    %add3A_32 = arith.constant 400 : i32
    %add3A_33 = arith.addi %mul3A_2, %add3A_32 : i32
    "tpu.region"() ({
      %run_scoped3A = tpu.sem_alloc : memref<!tpu.dma_semaphore, #tpu.memory_space<semaphore_mem>>
      %dma_start3A_130 = arith.constant 0 : i32
      %dma_start3A_131 = arith.constant 0 : i32
      %dma_start3A_132 = tpu.memref_slice %arg8[%dma_start3A_130, %dma_start3A_131] : memref<128x128xf32, #tpu.memory_space<vmem>> -> memref<40x128xf32, #tpu.memory_space<vmem>>
      %dma_start3A_133 = arith.constant 0 : i32
      %dma_start3A_134 = tpu.memref_slice %arg10[%add3A_33, %dma_start3A_133] : memref<10112x128xf32, #tpu.memory_space<vmem_shared>> -> memref<40x128xf32, #tpu.memory_space<vmem_shared>>
      %dma_start3A_135 = arith.constant 0 : i32
      %dma_start3A_136 = tpu.memref_slice %arg10[%add3A_33, %dma_start3A_135] : memref<10112x128xf32, #tpu.memory_space<vmem_shared>> -> memref<40x128xf32, #tpu.memory_space<vmem_shared>>
      %dma_start3A_137 = arith.constant 0 : i32
      %dma_start3A_138 = arith.constant 0 : i32
      %dma_start3A_139 = tpu.memref_slice %arg8[%dma_start3A_137, %dma_start3A_138] : memref<128x128xf32, #tpu.memory_space<vmem>> -> memref<40x128xf32, #tpu.memory_space<vmem>>
      tpu.enqueue_dma source(%dma_start3A_139 : memref<40x128xf32, #tpu.memory_space<vmem>>) target(%dma_start3A_136 : memref<40x128xf32, #tpu.memory_space<vmem_shared>>) target_semaphore(%run_scoped3A : memref<!tpu.dma_semaphore, #tpu.memory_space<semaphore_mem>>)
      %dma_wait3A_140 = arith.constant 0 : i32
      %dma_wait3A_141 = arith.constant 0 : i32
      %dma_wait3A_142 = tpu.memref_slice %arg8[%dma_wait3A_140, %dma_wait3A_141] : memref<128x128xf32, #tpu.memory_space<vmem>> -> memref<40x128xf32, #tpu.memory_space<vmem>>
      %dma_wait3A_143 = arith.constant 0 : i32
      %dma_wait3A_144 = tpu.memref_slice %arg10[%add3A_33, %dma_wait3A_143] : memref<10112x128xf32, #tpu.memory_space<vmem_shared>> -> memref<40x128xf32, #tpu.memory_space<vmem_shared>>
      %dma_wait3A_145 = arith.constant 0 : i32
      %dma_wait3A_146 = tpu.memref_slice %arg10[%add3A_33, %dma_wait3A_145] : memref<10112x128xf32, #tpu.memory_space<vmem_shared>> -> memref<40x128xf32, #tpu.memory_space<vmem_shared>>
      %dma_wait3A_147 = arith.constant 0 : i32
      %dma_wait3A_148 = arith.constant 0 : i32
      %dma_wait3A_149 = tpu.memref_slice %arg8[%dma_wait3A_147, %dma_wait3A_148] : memref<128x128xf32, #tpu.memory_space<vmem>> -> memref<40x128xf32, #tpu.memory_space<vmem>>
      tpu.wait_dma2 semaphore(%run_scoped3A : memref<!tpu.dma_semaphore, #tpu.memory_space<semaphore_mem>>) src(%dma_wait3A_149 : memref<40x128xf32, #tpu.memory_space<vmem>>) dst(%dma_wait3A_146 : memref<40x128xf32, #tpu.memory_space<vmem_shared>>)
      tpu.yield
    }) : () -> ()
    %add3A_34 = arith.constant 440 : i32
    %add3A_35 = arith.addi %mul3A_2, %add3A_34 : i32
    "tpu.region"() ({
      %run_scoped3A = tpu.sem_alloc : memref<!tpu.dma_semaphore, #tpu.memory_space<semaphore_mem>>
      %dma_start3A_130 = arith.constant 0 : i32
      %dma_start3A_131 = arith.constant 0 : i32
      %dma_start3A_132 = tpu.memref_slice %arg8[%dma_start3A_130, %dma_start3A_131] : memref<128x128xf32, #tpu.memory_space<vmem>> -> memref<40x128xf32, #tpu.memory_space<vmem>>
      %dma_start3A_133 = arith.constant 0 : i32
      %dma_start3A_134 = tpu.memref_slice %arg10[%add3A_35, %dma_start3A_133] : memref<10112x128xf32, #tpu.memory_space<vmem_shared>> -> memref<40x128xf32, #tpu.memory_space<vmem_shared>>
      %dma_start3A_135 = arith.constant 0 : i32
      %dma_start3A_136 = tpu.memref_slice %arg10[%add3A_35, %dma_start3A_135] : memref<10112x128xf32, #tpu.memory_space<vmem_shared>> -> memref<40x128xf32, #tpu.memory_space<vmem_shared>>
      %dma_start3A_137 = arith.constant 0 : i32
      %dma_start3A_138 = arith.constant 0 : i32
      %dma_start3A_139 = tpu.memref_slice %arg8[%dma_start3A_137, %dma_start3A_138] : memref<128x128xf32, #tpu.memory_space<vmem>> -> memref<40x128xf32, #tpu.memory_space<vmem>>
      tpu.enqueue_dma source(%dma_start3A_139 : memref<40x128xf32, #tpu.memory_space<vmem>>) target(%dma_start3A_136 : memref<40x128xf32, #tpu.memory_space<vmem_shared>>) target_semaphore(%run_scoped3A : memref<!tpu.dma_semaphore, #tpu.memory_space<semaphore_mem>>)
      %dma_wait3A_140 = arith.constant 0 : i32
      %dma_wait3A_141 = arith.constant 0 : i32
      %dma_wait3A_142 = tpu.memref_slice %arg8[%dma_wait3A_140, %dma_wait3A_141] : memref<128x128xf32, #tpu.memory_space<vmem>> -> memref<40x128xf32, #tpu.memory_space<vmem>>
      %dma_wait3A_143 = arith.constant 0 : i32
      %dma_wait3A_144 = tpu.memref_slice %arg10[%add3A_35, %dma_wait3A_143] : memref<10112x128xf32, #tpu.memory_space<vmem_shared>> -> memref<40x128xf32, #tpu.memory_space<vmem_shared>>
      %dma_wait3A_145 = arith.constant 0 : i32
      %dma_wait3A_146 = tpu.memref_slice %arg10[%add3A_35, %dma_wait3A_145] : memref<10112x128xf32, #tpu.memory_space<vmem_shared>> -> memref<40x128xf32, #tpu.memory_space<vmem_shared>>
      %dma_wait3A_147 = arith.constant 0 : i32
      %dma_wait3A_148 = arith.constant 0 : i32
      %dma_wait3A_149 = tpu.memref_slice %arg8[%dma_wait3A_147, %dma_wait3A_148] : memref<128x128xf32, #tpu.memory_space<vmem>> -> memref<40x128xf32, #tpu.memory_space<vmem>>
      tpu.wait_dma2 semaphore(%run_scoped3A : memref<!tpu.dma_semaphore, #tpu.memory_space<semaphore_mem>>) src(%dma_wait3A_149 : memref<40x128xf32, #tpu.memory_space<vmem>>) dst(%dma_wait3A_146 : memref<40x128xf32, #tpu.memory_space<vmem_shared>>)
      tpu.yield
    }) : () -> ()
    %add3A_36 = arith.constant 480 : i32
    %add3A_37 = arith.addi %mul3A_2, %add3A_36 : i32
    "tpu.region"() ({
      %run_scoped3A = tpu.sem_alloc : memref<!tpu.dma_semaphore, #tpu.memory_space<semaphore_mem>>
      %dma_start3A_130 = arith.constant 0 : i32
      %dma_start3A_131 = arith.constant 0 : i32
      %dma_start3A_132 = tpu.memref_slice %arg8[%dma_start3A_130, %dma_start3A_131] : memref<128x128xf32, #tpu.memory_space<vmem>> -> memref<40x128xf32, #tpu.memory_space<vmem>>
      %dma_start3A_133 = arith.constant 0 : i32
      %dma_start3A_134 = tpu.memref_slice %arg10[%add3A_37, %dma_start3A_133] : memref<10112x128xf32, #tpu.memory_space<vmem_shared>> -> memref<40x128xf32, #tpu.memory_space<vmem_shared>>
      %dma_start3A_135 = arith.constant 0 : i32
      %dma_start3A_136 = tpu.memref_slice %arg10[%add3A_37, %dma_start3A_135] : memref<10112x128xf32, #tpu.memory_space<vmem_shared>> -> memref<40x128xf32, #tpu.memory_space<vmem_shared>>
      %dma_start3A_137 = arith.constant 0 : i32
      %dma_start3A_138 = arith.constant 0 : i32
      %dma_start3A_139 = tpu.memref_slice %arg8[%dma_start3A_137, %dma_start3A_138] : memref<128x128xf32, #tpu.memory_space<vmem>> -> memref<40x128xf32, #tpu.memory_space<vmem>>
      tpu.enqueue_dma source(%dma_start3A_139 : memref<40x128xf32, #tpu.memory_space<vmem>>) target(%dma_start3A_136 : memref<40x128xf32, #tpu.memory_space<vmem_shared>>) target_semaphore(%run_scoped3A : memref<!tpu.dma_semaphore, #tpu.memory_space<semaphore_mem>>)
      %dma_wait3A_140 = arith.constant 0 : i32
      %dma_wait3A_141 = arith.constant 0 : i32
      %dma_wait3A_142 = tpu.memref_slice %arg8[%dma_wait3A_140, %dma_wait3A_141] : memref<128x128xf32, #tpu.memory_space<vmem>> -> memref<40x128xf32, #tpu.memory_space<vmem>>
      %dma_wait3A_143 = arith.constant 0 : i32
      %dma_wait3A_144 = tpu.memref_slice %arg10[%add3A_37, %dma_wait3A_143] : memref<10112x128xf32, #tpu.memory_space<vmem_shared>> -> memref<40x128xf32, #tpu.memory_space<vmem_shared>>
      %dma_wait3A_145 = arith.constant 0 : i32
      %dma_wait3A_146 = tpu.memref_slice %arg10[%add3A_37, %dma_wait3A_145] : memref<10112x128xf32, #tpu.memory_space<vmem_shared>> -> memref<40x128xf32, #tpu.memory_space<vmem_shared>>
      %dma_wait3A_147 = arith.constant 0 : i32
      %dma_wait3A_148 = arith.constant 0 : i32
      %dma_wait3A_149 = tpu.memref_slice %arg8[%dma_wait3A_147, %dma_wait3A_148] : memref<128x128xf32, #tpu.memory_space<vmem>> -> memref<40x128xf32, #tpu.memory_space<vmem>>
      tpu.wait_dma2 semaphore(%run_scoped3A : memref<!tpu.dma_semaphore, #tpu.memory_space<semaphore_mem>>) src(%dma_wait3A_149 : memref<40x128xf32, #tpu.memory_space<vmem>>) dst(%dma_wait3A_146 : memref<40x128xf32, #tpu.memory_space<vmem_shared>>)
      tpu.yield
    }) : () -> ()
    %add3A_38 = arith.constant 520 : i32
    %add3A_39 = arith.addi %mul3A_2, %add3A_38 : i32
    "tpu.region"() ({
      %run_scoped3A = tpu.sem_alloc : memref<!tpu.dma_semaphore, #tpu.memory_space<semaphore_mem>>
      %dma_start3A_130 = arith.constant 0 : i32
      %dma_start3A_131 = arith.constant 0 : i32
      %dma_start3A_132 = tpu.memref_slice %arg8[%dma_start3A_130, %dma_start3A_131] : memref<128x128xf32, #tpu.memory_space<vmem>> -> memref<40x128xf32, #tpu.memory_space<vmem>>
      %dma_start3A_133 = arith.constant 0 : i32
      %dma_start3A_134 = tpu.memref_slice %arg10[%add3A_39, %dma_start3A_133] : memref<10112x128xf32, #tpu.memory_space<vmem_shared>> -> memref<40x128xf32, #tpu.memory_space<vmem_shared>>
      %dma_start3A_135 = arith.constant 0 : i32
      %dma_start3A_136 = tpu.memref_slice %arg10[%add3A_39, %dma_start3A_135] : memref<10112x128xf32, #tpu.memory_space<vmem_shared>> -> memref<40x128xf32, #tpu.memory_space<vmem_shared>>
      %dma_start3A_137 = arith.constant 0 : i32
      %dma_start3A_138 = arith.constant 0 : i32
      %dma_start3A_139 = tpu.memref_slice %arg8[%dma_start3A_137, %dma_start3A_138] : memref<128x128xf32, #tpu.memory_space<vmem>> -> memref<40x128xf32, #tpu.memory_space<vmem>>
      tpu.enqueue_dma source(%dma_start3A_139 : memref<40x128xf32, #tpu.memory_space<vmem>>) target(%dma_start3A_136 : memref<40x128xf32, #tpu.memory_space<vmem_shared>>) target_semaphore(%run_scoped3A : memref<!tpu.dma_semaphore, #tpu.memory_space<semaphore_mem>>)
      %dma_wait3A_140 = arith.constant 0 : i32
      %dma_wait3A_141 = arith.constant 0 : i32
      %dma_wait3A_142 = tpu.memref_slice %arg8[%dma_wait3A_140, %dma_wait3A_141] : memref<128x128xf32, #tpu.memory_space<vmem>> -> memref<40x128xf32, #tpu.memory_space<vmem>>
      %dma_wait3A_143 = arith.constant 0 : i32
      %dma_wait3A_144 = tpu.memref_slice %arg10[%add3A_39, %dma_wait3A_143] : memref<10112x128xf32, #tpu.memory_space<vmem_shared>> -> memref<40x128xf32, #tpu.memory_space<vmem_shared>>
      %dma_wait3A_145 = arith.constant 0 : i32
      %dma_wait3A_146 = tpu.memref_slice %arg10[%add3A_39, %dma_wait3A_145] : memref<10112x128xf32, #tpu.memory_space<vmem_shared>> -> memref<40x128xf32, #tpu.memory_space<vmem_shared>>
      %dma_wait3A_147 = arith.constant 0 : i32
      %dma_wait3A_148 = arith.constant 0 : i32
      %dma_wait3A_149 = tpu.memref_slice %arg8[%dma_wait3A_147, %dma_wait3A_148] : memref<128x128xf32, #tpu.memory_space<vmem>> -> memref<40x128xf32, #tpu.memory_space<vmem>>
      tpu.wait_dma2 semaphore(%run_scoped3A : memref<!tpu.dma_semaphore, #tpu.memory_space<semaphore_mem>>) src(%dma_wait3A_149 : memref<40x128xf32, #tpu.memory_space<vmem>>) dst(%dma_wait3A_146 : memref<40x128xf32, #tpu.memory_space<vmem_shared>>)
      tpu.yield
    }) : () -> ()
    %add3A_40 = arith.constant 560 : i32
    %add3A_41 = arith.addi %mul3A_2, %add3A_40 : i32
    "tpu.region"() ({
      %run_scoped3A = tpu.sem_alloc : memref<!tpu.dma_semaphore, #tpu.memory_space<semaphore_mem>>
      %dma_start3A_130 = arith.constant 0 : i32
      %dma_start3A_131 = arith.constant 0 : i32
      %dma_start3A_132 = tpu.memref_slice %arg8[%dma_start3A_130, %dma_start3A_131] : memref<128x128xf32, #tpu.memory_space<vmem>> -> memref<40x128xf32, #tpu.memory_space<vmem>>
      %dma_start3A_133 = arith.constant 0 : i32
      %dma_start3A_134 = tpu.memref_slice %arg10[%add3A_41, %dma_start3A_133] : memref<10112x128xf32, #tpu.memory_space<vmem_shared>> -> memref<40x128xf32, #tpu.memory_space<vmem_shared>>
      %dma_start3A_135 = arith.constant 0 : i32
      %dma_start3A_136 = tpu.memref_slice %arg10[%add3A_41, %dma_start3A_135] : memref<10112x128xf32, #tpu.memory_space<vmem_shared>> -> memref<40x128xf32, #tpu.memory_space<vmem_shared>>
      %dma_start3A_137 = arith.constant 0 : i32
      %dma_start3A_138 = arith.constant 0 : i32
      %dma_start3A_139 = tpu.memref_slice %arg8[%dma_start3A_137, %dma_start3A_138] : memref<128x128xf32, #tpu.memory_space<vmem>> -> memref<40x128xf32, #tpu.memory_space<vmem>>
      tpu.enqueue_dma source(%dma_start3A_139 : memref<40x128xf32, #tpu.memory_space<vmem>>) target(%dma_start3A_136 : memref<40x128xf32, #tpu.memory_space<vmem_shared>>) target_semaphore(%run_scoped3A : memref<!tpu.dma_semaphore, #tpu.memory_space<semaphore_mem>>)
      %dma_wait3A_140 = arith.constant 0 : i32
      %dma_wait3A_141 = arith.constant 0 : i32
      %dma_wait3A_142 = tpu.memref_slice %arg8[%dma_wait3A_140, %dma_wait3A_141] : memref<128x128xf32, #tpu.memory_space<vmem>> -> memref<40x128xf32, #tpu.memory_space<vmem>>
      %dma_wait3A_143 = arith.constant 0 : i32
      %dma_wait3A_144 = tpu.memref_slice %arg10[%add3A_41, %dma_wait3A_143] : memref<10112x128xf32, #tpu.memory_space<vmem_shared>> -> memref<40x128xf32, #tpu.memory_space<vmem_shared>>
      %dma_wait3A_145 = arith.constant 0 : i32
      %dma_wait3A_146 = tpu.memref_slice %arg10[%add3A_41, %dma_wait3A_145] : memref<10112x128xf32, #tpu.memory_space<vmem_shared>> -> memref<40x128xf32, #tpu.memory_space<vmem_shared>>
      %dma_wait3A_147 = arith.constant 0 : i32
      %dma_wait3A_148 = arith.constant 0 : i32
      %dma_wait3A_149 = tpu.memref_slice %arg8[%dma_wait3A_147, %dma_wait3A_148] : memref<128x128xf32, #tpu.memory_space<vmem>> -> memref<40x128xf32, #tpu.memory_space<vmem>>
      tpu.wait_dma2 semaphore(%run_scoped3A : memref<!tpu.dma_semaphore, #tpu.memory_space<semaphore_mem>>) src(%dma_wait3A_149 : memref<40x128xf32, #tpu.memory_space<vmem>>) dst(%dma_wait3A_146 : memref<40x128xf32, #tpu.memory_space<vmem_shared>>)
      tpu.yield
    }) : () -> ()
    %add3A_42 = arith.constant 600 : i32
    %add3A_43 = arith.addi %mul3A_2, %add3A_42 : i32
    "tpu.region"() ({
      %run_scoped3A = tpu.sem_alloc : memref<!tpu.dma_semaphore, #tpu.memory_space<semaphore_mem>>
      %dma_start3A_130 = arith.constant 0 : i32
      %dma_start3A_131 = arith.constant 0 : i32
      %dma_start3A_132 = tpu.memref_slice %arg8[%dma_start3A_130, %dma_start3A_131] : memref<128x128xf32, #tpu.memory_space<vmem>> -> memref<32x128xf32, #tpu.memory_space<vmem>>
      %dma_start3A_133 = arith.constant 0 : i32
      %dma_start3A_134 = tpu.memref_slice %arg10[%add3A_43, %dma_start3A_133] : memref<10112x128xf32, #tpu.memory_space<vmem_shared>> -> memref<32x128xf32, #tpu.memory_space<vmem_shared>>
      %dma_start3A_135 = arith.constant 0 : i32
      %dma_start3A_136 = tpu.memref_slice %arg10[%add3A_43, %dma_start3A_135] : memref<10112x128xf32, #tpu.memory_space<vmem_shared>> -> memref<32x128xf32, #tpu.memory_space<vmem_shared>>
      %dma_start3A_137 = arith.constant 0 : i32
      %dma_start3A_138 = arith.constant 0 : i32
      %dma_start3A_139 = tpu.memref_slice %arg8[%dma_start3A_137, %dma_start3A_138] : memref<128x128xf32, #tpu.memory_space<vmem>> -> memref<32x128xf32, #tpu.memory_space<vmem>>
      tpu.enqueue_dma source(%dma_start3A_139 : memref<32x128xf32, #tpu.memory_space<vmem>>) target(%dma_start3A_136 : memref<32x128xf32, #tpu.memory_space<vmem_shared>>) target_semaphore(%run_scoped3A : memref<!tpu.dma_semaphore, #tpu.memory_space<semaphore_mem>>)
      %dma_wait3A_140 = arith.constant 0 : i32
      %dma_wait3A_141 = arith.constant 0 : i32
      %dma_wait3A_142 = tpu.memref_slice %arg8[%dma_wait3A_140, %dma_wait3A_141] : memref<128x128xf32, #tpu.memory_space<vmem>> -> memref<32x128xf32, #tpu.memory_space<vmem>>
      %dma_wait3A_143 = arith.constant 0 : i32
      %dma_wait3A_144 = tpu.memref_slice %arg10[%add3A_43, %dma_wait3A_143] : memref<10112x128xf32, #tpu.memory_space<vmem_shared>> -> memref<32x128xf32, #tpu.memory_space<vmem_shared>>
      %dma_wait3A_145 = arith.constant 0 : i32
      %dma_wait3A_146 = tpu.memref_slice %arg10[%add3A_43, %dma_wait3A_145] : memref<10112x128xf32, #tpu.memory_space<vmem_shared>> -> memref<32x128xf32, #tpu.memory_space<vmem_shared>>
      %dma_wait3A_147 = arith.constant 0 : i32
      %dma_wait3A_148 = arith.constant 0 : i32
      %dma_wait3A_149 = tpu.memref_slice %arg8[%dma_wait3A_147, %dma_wait3A_148] : memref<128x128xf32, #tpu.memory_space<vmem>> -> memref<32x128xf32, #tpu.memory_space<vmem>>
      tpu.wait_dma2 semaphore(%run_scoped3A : memref<!tpu.dma_semaphore, #tpu.memory_space<semaphore_mem>>) src(%dma_wait3A_149 : memref<32x128xf32, #tpu.memory_space<vmem>>) dst(%dma_wait3A_146 : memref<32x128xf32, #tpu.memory_space<vmem_shared>>)
      tpu.yield
    }) : () -> ()
    %dma_wait3A = arith.constant 0 : i32
    %dma_wait3A_44 = arith.constant 0 : i32
    %dma_wait3A_45 = tpu.memref_slice %arg3[%mul3A_4, %dma_wait3A, %dma_wait3A_44] : memref<2500x2x128xi32, #tpu.memory_space<hbm>> -> memref<26x2x128xi32, #tpu.memory_space<hbm>>
    %dma_wait3A_46 = arith.constant 0 : i32
    %dma_wait3A_47 = arith.constant 0 : i32
    %dma_wait3A_48 = tpu.memref_slice %arg3[%mul3A_4, %dma_wait3A_46, %dma_wait3A_47] : memref<2500x2x128xi32, #tpu.memory_space<hbm>> -> memref<26x2x128xi32, #tpu.memory_space<hbm>>
    tpu.wait_dma2 semaphore(%arg11 : memref<!tpu.dma_semaphore, #tpu.memory_space<semaphore_mem>>) src(%dma_wait3A_48 : memref<26x2x128xi32, #tpu.memory_space<hbm>>) dst(%arg6 : memref<26x2x128xi32, #tpu.memory_space<vmem>>)
    %add3A_49 = arith.constant 26 : i32
    %add3A_50 = arith.addi %mul3A_4, %add3A_49 : i32
    %dma_start3A_51 = arith.constant 0 : i32
    %dma_start3A_52 = arith.constant 0 : i32
    %dma_start3A_53 = tpu.memref_slice %arg3[%add3A_50, %dma_start3A_51, %dma_start3A_52] : memref<2500x2x128xi32, #tpu.memory_space<hbm>> -> memref<26x2x128xi32, #tpu.memory_space<hbm>>
    %dma_start3A_54 = arith.constant 0 : i32
    %dma_start3A_55 = arith.constant 0 : i32
    %dma_start3A_56 = tpu.memref_slice %arg3[%add3A_50, %dma_start3A_54, %dma_start3A_55] : memref<2500x2x128xi32, #tpu.memory_space<hbm>> -> memref<26x2x128xi32, #tpu.memory_space<hbm>>
    tpu.enqueue_dma source(%dma_start3A_56 : memref<26x2x128xi32, #tpu.memory_space<hbm>>) target(%arg7 : memref<26x2x128xi32, #tpu.memory_space<vmem>>) target_semaphore(%arg12 : memref<!tpu.dma_semaphore, #tpu.memory_space<semaphore_mem>>)
    %dma_start3A_57 = arith.constant 0 : i32
    %dma_start3A_58 = arith.constant 0 : i32
    %dma_start3A_59 = arith.constant 0 : i32
    %dma_start3A_60 = tpu.memref_slice %arg6[%dma_start3A_57, %dma_start3A_58, %dma_start3A_59] : memref<26x2x128xi32, #tpu.memory_space<vmem>> -> memref<1x1x128xi32, #tpu.memory_space<vmem>>
    %dma_start3A_61 = tpu.memref_squeeze %dma_start3A_60 : memref<1x1x128xi32, #tpu.memory_space<vmem>> -> memref<128xi32, #tpu.memory_space<vmem>>
    %dma_start3A_62 = arith.constant 0 : i32
    %dma_start3A_63 = arith.constant 0 : i32
    %dma_start3A_64 = tpu.memref_slice %arg2[%dma_start3A_62, %dma_start3A_63] : memref<10000x128xf32, #tpu.memory_space<hbm>> -> memref<10000x128xf32, #tpu.memory_space<hbm>>
    tpu.enqueue_indirect_dma source(%dma_start3A_64 : memref<10000x128xf32, #tpu.memory_space<hbm>>) target(%arg9 : memref<128x128xf32, #tpu.memory_space<vmem>>) offsets(%dma_start3A_61 : memref<128xi32, #tpu.memory_space<vmem>>) semaphore(%arg14 : memref<!tpu.dma_semaphore, #tpu.memory_space<semaphore_mem>>)
    %barrier3A = arith.constant 0 : index
    tpu.barrier barrier_id(%barrier3A)
    %scan3A = arith.constant 0 : i32
    %scan3A_65 = arith.constant 0 : i32
    %scan3A_66 = arith.constant 13 : i32
    %scan3A_67 = arith.addi %scan3A_65, %scan3A_66 : i32
    %scan3A_68 = arith.constant 1 : i32
    scf.for %scan3A_130 = %scan3A_65 to %scan3A_67 step %scan3A_68  : i32 {
      %mul3A_131 = arith.constant 2 : i32
      %mul3A_132 = arith.muli %mul3A_131, %scan3A_130 : i32
      %dma_wait3A_133 = arith.constant 0 : i32
      %dma_wait3A_134 = arith.constant 0 : i32
      %dma_wait3A_135 = arith.constant 0 : i32
      %dma_wait3A_136 = tpu.memref_slice %arg6[%dma_wait3A_133, %dma_wait3A_134, %dma_wait3A_135] : memref<26x2x128xi32, #tpu.memory_space<vmem>> -> memref<1x1x128xi32, #tpu.memory_space<vmem>>
      %dma_wait3A_137 = tpu.memref_squeeze %dma_wait3A_136 : memref<1x1x128xi32, #tpu.memory_space<vmem>> -> memref<128xi32, #tpu.memory_space<vmem>>
      %dma_wait3A_138 = arith.constant 0 : i32
      %dma_wait3A_139 = arith.constant 0 : i32
      %dma_wait3A_140 = tpu.memref_slice %arg2[%dma_wait3A_138, %dma_wait3A_139] : memref<10000x128xf32, #tpu.memory_space<hbm>> -> memref<10000x128xf32, #tpu.memory_space<hbm>>
      tpu.wait_indirect_dma semaphore(%arg14 : memref<!tpu.dma_semaphore, #tpu.memory_space<semaphore_mem>>) src(%dma_wait3A_140 : memref<10000x128xf32, #tpu.memory_space<hbm>>) dst(%arg9 : memref<128x128xf32, #tpu.memory_space<vmem>>)
      %add3A_141 = arith.constant 1 : i32
      %add3A_142 = arith.addi %mul3A_132, %add3A_141 : i32
      %dma_start3A_143 = arith.constant 0 : i32
      %dma_start3A_144 = arith.constant 0 : i32
      %dma_start3A_145 = tpu.memref_slice %arg6[%add3A_142, %dma_start3A_143, %dma_start3A_144] : memref<26x2x128xi32, #tpu.memory_space<vmem>> -> memref<1x1x128xi32, #tpu.memory_space<vmem>>
      %dma_start3A_146 = tpu.memref_squeeze %dma_start3A_145 : memref<1x1x128xi32, #tpu.memory_space<vmem>> -> memref<128xi32, #tpu.memory_space<vmem>>
      %dma_start3A_147 = arith.constant 0 : i32
      %dma_start3A_148 = arith.constant 0 : i32
      %dma_start3A_149 = tpu.memref_slice %arg2[%dma_start3A_147, %dma_start3A_148] : memref<10000x128xf32, #tpu.memory_space<hbm>> -> memref<10000x128xf32, #tpu.memory_space<hbm>>
      tpu.enqueue_indirect_dma source(%dma_start3A_149 : memref<10000x128xf32, #tpu.memory_space<hbm>>) target(%arg8 : memref<128x128xf32, #tpu.memory_space<vmem>>) offsets(%dma_start3A_146 : memref<128xi32, #tpu.memory_space<vmem>>) semaphore(%arg13 : memref<!tpu.dma_semaphore, #tpu.memory_space<semaphore_mem>>)
      %dma_start3A_150 = arith.constant 1 : i32
      %dma_start3A_151 = arith.constant 0 : i32
      %dma_start3A_152 = tpu.memref_slice %arg6[%mul3A_132, %dma_start3A_150, %dma_start3A_151] : memref<26x2x128xi32, #tpu.memory_space<vmem>> -> memref<1x1x128xi32, #tpu.memory_space<vmem>>
      %dma_start3A_153 = tpu.memref_squeeze %dma_start3A_152 : memref<1x1x128xi32, #tpu.memory_space<vmem>> -> memref<128xi32, #tpu.memory_space<vmem>>
      %dma_start3A_154 = arith.constant 0 : i32
      %dma_start3A_155 = arith.constant 0 : i32
      %dma_start3A_156 = tpu.memref_slice %arg10[%dma_start3A_154, %dma_start3A_155] : memref<10112x128xf32, #tpu.memory_space<vmem_shared>> -> memref<10112x128xf32, #tpu.memory_space<vmem_shared>>
      tpu.enqueue_indirect_dma source(%arg9 : memref<128x128xf32, #tpu.memory_space<vmem>>) target(%dma_start3A_156 : memref<10112x128xf32, #tpu.memory_space<vmem_shared>>) offsets(%dma_start3A_153 : memref<128xi32, #tpu.memory_space<vmem>>) semaphore(%arg16 : memref<!tpu.dma_semaphore, #tpu.memory_space<semaphore_mem>>) {add = true}
      %dma_wait3A_157 = arith.constant 0 : i32
      %dma_wait3A_158 = arith.constant 0 : i32
      %dma_wait3A_159 = arith.constant 0 : i32
      %dma_wait3A_160 = tpu.memref_slice %arg6[%dma_wait3A_157, %dma_wait3A_158, %dma_wait3A_159] : memref<26x2x128xi32, #tpu.memory_space<vmem>> -> memref<1x1x128xi32, #tpu.memory_space<vmem>>
      %dma_wait3A_161 = tpu.memref_squeeze %dma_wait3A_160 : memref<1x1x128xi32, #tpu.memory_space<vmem>> -> memref<128xi32, #tpu.memory_space<vmem>>
      %dma_wait3A_162 = arith.constant 0 : i32
      %dma_wait3A_163 = arith.constant 0 : i32
      %dma_wait3A_164 = tpu.memref_slice %arg2[%dma_wait3A_162, %dma_wait3A_163] : memref<10000x128xf32, #tpu.memory_space<hbm>> -> memref<10000x128xf32, #tpu.memory_space<hbm>>
      tpu.wait_indirect_dma semaphore(%arg13 : memref<!tpu.dma_semaphore, #tpu.memory_space<semaphore_mem>>) src(%dma_wait3A_164 : memref<10000x128xf32, #tpu.memory_space<hbm>>) dst(%arg8 : memref<128x128xf32, #tpu.memory_space<vmem>>)
      %dma_wait3A_165 = arith.constant 0 : i32
      %dma_wait3A_166 = arith.constant 1 : i32
      %dma_wait3A_167 = arith.constant 0 : i32
      %dma_wait3A_168 = tpu.memref_slice %arg6[%dma_wait3A_165, %dma_wait3A_166, %dma_wait3A_167] : memref<26x2x128xi32, #tpu.memory_space<vmem>> -> memref<1x1x128xi32, #tpu.memory_space<vmem>>
      %dma_wait3A_169 = tpu.memref_squeeze %dma_wait3A_168 : memref<1x1x128xi32, #tpu.memory_space<vmem>> -> memref<128xi32, #tpu.memory_space<vmem>>
      %dma_wait3A_170 = arith.constant 0 : i32
      %dma_wait3A_171 = arith.constant 0 : i32
      %dma_wait3A_172 = tpu.memref_slice %arg10[%dma_wait3A_170, %dma_wait3A_171] : memref<10112x128xf32, #tpu.memory_space<vmem_shared>> -> memref<10112x128xf32, #tpu.memory_space<vmem_shared>>
      tpu.wait_indirect_dma semaphore(%arg16 : memref<!tpu.dma_semaphore, #tpu.memory_space<semaphore_mem>>) src(%arg9 : memref<128x128xf32, #tpu.memory_space<vmem>>) dst(%dma_wait3A_172 : memref<10112x128xf32, #tpu.memory_space<vmem_shared>>)
      %add3A_173 = arith.constant 2 : i32
      %add3A_174 = arith.addi %mul3A_132, %add3A_173 : i32
      %lt3A_175 = arith.constant 26 : i32
      %lt3A_176 = arith.cmpi slt, %add3A_174, %lt3A_175 : i32
      %convert_element_type3A_177 = arith.extui %lt3A_176 : i1 to i32
      %cond3A_178 = arith.constant 0 : i32
      %cond3A_179 = arith.cmpi ne, %convert_element_type3A_177, %cond3A_178 : i32
      scf.if %cond3A_179 {
        %add3A_197 = arith.constant 2 : i32
        %add3A_198 = arith.addi %mul3A_132, %add3A_197 : i32
        %dma_start3A_199 = arith.constant 0 : i32
        %dma_start3A_200 = arith.constant 0 : i32
        %dma_start3A_201 = tpu.memref_slice %arg6[%add3A_198, %dma_start3A_199, %dma_start3A_200] : memref<26x2x128xi32, #tpu.memory_space<vmem>> -> memref<1x1x128xi32, #tpu.memory_space<vmem>>
        %dma_start3A_202 = tpu.memref_squeeze %dma_start3A_201 : memref<1x1x128xi32, #tpu.memory_space<vmem>> -> memref<128xi32, #tpu.memory_space<vmem>>
        %dma_start3A_203 = arith.constant 0 : i32
        %dma_start3A_204 = arith.constant 0 : i32
        %dma_start3A_205 = tpu.memref_slice %arg2[%dma_start3A_203, %dma_start3A_204] : memref<10000x128xf32, #tpu.memory_space<hbm>> -> memref<10000x128xf32, #tpu.memory_space<hbm>>
        tpu.enqueue_indirect_dma source(%dma_start3A_205 : memref<10000x128xf32, #tpu.memory_space<hbm>>) target(%arg9 : memref<128x128xf32, #tpu.memory_space<vmem>>) offsets(%dma_start3A_202 : memref<128xi32, #tpu.memory_space<vmem>>) semaphore(%arg14 : memref<!tpu.dma_semaphore, #tpu.memory_space<semaphore_mem>>)
      } else {
      }
      %add3A_180 = arith.constant 1 : i32
      %add3A_181 = arith.addi %mul3A_132, %add3A_180 : i32
      %dma_start3A_182 = arith.constant 1 : i32
      %dma_start3A_183 = arith.constant 0 : i32
      %dma_start3A_184 = tpu.memref_slice %arg6[%add3A_181, %dma_start3A_182, %dma_start3A_183] : memref<26x2x128xi32, #tpu.memory_space<vmem>> -> memref<1x1x128xi32, #tpu.memory_space<vmem>>
      %dma_start3A_185 = tpu.memref_squeeze %dma_start3A_184 : memref<1x1x128xi32, #tpu.memory_space<vmem>> -> memref<128xi32, #tpu.memory_space<vmem>>
      %dma_start3A_186 = arith.constant 0 : i32
      %dma_start3A_187 = arith.constant 0 : i32
      %dma_start3A_188 = tpu.memref_slice %arg10[%dma_start3A_186, %dma_start3A_187] : memref<10112x128xf32, #tpu.memory_space<vmem_shared>> -> memref<10112x128xf32, #tpu.memory_space<vmem_shared>>
      tpu.enqueue_indirect_dma source(%arg8 : memref<128x128xf32, #tpu.memory_space<vmem>>) target(%dma_start3A_188 : memref<10112x128xf32, #tpu.memory_space<vmem_shared>>) offsets(%dma_start3A_185 : memref<128xi32, #tpu.memory_space<vmem>>) semaphore(%arg15 : memref<!tpu.dma_semaphore, #tpu.memory_space<semaphore_mem>>) {add = true}
      %dma_wait3A_189 = arith.constant 0 : i32
      %dma_wait3A_190 = arith.constant 1 : i32
      %dma_wait3A_191 = arith.constant 0 : i32
      %dma_wait3A_192 = tpu.memref_slice %arg6[%dma_wait3A_189, %dma_wait3A_190, %dma_wait3A_191] : memref<26x2x128xi32, #tpu.memory_space<vmem>> -> memref<1x1x128xi32, #tpu.memory_space<vmem>>
      %dma_wait3A_193 = tpu.memref_squeeze %dma_wait3A_192 : memref<1x1x128xi32, #tpu.memory_space<vmem>> -> memref<128xi32, #tpu.memory_space<vmem>>
      %dma_wait3A_194 = arith.constant 0 : i32
      %dma_wait3A_195 = arith.constant 0 : i32
      %dma_wait3A_196 = tpu.memref_slice %arg10[%dma_wait3A_194, %dma_wait3A_195] : memref<10112x128xf32, #tpu.memory_space<vmem_shared>> -> memref<10112x128xf32, #tpu.memory_space<vmem_shared>>
      tpu.wait_indirect_dma semaphore(%arg15 : memref<!tpu.dma_semaphore, #tpu.memory_space<semaphore_mem>>) src(%arg8 : memref<128x128xf32, #tpu.memory_space<vmem>>) dst(%dma_wait3A_196 : memref<10112x128xf32, #tpu.memory_space<vmem_shared>>)
    }
    %scan3A_69 = arith.constant 13 : i32
    %dma_wait3A_70 = arith.constant 0 : i32
    %dma_wait3A_71 = arith.constant 0 : i32
    %dma_wait3A_72 = tpu.memref_slice %arg3[%mul3A_4, %dma_wait3A_70, %dma_wait3A_71] : memref<2500x2x128xi32, #tpu.memory_space<hbm>> -> memref<26x2x128xi32, #tpu.memory_space<hbm>>
    %dma_wait3A_73 = arith.constant 0 : i32
    %dma_wait3A_74 = arith.constant 0 : i32
    %dma_wait3A_75 = tpu.memref_slice %arg3[%mul3A_4, %dma_wait3A_73, %dma_wait3A_74] : memref<2500x2x128xi32, #tpu.memory_space<hbm>> -> memref<26x2x128xi32, #tpu.memory_space<hbm>>
    tpu.wait_dma2 semaphore(%arg12 : memref<!tpu.dma_semaphore, #tpu.memory_space<semaphore_mem>>) src(%dma_wait3A_75 : memref<26x2x128xi32, #tpu.memory_space<hbm>>) dst(%arg7 : memref<26x2x128xi32, #tpu.memory_space<vmem>>)
    %add3A_76 = arith.constant 52 : i32
    %add3A_77 = arith.addi %mul3A_4, %add3A_76 : i32
    %dma_start3A_78 = arith.constant 0 : i32
    %dma_start3A_79 = arith.constant 0 : i32
    %dma_start3A_80 = tpu.memref_slice %arg3[%add3A_77, %dma_start3A_78, %dma_start3A_79] : memref<2500x2x128xi32, #tpu.memory_space<hbm>> -> memref<26x2x128xi32, #tpu.memory_space<hbm>>
    %dma_start3A_81 = arith.constant 0 : i32
    %dma_start3A_82 = arith.constant 0 : i32
    %dma_start3A_83 = tpu.memref_slice %arg3[%add3A_77, %dma_start3A_81, %dma_start3A_82] : memref<2500x2x128xi32, #tpu.memory_space<hbm>> -> memref<26x2x128xi32, #tpu.memory_space<hbm>>
    tpu.enqueue_dma source(%dma_start3A_83 : memref<26x2x128xi32, #tpu.memory_space<hbm>>) target(%arg6 : memref<26x2x128xi32, #tpu.memory_space<vmem>>) target_semaphore(%arg11 : memref<!tpu.dma_semaphore, #tpu.memory_space<semaphore_mem>>)
    %dma_start3A_84 = arith.constant 0 : i32
    %dma_start3A_85 = arith.constant 0 : i32
    %dma_start3A_86 = arith.constant 0 : i32
    %dma_start3A_87 = tpu.memref_slice %arg7[%dma_start3A_84, %dma_start3A_85, %dma_start3A_86] : memref<26x2x128xi32, #tpu.memory_space<vmem>> -> memref<1x1x128xi32, #tpu.memory_space<vmem>>
    %dma_start3A_88 = tpu.memref_squeeze %dma_start3A_87 : memref<1x1x128xi32, #tpu.memory_space<vmem>> -> memref<128xi32, #tpu.memory_space<vmem>>
    %dma_start3A_89 = arith.constant 0 : i32
    %dma_start3A_90 = arith.constant 0 : i32
    %dma_start3A_91 = tpu.memref_slice %arg2[%dma_start3A_89, %dma_start3A_90] : memref<10000x128xf32, #tpu.memory_space<hbm>> -> memref<10000x128xf32, #tpu.memory_space<hbm>>
    tpu.enqueue_indirect_dma source(%dma_start3A_91 : memref<10000x128xf32, #tpu.memory_space<hbm>>) target(%arg9 : memref<128x128xf32, #tpu.memory_space<vmem>>) offsets(%dma_start3A_88 : memref<128xi32, #tpu.memory_space<vmem>>) semaphore(%arg14 : memref<!tpu.dma_semaphore, #tpu.memory_space<semaphore_mem>>)
    %scan3A_92 = arith.constant 0 : i32
    %scan3A_93 = arith.constant 0 : i32
    %scan3A_94 = arith.constant 13 : i32
    %scan3A_95 = arith.addi %scan3A_93, %scan3A_94 : i32
    %scan3A_96 = arith.constant 1 : i32
    scf.for %scan3A_130 = %scan3A_93 to %scan3A_95 step %scan3A_96  : i32 {
      %mul3A_131 = arith.constant 2 : i32
      %mul3A_132 = arith.muli %mul3A_131, %scan3A_130 : i32
      %dma_wait3A_133 = arith.constant 0 : i32
      %dma_wait3A_134 = arith.constant 0 : i32
      %dma_wait3A_135 = arith.constant 0 : i32
      %dma_wait3A_136 = tpu.memref_slice %arg6[%dma_wait3A_133, %dma_wait3A_134, %dma_wait3A_135] : memref<26x2x128xi32, #tpu.memory_space<vmem>> -> memref<1x1x128xi32, #tpu.memory_space<vmem>>
      %dma_wait3A_137 = tpu.memref_squeeze %dma_wait3A_136 : memref<1x1x128xi32, #tpu.memory_space<vmem>> -> memref<128xi32, #tpu.memory_space<vmem>>
      %dma_wait3A_138 = arith.constant 0 : i32
      %dma_wait3A_139 = arith.constant 0 : i32
      %dma_wait3A_140 = tpu.memref_slice %arg2[%dma_wait3A_138, %dma_wait3A_139] : memref<10000x128xf32, #tpu.memory_space<hbm>> -> memref<10000x128xf32, #tpu.memory_space<hbm>>
      tpu.wait_indirect_dma semaphore(%arg14 : memref<!tpu.dma_semaphore, #tpu.memory_space<semaphore_mem>>) src(%dma_wait3A_140 : memref<10000x128xf32, #tpu.memory_space<hbm>>) dst(%arg9 : memref<128x128xf32, #tpu.memory_space<vmem>>)
      %add3A_141 = arith.constant 1 : i32
      %add3A_142 = arith.addi %mul3A_132, %add3A_141 : i32
      %dma_start3A_143 = arith.constant 0 : i32
      %dma_start3A_144 = arith.constant 0 : i32
      %dma_start3A_145 = tpu.memref_slice %arg7[%add3A_142, %dma_start3A_143, %dma_start3A_144] : memref<26x2x128xi32, #tpu.memory_space<vmem>> -> memref<1x1x128xi32, #tpu.memory_space<vmem>>
      %dma_start3A_146 = tpu.memref_squeeze %dma_start3A_145 : memref<1x1x128xi32, #tpu.memory_space<vmem>> -> memref<128xi32, #tpu.memory_space<vmem>>
      %dma_start3A_147 = arith.constant 0 : i32
      %dma_start3A_148 = arith.constant 0 : i32
      %dma_start3A_149 = tpu.memref_slice %arg2[%dma_start3A_147, %dma_start3A_148] : memref<10000x128xf32, #tpu.memory_space<hbm>> -> memref<10000x128xf32, #tpu.memory_space<hbm>>
      tpu.enqueue_indirect_dma source(%dma_start3A_149 : memref<10000x128xf32, #tpu.memory_space<hbm>>) target(%arg8 : memref<128x128xf32, #tpu.memory_space<vmem>>) offsets(%dma_start3A_146 : memref<128xi32, #tpu.memory_space<vmem>>) semaphore(%arg13 : memref<!tpu.dma_semaphore, #tpu.memory_space<semaphore_mem>>)
      %dma_start3A_150 = arith.constant 1 : i32
      %dma_start3A_151 = arith.constant 0 : i32
      %dma_start3A_152 = tpu.memref_slice %arg7[%mul3A_132, %dma_start3A_150, %dma_start3A_151] : memref<26x2x128xi32, #tpu.memory_space<vmem>> -> memref<1x1x128xi32, #tpu.memory_space<vmem>>
      %dma_start3A_153 = tpu.memref_squeeze %dma_start3A_152 : memref<1x1x128xi32, #tpu.memory_space<vmem>> -> memref<128xi32, #tpu.memory_space<vmem>>
      %dma_start3A_154 = arith.constant 0 : i32
      %dma_start3A_155 = arith.constant 0 : i32
      %dma_start3A_156 = tpu.memref_slice %arg10[%dma_start3A_154, %dma_start3A_155] : memref<10112x128xf32, #tpu.memory_space<vmem_shared>> -> memref<10112x128xf32, #tpu.memory_space<vmem_shared>>
      tpu.enqueue_indirect_dma source(%arg9 : memref<128x128xf32, #tpu.memory_space<vmem>>) target(%dma_start3A_156 : memref<10112x128xf32, #tpu.memory_space<vmem_shared>>) offsets(%dma_start3A_153 : memref<128xi32, #tpu.memory_space<vmem>>) semaphore(%arg16 : memref<!tpu.dma_semaphore, #tpu.memory_space<semaphore_mem>>) {add = true}
      %dma_wait3A_157 = arith.constant 0 : i32
      %dma_wait3A_158 = arith.constant 0 : i32
      %dma_wait3A_159 = arith.constant 0 : i32
      %dma_wait3A_160 = tpu.memref_slice %arg6[%dma_wait3A_157, %dma_wait3A_158, %dma_wait3A_159] : memref<26x2x128xi32, #tpu.memory_space<vmem>> -> memref<1x1x128xi32, #tpu.memory_space<vmem>>
      %dma_wait3A_161 = tpu.memref_squeeze %dma_wait3A_160 : memref<1x1x128xi32, #tpu.memory_space<vmem>> -> memref<128xi32, #tpu.memory_space<vmem>>
      %dma_wait3A_162 = arith.constant 0 : i32
      %dma_wait3A_163 = arith.constant 0 : i32
      %dma_wait3A_164 = tpu.memref_slice %arg2[%dma_wait3A_162, %dma_wait3A_163] : memref<10000x128xf32, #tpu.memory_space<hbm>> -> memref<10000x128xf32, #tpu.memory_space<hbm>>
      tpu.wait_indirect_dma semaphore(%arg13 : memref<!tpu.dma_semaphore, #tpu.memory_space<semaphore_mem>>) src(%dma_wait3A_164 : memref<10000x128xf32, #tpu.memory_space<hbm>>) dst(%arg8 : memref<128x128xf32, #tpu.memory_space<vmem>>)
      %dma_wait3A_165 = arith.constant 0 : i32
      %dma_wait3A_166 = arith.constant 1 : i32
      %dma_wait3A_167 = arith.constant 0 : i32
      %dma_wait3A_168 = tpu.memref_slice %arg6[%dma_wait3A_165, %dma_wait3A_166, %dma_wait3A_167] : memref<26x2x128xi32, #tpu.memory_space<vmem>> -> memref<1x1x128xi32, #tpu.memory_space<vmem>>
      %dma_wait3A_169 = tpu.memref_squeeze %dma_wait3A_168 : memref<1x1x128xi32, #tpu.memory_space<vmem>> -> memref<128xi32, #tpu.memory_space<vmem>>
      %dma_wait3A_170 = arith.constant 0 : i32
      %dma_wait3A_171 = arith.constant 0 : i32
      %dma_wait3A_172 = tpu.memref_slice %arg10[%dma_wait3A_170, %dma_wait3A_171] : memref<10112x128xf32, #tpu.memory_space<vmem_shared>> -> memref<10112x128xf32, #tpu.memory_space<vmem_shared>>
      tpu.wait_indirect_dma semaphore(%arg16 : memref<!tpu.dma_semaphore, #tpu.memory_space<semaphore_mem>>) src(%arg9 : memref<128x128xf32, #tpu.memory_space<vmem>>) dst(%dma_wait3A_172 : memref<10112x128xf32, #tpu.memory_space<vmem_shared>>)
      %add3A_173 = arith.constant 2 : i32
      %add3A_174 = arith.addi %mul3A_132, %add3A_173 : i32
      %lt3A_175 = arith.constant 26 : i32
      %lt3A_176 = arith.cmpi slt, %add3A_174, %lt3A_175 : i32
      %convert_element_type3A_177 = arith.extui %lt3A_176 : i1 to i32
      %cond3A_178 = arith.constant 0 : i32
      %cond3A_179 = arith.cmpi ne, %convert_element_type3A_177, %cond3A_178 : i32
      scf.if %cond3A_179 {
        %add3A_197 = arith.constant 2 : i32
        %add3A_198 = arith.addi %mul3A_132, %add3A_197 : i32
        %dma_start3A_199 = arith.constant 0 : i32
        %dma_start3A_200 = arith.constant 0 : i32
        %dma_start3A_201 = tpu.memref_slice %arg7[%add3A_198, %dma_start3A_199, %dma_start3A_200] : memref<26x2x128xi32, #tpu.memory_space<vmem>> -> memref<1x1x128xi32, #tpu.memory_space<vmem>>
        %dma_start3A_202 = tpu.memref_squeeze %dma_start3A_201 : memref<1x1x128xi32, #tpu.memory_space<vmem>> -> memref<128xi32, #tpu.memory_space<vmem>>
        %dma_start3A_203 = arith.constant 0 : i32
        %dma_start3A_204 = arith.constant 0 : i32
        %dma_start3A_205 = tpu.memref_slice %arg2[%dma_start3A_203, %dma_start3A_204] : memref<10000x128xf32, #tpu.memory_space<hbm>> -> memref<10000x128xf32, #tpu.memory_space<hbm>>
        tpu.enqueue_indirect_dma source(%dma_start3A_205 : memref<10000x128xf32, #tpu.memory_space<hbm>>) target(%arg9 : memref<128x128xf32, #tpu.memory_space<vmem>>) offsets(%dma_start3A_202 : memref<128xi32, #tpu.memory_space<vmem>>) semaphore(%arg14 : memref<!tpu.dma_semaphore, #tpu.memory_space<semaphore_mem>>)
      } else {
      }
      %add3A_180 = arith.constant 1 : i32
      %add3A_181 = arith.addi %mul3A_132, %add3A_180 : i32
      %dma_start3A_182 = arith.constant 1 : i32
      %dma_start3A_183 = arith.constant 0 : i32
      %dma_start3A_184 = tpu.memref_slice %arg7[%add3A_181, %dma_start3A_182, %dma_start3A_183] : memref<26x2x128xi32, #tpu.memory_space<vmem>> -> memref<1x1x128xi32, #tpu.memory_space<vmem>>
      %dma_start3A_185 = tpu.memref_squeeze %dma_start3A_184 : memref<1x1x128xi32, #tpu.memory_space<vmem>> -> memref<128xi32, #tpu.memory_space<vmem>>
      %dma_start3A_186 = arith.constant 0 : i32
      %dma_start3A_187 = arith.constant 0 : i32
      %dma_start3A_188 = tpu.memref_slice %arg10[%dma_start3A_186, %dma_start3A_187] : memref<10112x128xf32, #tpu.memory_space<vmem_shared>> -> memref<10112x128xf32, #tpu.memory_space<vmem_shared>>
      tpu.enqueue_indirect_dma source(%arg8 : memref<128x128xf32, #tpu.memory_space<vmem>>) target(%dma_start3A_188 : memref<10112x128xf32, #tpu.memory_space<vmem_shared>>) offsets(%dma_start3A_185 : memref<128xi32, #tpu.memory_space<vmem>>) semaphore(%arg15 : memref<!tpu.dma_semaphore, #tpu.memory_space<semaphore_mem>>) {add = true}
      %dma_wait3A_189 = arith.constant 0 : i32
      %dma_wait3A_190 = arith.constant 1 : i32
      %dma_wait3A_191 = arith.constant 0 : i32
      %dma_wait3A_192 = tpu.memref_slice %arg6[%dma_wait3A_189, %dma_wait3A_190, %dma_wait3A_191] : memref<26x2x128xi32, #tpu.memory_space<vmem>> -> memref<1x1x128xi32, #tpu.memory_space<vmem>>
      %dma_wait3A_193 = tpu.memref_squeeze %dma_wait3A_192 : memref<1x1x128xi32, #tpu.memory_space<vmem>> -> memref<128xi32, #tpu.memory_space<vmem>>
      %dma_wait3A_194 = arith.constant 0 : i32
      %dma_wait3A_195 = arith.constant 0 : i32
      %dma_wait3A_196 = tpu.memref_slice %arg10[%dma_wait3A_194, %dma_wait3A_195] : memref<10112x128xf32, #tpu.memory_space<vmem_shared>> -> memref<10112x128xf32, #tpu.memory_space<vmem_shared>>
      tpu.wait_indirect_dma semaphore(%arg15 : memref<!tpu.dma_semaphore, #tpu.memory_space<semaphore_mem>>) src(%arg8 : memref<128x128xf32, #tpu.memory_space<vmem>>) dst(%dma_wait3A_196 : memref<10112x128xf32, #tpu.memory_space<vmem_shared>>)
    }
    %scan3A_97 = arith.constant 13 : i32
    %dma_wait3A_98 = arith.constant 0 : i32
    %dma_wait3A_99 = arith.constant 0 : i32
    %dma_wait3A_100 = tpu.memref_slice %arg3[%mul3A_4, %dma_wait3A_98, %dma_wait3A_99] : memref<2500x2x128xi32, #tpu.memory_space<hbm>> -> memref<26x2x128xi32, #tpu.memory_space<hbm>>
    %dma_wait3A_101 = arith.constant 0 : i32
    %dma_wait3A_102 = arith.constant 0 : i32
    %dma_wait3A_103 = tpu.memref_slice %arg3[%mul3A_4, %dma_wait3A_101, %dma_wait3A_102] : memref<2500x2x128xi32, #tpu.memory_space<hbm>> -> memref<26x2x128xi32, #tpu.memory_space<hbm>>
    tpu.wait_dma2 semaphore(%arg11 : memref<!tpu.dma_semaphore, #tpu.memory_space<semaphore_mem>>) src(%dma_wait3A_103 : memref<26x2x128xi32, #tpu.memory_space<hbm>>) dst(%arg6 : memref<26x2x128xi32, #tpu.memory_space<vmem>>)
    %dma_start3A_104 = arith.constant 0 : i32
    %dma_start3A_105 = arith.constant 0 : i32
    %dma_start3A_106 = arith.constant 0 : i32
    %dma_start3A_107 = tpu.memref_slice %arg6[%dma_start3A_104, %dma_start3A_105, %dma_start3A_106] : memref<26x2x128xi32, #tpu.memory_space<vmem>> -> memref<1x1x128xi32, #tpu.memory_space<vmem>>
    %dma_start3A_108 = tpu.memref_squeeze %dma_start3A_107 : memref<1x1x128xi32, #tpu.memory_space<vmem>> -> memref<128xi32, #tpu.memory_space<vmem>>
    %dma_start3A_109 = arith.constant 0 : i32
    %dma_start3A_110 = arith.constant 0 : i32
    %dma_start3A_111 = tpu.memref_slice %arg2[%dma_start3A_109, %dma_start3A_110] : memref<10000x128xf32, #tpu.memory_space<hbm>> -> memref<10000x128xf32, #tpu.memory_space<hbm>>
    tpu.enqueue_indirect_dma source(%dma_start3A_111 : memref<10000x128xf32, #tpu.memory_space<hbm>>) target(%arg9 : memref<128x128xf32, #tpu.memory_space<vmem>>) offsets(%dma_start3A_108 : memref<128xi32, #tpu.memory_space<vmem>>) semaphore(%arg14 : memref<!tpu.dma_semaphore, #tpu.memory_space<semaphore_mem>>)
    %scan3A_112 = arith.constant 0 : i32
    %scan3A_113 = arith.constant 0 : i32
    %scan3A_114 = arith.constant 13 : i32
    %scan3A_115 = arith.addi %scan3A_113, %scan3A_114 : i32
    %scan3A_116 = arith.constant 1 : i32
    scf.for %scan3A_130 = %scan3A_113 to %scan3A_115 step %scan3A_116  : i32 {
      %mul3A_131 = arith.constant 2 : i32
      %mul3A_132 = arith.muli %mul3A_131, %scan3A_130 : i32
      %dma_wait3A_133 = arith.constant 0 : i32
      %dma_wait3A_134 = arith.constant 0 : i32
      %dma_wait3A_135 = arith.constant 0 : i32
      %dma_wait3A_136 = tpu.memref_slice %arg6[%dma_wait3A_133, %dma_wait3A_134, %dma_wait3A_135] : memref<26x2x128xi32, #tpu.memory_space<vmem>> -> memref<1x1x128xi32, #tpu.memory_space<vmem>>
      %dma_wait3A_137 = tpu.memref_squeeze %dma_wait3A_136 : memref<1x1x128xi32, #tpu.memory_space<vmem>> -> memref<128xi32, #tpu.memory_space<vmem>>
      %dma_wait3A_138 = arith.constant 0 : i32
      %dma_wait3A_139 = arith.constant 0 : i32
      %dma_wait3A_140 = tpu.memref_slice %arg2[%dma_wait3A_138, %dma_wait3A_139] : memref<10000x128xf32, #tpu.memory_space<hbm>> -> memref<10000x128xf32, #tpu.memory_space<hbm>>
      tpu.wait_indirect_dma semaphore(%arg14 : memref<!tpu.dma_semaphore, #tpu.memory_space<semaphore_mem>>) src(%dma_wait3A_140 : memref<10000x128xf32, #tpu.memory_space<hbm>>) dst(%arg9 : memref<128x128xf32, #tpu.memory_space<vmem>>)
      %add3A_141 = arith.constant 1 : i32
      %add3A_142 = arith.addi %mul3A_132, %add3A_141 : i32
      %dma_start3A_143 = arith.constant 0 : i32
      %dma_start3A_144 = arith.constant 0 : i32
      %dma_start3A_145 = tpu.memref_slice %arg6[%add3A_142, %dma_start3A_143, %dma_start3A_144] : memref<26x2x128xi32, #tpu.memory_space<vmem>> -> memref<1x1x128xi32, #tpu.memory_space<vmem>>
      %dma_start3A_146 = tpu.memref_squeeze %dma_start3A_145 : memref<1x1x128xi32, #tpu.memory_space<vmem>> -> memref<128xi32, #tpu.memory_space<vmem>>
      %dma_start3A_147 = arith.constant 0 : i32
      %dma_start3A_148 = arith.constant 0 : i32
      %dma_start3A_149 = tpu.memref_slice %arg2[%dma_start3A_147, %dma_start3A_148] : memref<10000x128xf32, #tpu.memory_space<hbm>> -> memref<10000x128xf32, #tpu.memory_space<hbm>>
      tpu.enqueue_indirect_dma source(%dma_start3A_149 : memref<10000x128xf32, #tpu.memory_space<hbm>>) target(%arg8 : memref<128x128xf32, #tpu.memory_space<vmem>>) offsets(%dma_start3A_146 : memref<128xi32, #tpu.memory_space<vmem>>) semaphore(%arg13 : memref<!tpu.dma_semaphore, #tpu.memory_space<semaphore_mem>>)
      %dma_start3A_150 = arith.constant 1 : i32
      %dma_start3A_151 = arith.constant 0 : i32
      %dma_start3A_152 = tpu.memref_slice %arg6[%mul3A_132, %dma_start3A_150, %dma_start3A_151] : memref<26x2x128xi32, #tpu.memory_space<vmem>> -> memref<1x1x128xi32, #tpu.memory_space<vmem>>
      %dma_start3A_153 = tpu.memref_squeeze %dma_start3A_152 : memref<1x1x128xi32, #tpu.memory_space<vmem>> -> memref<128xi32, #tpu.memory_space<vmem>>
      %dma_start3A_154 = arith.constant 0 : i32
      %dma_start3A_155 = arith.constant 0 : i32
      %dma_start3A_156 = tpu.memref_slice %arg10[%dma_start3A_154, %dma_start3A_155] : memref<10112x128xf32, #tpu.memory_space<vmem_shared>> -> memref<10112x128xf32, #tpu.memory_space<vmem_shared>>
      tpu.enqueue_indirect_dma source(%arg9 : memref<128x128xf32, #tpu.memory_space<vmem>>) target(%dma_start3A_156 : memref<10112x128xf32, #tpu.memory_space<vmem_shared>>) offsets(%dma_start3A_153 : memref<128xi32, #tpu.memory_space<vmem>>) semaphore(%arg16 : memref<!tpu.dma_semaphore, #tpu.memory_space<semaphore_mem>>) {add = true}
      %dma_wait3A_157 = arith.constant 0 : i32
      %dma_wait3A_158 = arith.constant 0 : i32
      %dma_wait3A_159 = arith.constant 0 : i32
      %dma_wait3A_160 = tpu.memref_slice %arg6[%dma_wait3A_157, %dma_wait3A_158, %dma_wait3A_159] : memref<26x2x128xi32, #tpu.memory_space<vmem>> -> memref<1x1x128xi32, #tpu.memory_space<vmem>>
      %dma_wait3A_161 = tpu.memref_squeeze %dma_wait3A_160 : memref<1x1x128xi32, #tpu.memory_space<vmem>> -> memref<128xi32, #tpu.memory_space<vmem>>
      %dma_wait3A_162 = arith.constant 0 : i32
      %dma_wait3A_163 = arith.constant 0 : i32
      %dma_wait3A_164 = tpu.memref_slice %arg2[%dma_wait3A_162, %dma_wait3A_163] : memref<10000x128xf32, #tpu.memory_space<hbm>> -> memref<10000x128xf32, #tpu.memory_space<hbm>>
      tpu.wait_indirect_dma semaphore(%arg13 : memref<!tpu.dma_semaphore, #tpu.memory_space<semaphore_mem>>) src(%dma_wait3A_164 : memref<10000x128xf32, #tpu.memory_space<hbm>>) dst(%arg8 : memref<128x128xf32, #tpu.memory_space<vmem>>)
      %dma_wait3A_165 = arith.constant 0 : i32
      %dma_wait3A_166 = arith.constant 1 : i32
      %dma_wait3A_167 = arith.constant 0 : i32
      %dma_wait3A_168 = tpu.memref_slice %arg6[%dma_wait3A_165, %dma_wait3A_166, %dma_wait3A_167] : memref<26x2x128xi32, #tpu.memory_space<vmem>> -> memref<1x1x128xi32, #tpu.memory_space<vmem>>
      %dma_wait3A_169 = tpu.memref_squeeze %dma_wait3A_168 : memref<1x1x128xi32, #tpu.memory_space<vmem>> -> memref<128xi32, #tpu.memory_space<vmem>>
      %dma_wait3A_170 = arith.constant 0 : i32
      %dma_wait3A_171 = arith.constant 0 : i32
      %dma_wait3A_172 = tpu.memref_slice %arg10[%dma_wait3A_170, %dma_wait3A_171] : memref<10112x128xf32, #tpu.memory_space<vmem_shared>> -> memref<10112x128xf32, #tpu.memory_space<vmem_shared>>
      tpu.wait_indirect_dma semaphore(%arg16 : memref<!tpu.dma_semaphore, #tpu.memory_space<semaphore_mem>>) src(%arg9 : memref<128x128xf32, #tpu.memory_space<vmem>>) dst(%dma_wait3A_172 : memref<10112x128xf32, #tpu.memory_space<vmem_shared>>)
      %add3A_173 = arith.constant 2 : i32
      %add3A_174 = arith.addi %mul3A_132, %add3A_173 : i32
      %lt3A_175 = arith.constant 26 : i32
      %lt3A_176 = arith.cmpi slt, %add3A_174, %lt3A_175 : i32
      %convert_element_type3A_177 = arith.extui %lt3A_176 : i1 to i32
      %cond3A_178 = arith.constant 0 : i32
      %cond3A_179 = arith.cmpi ne, %convert_element_type3A_177, %cond3A_178 : i32
      scf.if %cond3A_179 {
        %add3A_197 = arith.constant 2 : i32
        %add3A_198 = arith.addi %mul3A_132, %add3A_197 : i32
        %dma_start3A_199 = arith.constant 0 : i32
        %dma_start3A_200 = arith.constant 0 : i32
        %dma_start3A_201 = tpu.memref_slice %arg6[%add3A_198, %dma_start3A_199, %dma_start3A_200] : memref<26x2x128xi32, #tpu.memory_space<vmem>> -> memref<1x1x128xi32, #tpu.memory_space<vmem>>
        %dma_start3A_202 = tpu.memref_squeeze %dma_start3A_201 : memref<1x1x128xi32, #tpu.memory_space<vmem>> -> memref<128xi32, #tpu.memory_space<vmem>>
        %dma_start3A_203 = arith.constant 0 : i32
        %dma_start3A_204 = arith.constant 0 : i32
        %dma_start3A_205 = tpu.memref_slice %arg2[%dma_start3A_203, %dma_start3A_204] : memref<10000x128xf32, #tpu.memory_space<hbm>> -> memref<10000x128xf32, #tpu.memory_space<hbm>>
        tpu.enqueue_indirect_dma source(%dma_start3A_205 : memref<10000x128xf32, #tpu.memory_space<hbm>>) target(%arg9 : memref<128x128xf32, #tpu.memory_space<vmem>>) offsets(%dma_start3A_202 : memref<128xi32, #tpu.memory_space<vmem>>) semaphore(%arg14 : memref<!tpu.dma_semaphore, #tpu.memory_space<semaphore_mem>>)
      } else {
      }
      %add3A_180 = arith.constant 1 : i32
      %add3A_181 = arith.addi %mul3A_132, %add3A_180 : i32
      %dma_start3A_182 = arith.constant 1 : i32
      %dma_start3A_183 = arith.constant 0 : i32
      %dma_start3A_184 = tpu.memref_slice %arg6[%add3A_181, %dma_start3A_182, %dma_start3A_183] : memref<26x2x128xi32, #tpu.memory_space<vmem>> -> memref<1x1x128xi32, #tpu.memory_space<vmem>>
      %dma_start3A_185 = tpu.memref_squeeze %dma_start3A_184 : memref<1x1x128xi32, #tpu.memory_space<vmem>> -> memref<128xi32, #tpu.memory_space<vmem>>
      %dma_start3A_186 = arith.constant 0 : i32
      %dma_start3A_187 = arith.constant 0 : i32
      %dma_start3A_188 = tpu.memref_slice %arg10[%dma_start3A_186, %dma_start3A_187] : memref<10112x128xf32, #tpu.memory_space<vmem_shared>> -> memref<10112x128xf32, #tpu.memory_space<vmem_shared>>
      tpu.enqueue_indirect_dma source(%arg8 : memref<128x128xf32, #tpu.memory_space<vmem>>) target(%dma_start3A_188 : memref<10112x128xf32, #tpu.memory_space<vmem_shared>>) offsets(%dma_start3A_185 : memref<128xi32, #tpu.memory_space<vmem>>) semaphore(%arg15 : memref<!tpu.dma_semaphore, #tpu.memory_space<semaphore_mem>>) {add = true}
      %dma_wait3A_189 = arith.constant 0 : i32
      %dma_wait3A_190 = arith.constant 1 : i32
      %dma_wait3A_191 = arith.constant 0 : i32
      %dma_wait3A_192 = tpu.memref_slice %arg6[%dma_wait3A_189, %dma_wait3A_190, %dma_wait3A_191] : memref<26x2x128xi32, #tpu.memory_space<vmem>> -> memref<1x1x128xi32, #tpu.memory_space<vmem>>
      %dma_wait3A_193 = tpu.memref_squeeze %dma_wait3A_192 : memref<1x1x128xi32, #tpu.memory_space<vmem>> -> memref<128xi32, #tpu.memory_space<vmem>>
      %dma_wait3A_194 = arith.constant 0 : i32
      %dma_wait3A_195 = arith.constant 0 : i32
      %dma_wait3A_196 = tpu.memref_slice %arg10[%dma_wait3A_194, %dma_wait3A_195] : memref<10112x128xf32, #tpu.memory_space<vmem_shared>> -> memref<10112x128xf32, #tpu.memory_space<vmem_shared>>
      tpu.wait_indirect_dma semaphore(%arg15 : memref<!tpu.dma_semaphore, #tpu.memory_space<semaphore_mem>>) src(%arg8 : memref<128x128xf32, #tpu.memory_space<vmem>>) dst(%dma_wait3A_196 : memref<10112x128xf32, #tpu.memory_space<vmem_shared>>)
    }
    %scan3A_117 = arith.constant 13 : i32
    %sub3A = arith.constant 28 : i32
    %sub3A_118 = arith.subi %add3A, %sub3A : i32
    %ge3A = arith.constant 0 : i32
    %ge3A_119 = arith.cmpi sge, %sub3A_118, %ge3A : i32
    %convert_element_type3A = arith.extui %ge3A_119 : i1 to i32
    %cond3A = arith.constant 0 : i32
    %cond3A_120 = arith.cmpi ne, %convert_element_type3A, %cond3A : i32
    scf.if %cond3A_120 {
      %add3A_130 = arith.constant 2496 : i32
      %add3A_131 = arith.addi %add3A_130, %sub3A_118 : i32
      "tpu.region"() ({
        %run_scoped3A = tpu.sem_alloc : memref<!tpu.dma_semaphore, #tpu.memory_space<semaphore_mem>>
        %dma_start3A_164 = arith.constant 0 : i32
        %dma_start3A_165 = arith.constant 0 : i32
        %dma_start3A_166 = arith.constant 0 : i32
        %dma_start3A_167 = tpu.memref_slice %arg6[%dma_start3A_164, %dma_start3A_165, %dma_start3A_166] : memref<26x2x128xi32, #tpu.memory_space<vmem>> -> memref<1x2x128xi32, #tpu.memory_space<vmem>>
        %dma_start3A_168 = arith.constant 0 : i32
        %dma_start3A_169 = arith.constant 0 : i32
        %dma_start3A_170 = tpu.memref_slice %arg3[%add3A_131, %dma_start3A_168, %dma_start3A_169] : memref<2500x2x128xi32, #tpu.memory_space<hbm>> -> memref<1x2x128xi32, #tpu.memory_space<hbm>>
        %dma_start3A_171 = arith.constant 0 : i32
        %dma_start3A_172 = arith.constant 0 : i32
        %dma_start3A_173 = arith.constant 0 : i32
        %dma_start3A_174 = tpu.memref_slice %arg6[%dma_start3A_171, %dma_start3A_172, %dma_start3A_173] : memref<26x2x128xi32, #tpu.memory_space<vmem>> -> memref<1x2x128xi32, #tpu.memory_space<vmem>>
        %dma_start3A_175 = arith.constant 0 : i32
        %dma_start3A_176 = arith.constant 0 : i32
        %dma_start3A_177 = tpu.memref_slice %arg3[%add3A_131, %dma_start3A_175, %dma_start3A_176] : memref<2500x2x128xi32, #tpu.memory_space<hbm>> -> memref<1x2x128xi32, #tpu.memory_space<hbm>>
        tpu.enqueue_dma source(%dma_start3A_177 : memref<1x2x128xi32, #tpu.memory_space<hbm>>) target(%dma_start3A_174 : memref<1x2x128xi32, #tpu.memory_space<vmem>>) target_semaphore(%run_scoped3A : memref<!tpu.dma_semaphore, #tpu.memory_space<semaphore_mem>>)
        %dma_wait3A_178 = arith.constant 0 : i32
        %dma_wait3A_179 = arith.constant 0 : i32
        %dma_wait3A_180 = arith.constant 0 : i32
        %dma_wait3A_181 = tpu.memref_slice %arg6[%dma_wait3A_178, %dma_wait3A_179, %dma_wait3A_180] : memref<26x2x128xi32, #tpu.memory_space<vmem>> -> memref<1x2x128xi32, #tpu.memory_space<vmem>>
        %dma_wait3A_182 = arith.constant 0 : i32
        %dma_wait3A_183 = arith.constant 0 : i32
        %dma_wait3A_184 = tpu.memref_slice %arg3[%add3A_131, %dma_wait3A_182, %dma_wait3A_183] : memref<2500x2x128xi32, #tpu.memory_space<hbm>> -> memref<1x2x128xi32, #tpu.memory_space<hbm>>
        %dma_wait3A_185 = arith.constant 0 : i32
        %dma_wait3A_186 = arith.constant 0 : i32
        %dma_wait3A_187 = arith.constant 0 : i32
        %dma_wait3A_188 = tpu.memref_slice %arg6[%dma_wait3A_185, %dma_wait3A_186, %dma_wait3A_187] : memref<26x2x128xi32, #tpu.memory_space<vmem>> -> memref<1x2x128xi32, #tpu.memory_space<vmem>>
        %dma_wait3A_189 = arith.constant 0 : i32
        %dma_wait3A_190 = arith.constant 0 : i32
        %dma_wait3A_191 = tpu.memref_slice %arg3[%add3A_131, %dma_wait3A_189, %dma_wait3A_190] : memref<2500x2x128xi32, #tpu.memory_space<hbm>> -> memref<1x2x128xi32, #tpu.memory_space<hbm>>
        tpu.wait_dma2 semaphore(%run_scoped3A : memref<!tpu.dma_semaphore, #tpu.memory_space<semaphore_mem>>) src(%dma_wait3A_191 : memref<1x2x128xi32, #tpu.memory_space<hbm>>) dst(%dma_wait3A_188 : memref<1x2x128xi32, #tpu.memory_space<vmem>>)
        tpu.yield
      }) : () -> ()
      %dma_start3A_132 = arith.constant 0 : i32
      %dma_start3A_133 = arith.constant 0 : i32
      %dma_start3A_134 = arith.constant 0 : i32
      %dma_start3A_135 = tpu.memref_slice %arg6[%dma_start3A_132, %dma_start3A_133, %dma_start3A_134] : memref<26x2x128xi32, #tpu.memory_space<vmem>> -> memref<1x1x128xi32, #tpu.memory_space<vmem>>
      %dma_start3A_136 = tpu.memref_squeeze %dma_start3A_135 : memref<1x1x128xi32, #tpu.memory_space<vmem>> -> memref<128xi32, #tpu.memory_space<vmem>>
      %dma_start3A_137 = arith.constant 0 : i32
      %dma_start3A_138 = arith.constant 0 : i32
      %dma_start3A_139 = tpu.memref_slice %arg2[%dma_start3A_137, %dma_start3A_138] : memref<10000x128xf32, #tpu.memory_space<hbm>> -> memref<10000x128xf32, #tpu.memory_space<hbm>>
      tpu.enqueue_indirect_dma source(%dma_start3A_139 : memref<10000x128xf32, #tpu.memory_space<hbm>>) target(%arg8 : memref<128x128xf32, #tpu.memory_space<vmem>>) offsets(%dma_start3A_136 : memref<128xi32, #tpu.memory_space<vmem>>) semaphore(%arg13 : memref<!tpu.dma_semaphore, #tpu.memory_space<semaphore_mem>>)
      %dma_wait3A_140 = arith.constant 0 : i32
      %dma_wait3A_141 = arith.constant 0 : i32
      %dma_wait3A_142 = arith.constant 0 : i32
      %dma_wait3A_143 = tpu.memref_slice %arg6[%dma_wait3A_140, %dma_wait3A_141, %dma_wait3A_142] : memref<26x2x128xi32, #tpu.memory_space<vmem>> -> memref<1x1x128xi32, #tpu.memory_space<vmem>>
      %dma_wait3A_144 = tpu.memref_squeeze %dma_wait3A_143 : memref<1x1x128xi32, #tpu.memory_space<vmem>> -> memref<128xi32, #tpu.memory_space<vmem>>
      %dma_wait3A_145 = arith.constant 0 : i32
      %dma_wait3A_146 = arith.constant 0 : i32
      %dma_wait3A_147 = tpu.memref_slice %arg2[%dma_wait3A_145, %dma_wait3A_146] : memref<10000x128xf32, #tpu.memory_space<hbm>> -> memref<10000x128xf32, #tpu.memory_space<hbm>>
      tpu.wait_indirect_dma semaphore(%arg13 : memref<!tpu.dma_semaphore, #tpu.memory_space<semaphore_mem>>) src(%dma_wait3A_147 : memref<10000x128xf32, #tpu.memory_space<hbm>>) dst(%arg8 : memref<128x128xf32, #tpu.memory_space<vmem>>)
      %dma_start3A_148 = arith.constant 0 : i32
      %dma_start3A_149 = arith.constant 1 : i32
      %dma_start3A_150 = arith.constant 0 : i32
      %dma_start3A_151 = tpu.memref_slice %arg6[%dma_start3A_148, %dma_start3A_149, %dma_start3A_150] : memref<26x2x128xi32, #tpu.memory_space<vmem>> -> memref<1x1x128xi32, #tpu.memory_space<vmem>>
      %dma_start3A_152 = tpu.memref_squeeze %dma_start3A_151 : memref<1x1x128xi32, #tpu.memory_space<vmem>> -> memref<128xi32, #tpu.memory_space<vmem>>
      %dma_start3A_153 = arith.constant 0 : i32
      %dma_start3A_154 = arith.constant 0 : i32
      %dma_start3A_155 = tpu.memref_slice %arg10[%dma_start3A_153, %dma_start3A_154] : memref<10112x128xf32, #tpu.memory_space<vmem_shared>> -> memref<10112x128xf32, #tpu.memory_space<vmem_shared>>
      tpu.enqueue_indirect_dma source(%arg8 : memref<128x128xf32, #tpu.memory_space<vmem>>) target(%dma_start3A_155 : memref<10112x128xf32, #tpu.memory_space<vmem_shared>>) offsets(%dma_start3A_152 : memref<128xi32, #tpu.memory_space<vmem>>) semaphore(%arg15 : memref<!tpu.dma_semaphore, #tpu.memory_space<semaphore_mem>>) {add = true}
      %dma_wait3A_156 = arith.constant 0 : i32
      %dma_wait3A_157 = arith.constant 1 : i32
      %dma_wait3A_158 = arith.constant 0 : i32
      %dma_wait3A_159 = tpu.memref_slice %arg6[%dma_wait3A_156, %dma_wait3A_157, %dma_wait3A_158] : memref<26x2x128xi32, #tpu.memory_space<vmem>> -> memref<1x1x128xi32, #tpu.memory_space<vmem>>
      %dma_wait3A_160 = tpu.memref_squeeze %dma_wait3A_159 : memref<1x1x128xi32, #tpu.memory_space<vmem>> -> memref<128xi32, #tpu.memory_space<vmem>>
      %dma_wait3A_161 = arith.constant 0 : i32
      %dma_wait3A_162 = arith.constant 0 : i32
      %dma_wait3A_163 = tpu.memref_slice %arg10[%dma_wait3A_161, %dma_wait3A_162] : memref<10112x128xf32, #tpu.memory_space<vmem_shared>> -> memref<10112x128xf32, #tpu.memory_space<vmem_shared>>
      tpu.wait_indirect_dma semaphore(%arg15 : memref<!tpu.dma_semaphore, #tpu.memory_space<semaphore_mem>>) src(%arg8 : memref<128x128xf32, #tpu.memory_space<vmem>>) dst(%dma_wait3A_163 : memref<10112x128xf32, #tpu.memory_space<vmem_shared>>)
    } else {
    }
    %barrier3A_121 = arith.constant 0 : index
    tpu.barrier barrier_id(%barrier3A_121)
    %lt3A = arith.constant 15 : i32
    %lt3A_122 = arith.cmpi slt, %arg1, %lt3A : i32
    %convert_element_type3A_123 = arith.extui %lt3A_122 : i1 to i32
    %cond3A_124 = arith.constant 0 : i32
    %cond3A_125 = arith.cmpi ne, %convert_element_type3A_123, %cond3A_124 : i32
    scf.if %cond3A_125 {
      "tpu.region"() ({
        %run_scoped3A = tpu.sem_alloc : memref<!tpu.dma_semaphore, #tpu.memory_space<semaphore_mem>>
        %dma_start3A_130 = arith.constant 0 : i32
        %dma_start3A_131 = tpu.memref_slice %arg5[%arg0, %mul3A_2, %dma_start3A_130] : memref<2x10000x128xf32, #tpu.memory_space<hbm>> -> memref<1x632x128xf32, #tpu.memory_space<hbm>>
        %dma_start3A_132 = tpu.memref_squeeze %dma_start3A_131 : memref<1x632x128xf32, #tpu.memory_space<hbm>> -> memref<632x128xf32, #tpu.memory_space<hbm>>
        %dma_start3A_133 = arith.constant 0 : i32
        %dma_start3A_134 = tpu.memref_slice %arg10[%mul3A_2, %dma_start3A_133] : memref<10112x128xf32, #tpu.memory_space<vmem_shared>> -> memref<632x128xf32, #tpu.memory_space<vmem_shared>>
        tpu.enqueue_dma source(%dma_start3A_134 : memref<632x128xf32, #tpu.memory_space<vmem_shared>>) target(%dma_start3A_132 : memref<632x128xf32, #tpu.memory_space<hbm>>) target_semaphore(%run_scoped3A : memref<!tpu.dma_semaphore, #tpu.memory_space<semaphore_mem>>)
        %dma_wait3A_135 = arith.constant 0 : i32
        %dma_wait3A_136 = tpu.memref_slice %arg5[%arg0, %mul3A_2, %dma_wait3A_135] : memref<2x10000x128xf32, #tpu.memory_space<hbm>> -> memref<1x632x128xf32, #tpu.memory_space<hbm>>
        %dma_wait3A_137 = tpu.memref_squeeze %dma_wait3A_136 : memref<1x632x128xf32, #tpu.memory_space<hbm>> -> memref<632x128xf32, #tpu.memory_space<hbm>>
        %dma_wait3A_138 = arith.constant 0 : i32
        %dma_wait3A_139 = tpu.memref_slice %arg10[%mul3A_2, %dma_wait3A_138] : memref<10112x128xf32, #tpu.memory_space<vmem_shared>> -> memref<632x128xf32, #tpu.memory_space<vmem_shared>>
        tpu.wait_dma2 semaphore(%run_scoped3A : memref<!tpu.dma_semaphore, #tpu.memory_space<semaphore_mem>>) src(%dma_wait3A_139 : memref<632x128xf32, #tpu.memory_space<vmem_shared>>) dst(%dma_wait3A_137 : memref<632x128xf32, #tpu.memory_space<hbm>>)
        tpu.yield
      }) : () -> ()
    } else {
    }
    %eq3A = arith.constant 15 : i32
    %eq3A_126 = arith.cmpi eq, %arg1, %eq3A : i32
    %convert_element_type3A_127 = arith.extui %eq3A_126 : i1 to i32
    %cond3A_128 = arith.constant 0 : i32
    %cond3A_129 = arith.cmpi ne, %convert_element_type3A_127, %cond3A_128 : i32
    scf.if %cond3A_129 {
      "tpu.region"() ({
        %run_scoped3A = tpu.sem_alloc : memref<!tpu.dma_semaphore, #tpu.memory_space<semaphore_mem>>
        %dma_start3A_130 = arith.constant 0 : i32
        %dma_start3A_131 = tpu.memref_slice %arg5[%arg0, %mul3A_2, %dma_start3A_130] : memref<2x10000x128xf32, #tpu.memory_space<hbm>> -> memref<1x520x128xf32, #tpu.memory_space<hbm>>
        %dma_start3A_132 = tpu.memref_squeeze %dma_start3A_131 : memref<1x520x128xf32, #tpu.memory_space<hbm>> -> memref<520x128xf32, #tpu.memory_space<hbm>>
        %dma_start3A_133 = arith.constant 0 : i32
        %dma_start3A_134 = tpu.memref_slice %arg10[%mul3A_2, %dma_start3A_133] : memref<10112x128xf32, #tpu.memory_space<vmem_shared>> -> memref<520x128xf32, #tpu.memory_space<vmem_shared>>
        tpu.enqueue_dma source(%dma_start3A_134 : memref<520x128xf32, #tpu.memory_space<vmem_shared>>) target(%dma_start3A_132 : memref<520x128xf32, #tpu.memory_space<hbm>>) target_semaphore(%run_scoped3A : memref<!tpu.dma_semaphore, #tpu.memory_space<semaphore_mem>>)
        %dma_wait3A_135 = arith.constant 0 : i32
        %dma_wait3A_136 = tpu.memref_slice %arg5[%arg0, %mul3A_2, %dma_wait3A_135] : memref<2x10000x128xf32, #tpu.memory_space<hbm>> -> memref<1x520x128xf32, #tpu.memory_space<hbm>>
        %dma_wait3A_137 = tpu.memref_squeeze %dma_wait3A_136 : memref<1x520x128xf32, #tpu.memory_space<hbm>> -> memref<520x128xf32, #tpu.memory_space<hbm>>
        %dma_wait3A_138 = arith.constant 0 : i32
        %dma_wait3A_139 = tpu.memref_slice %arg10[%mul3A_2, %dma_wait3A_138] : memref<10112x128xf32, #tpu.memory_space<vmem_shared>> -> memref<520x128xf32, #tpu.memory_space<vmem_shared>>
        tpu.wait_dma2 semaphore(%run_scoped3A : memref<!tpu.dma_semaphore, #tpu.memory_space<semaphore_mem>>) src(%dma_wait3A_139 : memref<520x128xf32, #tpu.memory_space<vmem_shared>>) dst(%dma_wait3A_137 : memref<520x128xf32, #tpu.memory_space<hbm>>)
        tpu.yield
      }) : () -> ()
    } else {
    }
    return
  }
}

#map = affine_map<(d0, d1) -> (0, 0)>
#map1 = affine_map<(d0, d1) -> (0, 0, 0)>
module attributes {stable_mosaic.version = 14 : i64} {
  func.func @seg_kernel(%arg0: i32, %arg1: i32, %arg2: memref<10000x128xf32, #tpu.memory_space<hbm>>, %arg3: memref<2500x2x128xi32, #tpu.memory_space<hbm>>, %arg4: memref<40x128xf32, #tpu.memory_space<hbm>>, %arg5: memref<2x10000x128xf32, #tpu.memory_space<hbm>>, %arg6: memref<26x2x128xi32, #tpu.memory_space<vmem>>, %arg7: memref<26x2x128xi32, #tpu.memory_space<vmem>>, %arg8: memref<128x128xf32, #tpu.memory_space<vmem>>, %arg9: memref<128x128xf32, #tpu.memory_space<vmem>>, %arg10: memref<10112x128xf32, #tpu.memory_space<vmem_shared>>, %arg11: memref<!tpu.dma_semaphore, #tpu.memory_space<semaphore_mem>>, %arg12: memref<!tpu.dma_semaphore, #tpu.memory_space<semaphore_mem>>, %arg13: memref<!tpu.dma_semaphore, #tpu.memory_space<semaphore_mem>>, %arg14: memref<!tpu.dma_semaphore, #tpu.memory_space<semaphore_mem>>, %arg15: memref<!tpu.dma_semaphore, #tpu.memory_space<semaphore_mem>>, %arg16: memref<!tpu.dma_semaphore, #tpu.memory_space<semaphore_mem>>) attributes {dimension_semantics = [#tpu.dimension_semantics<core_parallel>, #tpu.dimension_semantics<subcore_parallel>], iteration_bounds = array<i64: 2, 16>, scalar_prefetch = 0 : i64, scratch_operands = 11 : i64, tpu.core_type = #tpu.core_type<sc_vector_subcore>, window_params = [{transform_indices = #map}, {transform_indices = #map1}, {transform_indices = #map}, {transform_indices = #map1}]} {
    %mul3A = arith.constant 16 : i32
    %mul3A_0 = arith.muli %arg0, %mul3A : i32
    %add3A = arith.addi %mul3A_0, %arg1 : i32
    %mul3A_1 = arith.constant 632 : i32
    %mul3A_2 = arith.muli %arg1, %mul3A_1 : i32
    %mul3A_3 = arith.constant 78 : i32
    %mul3A_4 = arith.muli %add3A, %mul3A_3 : i32
    %add3A_5 = arith.constant 0 : i32
    %add3A_6 = arith.addi %mul3A_4, %add3A_5 : i32
    %dma_start3A = arith.constant 0 : i32
    %dma_start3A_7 = arith.constant 0 : i32
    %dma_start3A_8 = tpu.memref_slice %arg3[%add3A_6, %dma_start3A, %dma_start3A_7] : memref<2500x2x128xi32, #tpu.memory_space<hbm>> -> memref<26x2x128xi32, #tpu.memory_space<hbm>>
    %dma_start3A_9 = arith.constant 0 : i32
    %dma_start3A_10 = arith.constant 0 : i32
    %dma_start3A_11 = tpu.memref_slice %arg3[%add3A_6, %dma_start3A_9, %dma_start3A_10] : memref<2500x2x128xi32, #tpu.memory_space<hbm>> -> memref<26x2x128xi32, #tpu.memory_space<hbm>>
    tpu.enqueue_dma source(%dma_start3A_11 : memref<26x2x128xi32, #tpu.memory_space<hbm>>) target(%arg6 : memref<26x2x128xi32, #tpu.memory_space<vmem>>) target_semaphore(%arg11 : memref<!tpu.dma_semaphore, #tpu.memory_space<semaphore_mem>>)
    "tpu.region"() ({
      %run_scoped3A = tpu.sem_alloc : memref<!tpu.dma_semaphore, #tpu.memory_space<semaphore_mem>>
      %dma_start3A_130 = arith.constant 0 : i32
      %dma_start3A_131 = arith.constant 0 : i32
      %dma_start3A_132 = tpu.memref_slice %arg8[%dma_start3A_130, %dma_start3A_131] : memref<128x128xf32, #tpu.memory_space<vmem>> -> memref<40x128xf32, #tpu.memory_space<vmem>>
      %dma_start3A_133 = arith.constant 0 : i32
      %dma_start3A_134 = arith.constant 0 : i32
      %dma_start3A_135 = tpu.memref_slice %arg8[%dma_start3A_133, %dma_start3A_134] : memref<128x128xf32, #tpu.memory_space<vmem>> -> memref<40x128xf32, #tpu.memory_space<vmem>>
      tpu.enqueue_dma source(%arg4 : memref<40x128xf32, #tpu.memory_space<hbm>>) target(%dma_start3A_135 : memref<40x128xf32, #tpu.memory_space<vmem>>) target_semaphore(%run_scoped3A : memref<!tpu.dma_semaphore, #tpu.memory_space<semaphore_mem>>)
      %dma_wait3A_136 = arith.constant 0 : i32
      %dma_wait3A_137 = arith.constant 0 : i32
      %dma_wait3A_138 = tpu.memref_slice %arg8[%dma_wait3A_136, %dma_wait3A_137] : memref<128x128xf32, #tpu.memory_space<vmem>> -> memref<40x128xf32, #tpu.memory_space<vmem>>
      %dma_wait3A_139 = arith.constant 0 : i32
      %dma_wait3A_140 = arith.constant 0 : i32
      %dma_wait3A_141 = tpu.memref_slice %arg8[%dma_wait3A_139, %dma_wait3A_140] : memref<128x128xf32, #tpu.memory_space<vmem>> -> memref<40x128xf32, #tpu.memory_space<vmem>>
      tpu.wait_dma2 semaphore(%run_scoped3A : memref<!tpu.dma_semaphore, #tpu.memory_space<semaphore_mem>>) src(%arg4 : memref<40x128xf32, #tpu.memory_space<hbm>>) dst(%dma_wait3A_141 : memref<40x128xf32, #tpu.memory_space<vmem>>)
      tpu.yield
    }) : () -> ()
    %add3A_12 = arith.constant 0 : i32
    %add3A_13 = arith.addi %mul3A_2, %add3A_12 : i32
    "tpu.region"() ({
      %run_scoped3A = tpu.sem_alloc : memref<!tpu.dma_semaphore, #tpu.memory_space<semaphore_mem>>
      %dma_start3A_130 = arith.constant 0 : i32
      %dma_start3A_131 = arith.constant 0 : i32
      %dma_start3A_132 = tpu.memref_slice %arg8[%dma_start3A_130, %dma_start3A_131] : memref<128x128xf32, #tpu.memory_space<vmem>> -> memref<40x128xf32, #tpu.memory_space<vmem>>
      %dma_start3A_133 = arith.constant 0 : i32
      %dma_start3A_134 = tpu.memref_slice %arg10[%add3A_13, %dma_start3A_133] : memref<10112x128xf32, #tpu.memory_space<vmem_shared>> -> memref<40x128xf32, #tpu.memory_space<vmem_shared>>
      %dma_start3A_135 = arith.constant 0 : i32
      %dma_start3A_136 = tpu.memref_slice %arg10[%add3A_13, %dma_start3A_135] : memref<10112x128xf32, #tpu.memory_space<vmem_shared>> -> memref<40x128xf32, #tpu.memory_space<vmem_shared>>
      %dma_start3A_137 = arith.constant 0 : i32
      %dma_start3A_138 = arith.constant 0 : i32
      %dma_start3A_139 = tpu.memref_slice %arg8[%dma_start3A_137, %dma_start3A_138] : memref<128x128xf32, #tpu.memory_space<vmem>> -> memref<40x128xf32, #tpu.memory_space<vmem>>
      tpu.enqueue_dma source(%dma_start3A_139 : memref<40x128xf32, #tpu.memory_space<vmem>>) target(%dma_start3A_136 : memref<40x128xf32, #tpu.memory_space<vmem_shared>>) target_semaphore(%run_scoped3A : memref<!tpu.dma_semaphore, #tpu.memory_space<semaphore_mem>>)
      %dma_wait3A_140 = arith.constant 0 : i32
      %dma_wait3A_141 = arith.constant 0 : i32
      %dma_wait3A_142 = tpu.memref_slice %arg8[%dma_wait3A_140, %dma_wait3A_141] : memref<128x128xf32, #tpu.memory_space<vmem>> -> memref<40x128xf32, #tpu.memory_space<vmem>>
      %dma_wait3A_143 = arith.constant 0 : i32
      %dma_wait3A_144 = tpu.memref_slice %arg10[%add3A_13, %dma_wait3A_143] : memref<10112x128xf32, #tpu.memory_space<vmem_shared>> -> memref<40x128xf32, #tpu.memory_space<vmem_shared>>
      %dma_wait3A_145 = arith.constant 0 : i32
      %dma_wait3A_146 = tpu.memref_slice %arg10[%add3A_13, %dma_wait3A_145] : memref<10112x128xf32, #tpu.memory_space<vmem_shared>> -> memref<40x128xf32, #tpu.memory_space<vmem_shared>>
      %dma_wait3A_147 = arith.constant 0 : i32
      %dma_wait3A_148 = arith.constant 0 : i32
      %dma_wait3A_149 = tpu.memref_slice %arg8[%dma_wait3A_147, %dma_wait3A_148] : memref<128x128xf32, #tpu.memory_space<vmem>> -> memref<40x128xf32, #tpu.memory_space<vmem>>
      tpu.wait_dma2 semaphore(%run_scoped3A : memref<!tpu.dma_semaphore, #tpu.memory_space<semaphore_mem>>) src(%dma_wait3A_149 : memref<40x128xf32, #tpu.memory_space<vmem>>) dst(%dma_wait3A_146 : memref<40x128xf32, #tpu.memory_space<vmem_shared>>)
      tpu.yield
    }) : () -> ()
    %add3A_14 = arith.constant 40 : i32
    %add3A_15 = arith.addi %mul3A_2, %add3A_14 : i32
    "tpu.region"() ({
      %run_scoped3A = tpu.sem_alloc : memref<!tpu.dma_semaphore, #tpu.memory_space<semaphore_mem>>
      %dma_start3A_130 = arith.constant 0 : i32
      %dma_start3A_131 = arith.constant 0 : i32
      %dma_start3A_132 = tpu.memref_slice %arg8[%dma_start3A_130, %dma_start3A_131] : memref<128x128xf32, #tpu.memory_space<vmem>> -> memref<40x128xf32, #tpu.memory_space<vmem>>
      %dma_start3A_133 = arith.constant 0 : i32
      %dma_start3A_134 = tpu.memref_slice %arg10[%add3A_15, %dma_start3A_133] : memref<10112x128xf32, #tpu.memory_space<vmem_shared>> -> memref<40x128xf32, #tpu.memory_space<vmem_shared>>
      %dma_start3A_135 = arith.constant 0 : i32
      %dma_start3A_136 = tpu.memref_slice %arg10[%add3A_15, %dma_start3A_135] : memref<10112x128xf32, #tpu.memory_space<vmem_shared>> -> memref<40x128xf32, #tpu.memory_space<vmem_shared>>
      %dma_start3A_137 = arith.constant 0 : i32
      %dma_start3A_138 = arith.constant 0 : i32
      %dma_start3A_139 = tpu.memref_slice %arg8[%dma_start3A_137, %dma_start3A_138] : memref<128x128xf32, #tpu.memory_space<vmem>> -> memref<40x128xf32, #tpu.memory_space<vmem>>
      tpu.enqueue_dma source(%dma_start3A_139 : memref<40x128xf32, #tpu.memory_space<vmem>>) target(%dma_start3A_136 : memref<40x128xf32, #tpu.memory_space<vmem_shared>>) target_semaphore(%run_scoped3A : memref<!tpu.dma_semaphore, #tpu.memory_space<semaphore_mem>>)
      %dma_wait3A_140 = arith.constant 0 : i32
      %dma_wait3A_141 = arith.constant 0 : i32
      %dma_wait3A_142 = tpu.memref_slice %arg8[%dma_wait3A_140, %dma_wait3A_141] : memref<128x128xf32, #tpu.memory_space<vmem>> -> memref<40x128xf32, #tpu.memory_space<vmem>>
      %dma_wait3A_143 = arith.constant 0 : i32
      %dma_wait3A_144 = tpu.memref_slice %arg10[%add3A_15, %dma_wait3A_143] : memref<10112x128xf32, #tpu.memory_space<vmem_shared>> -> memref<40x128xf32, #tpu.memory_space<vmem_shared>>
      %dma_wait3A_145 = arith.constant 0 : i32
      %dma_wait3A_146 = tpu.memref_slice %arg10[%add3A_15, %dma_wait3A_145] : memref<10112x128xf32, #tpu.memory_space<vmem_shared>> -> memref<40x128xf32, #tpu.memory_space<vmem_shared>>
      %dma_wait3A_147 = arith.constant 0 : i32
      %dma_wait3A_148 = arith.constant 0 : i32
      %dma_wait3A_149 = tpu.memref_slice %arg8[%dma_wait3A_147, %dma_wait3A_148] : memref<128x128xf32, #tpu.memory_space<vmem>> -> memref<40x128xf32, #tpu.memory_space<vmem>>
      tpu.wait_dma2 semaphore(%run_scoped3A : memref<!tpu.dma_semaphore, #tpu.memory_space<semaphore_mem>>) src(%dma_wait3A_149 : memref<40x128xf32, #tpu.memory_space<vmem>>) dst(%dma_wait3A_146 : memref<40x128xf32, #tpu.memory_space<vmem_shared>>)
      tpu.yield
    }) : () -> ()
    %add3A_16 = arith.constant 80 : i32
    %add3A_17 = arith.addi %mul3A_2, %add3A_16 : i32
    "tpu.region"() ({
      %run_scoped3A = tpu.sem_alloc : memref<!tpu.dma_semaphore, #tpu.memory_space<semaphore_mem>>
      %dma_start3A_130 = arith.constant 0 : i32
      %dma_start3A_131 = arith.constant 0 : i32
      %dma_start3A_132 = tpu.memref_slice %arg8[%dma_start3A_130, %dma_start3A_131] : memref<128x128xf32, #tpu.memory_space<vmem>> -> memref<40x128xf32, #tpu.memory_space<vmem>>
      %dma_start3A_133 = arith.constant 0 : i32
      %dma_start3A_134 = tpu.memref_slice %arg10[%add3A_17, %dma_start3A_133] : memref<10112x128xf32, #tpu.memory_space<vmem_shared>> -> memref<40x128xf32, #tpu.memory_space<vmem_shared>>
      %dma_start3A_135 = arith.constant 0 : i32
      %dma_start3A_136 = tpu.memref_slice %arg10[%add3A_17, %dma_start3A_135] : memref<10112x128xf32, #tpu.memory_space<vmem_shared>> -> memref<40x128xf32, #tpu.memory_space<vmem_shared>>
      %dma_start3A_137 = arith.constant 0 : i32
      %dma_start3A_138 = arith.constant 0 : i32
      %dma_start3A_139 = tpu.memref_slice %arg8[%dma_start3A_137, %dma_start3A_138] : memref<128x128xf32, #tpu.memory_space<vmem>> -> memref<40x128xf32, #tpu.memory_space<vmem>>
      tpu.enqueue_dma source(%dma_start3A_139 : memref<40x128xf32, #tpu.memory_space<vmem>>) target(%dma_start3A_136 : memref<40x128xf32, #tpu.memory_space<vmem_shared>>) target_semaphore(%run_scoped3A : memref<!tpu.dma_semaphore, #tpu.memory_space<semaphore_mem>>)
      %dma_wait3A_140 = arith.constant 0 : i32
      %dma_wait3A_141 = arith.constant 0 : i32
      %dma_wait3A_142 = tpu.memref_slice %arg8[%dma_wait3A_140, %dma_wait3A_141] : memref<128x128xf32, #tpu.memory_space<vmem>> -> memref<40x128xf32, #tpu.memory_space<vmem>>
      %dma_wait3A_143 = arith.constant 0 : i32
      %dma_wait3A_144 = tpu.memref_slice %arg10[%add3A_17, %dma_wait3A_143] : memref<10112x128xf32, #tpu.memory_space<vmem_shared>> -> memref<40x128xf32, #tpu.memory_space<vmem_shared>>
      %dma_wait3A_145 = arith.constant 0 : i32
      %dma_wait3A_146 = tpu.memref_slice %arg10[%add3A_17, %dma_wait3A_145] : memref<10112x128xf32, #tpu.memory_space<vmem_shared>> -> memref<40x128xf32, #tpu.memory_space<vmem_shared>>
      %dma_wait3A_147 = arith.constant 0 : i32
      %dma_wait3A_148 = arith.constant 0 : i32
      %dma_wait3A_149 = tpu.memref_slice %arg8[%dma_wait3A_147, %dma_wait3A_148] : memref<128x128xf32, #tpu.memory_space<vmem>> -> memref<40x128xf32, #tpu.memory_space<vmem>>
      tpu.wait_dma2 semaphore(%run_scoped3A : memref<!tpu.dma_semaphore, #tpu.memory_space<semaphore_mem>>) src(%dma_wait3A_149 : memref<40x128xf32, #tpu.memory_space<vmem>>) dst(%dma_wait3A_146 : memref<40x128xf32, #tpu.memory_space<vmem_shared>>)
      tpu.yield
    }) : () -> ()
    %add3A_18 = arith.constant 120 : i32
    %add3A_19 = arith.addi %mul3A_2, %add3A_18 : i32
    "tpu.region"() ({
      %run_scoped3A = tpu.sem_alloc : memref<!tpu.dma_semaphore, #tpu.memory_space<semaphore_mem>>
      %dma_start3A_130 = arith.constant 0 : i32
      %dma_start3A_131 = arith.constant 0 : i32
      %dma_start3A_132 = tpu.memref_slice %arg8[%dma_start3A_130, %dma_start3A_131] : memref<128x128xf32, #tpu.memory_space<vmem>> -> memref<40x128xf32, #tpu.memory_space<vmem>>
      %dma_start3A_133 = arith.constant 0 : i32
      %dma_start3A_134 = tpu.memref_slice %arg10[%add3A_19, %dma_start3A_133] : memref<10112x128xf32, #tpu.memory_space<vmem_shared>> -> memref<40x128xf32, #tpu.memory_space<vmem_shared>>
      %dma_start3A_135 = arith.constant 0 : i32
      %dma_start3A_136 = tpu.memref_slice %arg10[%add3A_19, %dma_start3A_135] : memref<10112x128xf32, #tpu.memory_space<vmem_shared>> -> memref<40x128xf32, #tpu.memory_space<vmem_shared>>
      %dma_start3A_137 = arith.constant 0 : i32
      %dma_start3A_138 = arith.constant 0 : i32
      %dma_start3A_139 = tpu.memref_slice %arg8[%dma_start3A_137, %dma_start3A_138] : memref<128x128xf32, #tpu.memory_space<vmem>> -> memref<40x128xf32, #tpu.memory_space<vmem>>
      tpu.enqueue_dma source(%dma_start3A_139 : memref<40x128xf32, #tpu.memory_space<vmem>>) target(%dma_start3A_136 : memref<40x128xf32, #tpu.memory_space<vmem_shared>>) target_semaphore(%run_scoped3A : memref<!tpu.dma_semaphore, #tpu.memory_space<semaphore_mem>>)
      %dma_wait3A_140 = arith.constant 0 : i32
      %dma_wait3A_141 = arith.constant 0 : i32
      %dma_wait3A_142 = tpu.memref_slice %arg8[%dma_wait3A_140, %dma_wait3A_141] : memref<128x128xf32, #tpu.memory_space<vmem>> -> memref<40x128xf32, #tpu.memory_space<vmem>>
      %dma_wait3A_143 = arith.constant 0 : i32
      %dma_wait3A_144 = tpu.memref_slice %arg10[%add3A_19, %dma_wait3A_143] : memref<10112x128xf32, #tpu.memory_space<vmem_shared>> -> memref<40x128xf32, #tpu.memory_space<vmem_shared>>
      %dma_wait3A_145 = arith.constant 0 : i32
      %dma_wait3A_146 = tpu.memref_slice %arg10[%add3A_19, %dma_wait3A_145] : memref<10112x128xf32, #tpu.memory_space<vmem_shared>> -> memref<40x128xf32, #tpu.memory_space<vmem_shared>>
      %dma_wait3A_147 = arith.constant 0 : i32
      %dma_wait3A_148 = arith.constant 0 : i32
      %dma_wait3A_149 = tpu.memref_slice %arg8[%dma_wait3A_147, %dma_wait3A_148] : memref<128x128xf32, #tpu.memory_space<vmem>> -> memref<40x128xf32, #tpu.memory_space<vmem>>
      tpu.wait_dma2 semaphore(%run_scoped3A : memref<!tpu.dma_semaphore, #tpu.memory_space<semaphore_mem>>) src(%dma_wait3A_149 : memref<40x128xf32, #tpu.memory_space<vmem>>) dst(%dma_wait3A_146 : memref<40x128xf32, #tpu.memory_space<vmem_shared>>)
      tpu.yield
    }) : () -> ()
    %add3A_20 = arith.constant 160 : i32
    %add3A_21 = arith.addi %mul3A_2, %add3A_20 : i32
    "tpu.region"() ({
      %run_scoped3A = tpu.sem_alloc : memref<!tpu.dma_semaphore, #tpu.memory_space<semaphore_mem>>
      %dma_start3A_130 = arith.constant 0 : i32
      %dma_start3A_131 = arith.constant 0 : i32
      %dma_start3A_132 = tpu.memref_slice %arg8[%dma_start3A_130, %dma_start3A_131] : memref<128x128xf32, #tpu.memory_space<vmem>> -> memref<40x128xf32, #tpu.memory_space<vmem>>
      %dma_start3A_133 = arith.constant 0 : i32
      %dma_start3A_134 = tpu.memref_slice %arg10[%add3A_21, %dma_start3A_133] : memref<10112x128xf32, #tpu.memory_space<vmem_shared>> -> memref<40x128xf32, #tpu.memory_space<vmem_shared>>
      %dma_start3A_135 = arith.constant 0 : i32
      %dma_start3A_136 = tpu.memref_slice %arg10[%add3A_21, %dma_start3A_135] : memref<10112x128xf32, #tpu.memory_space<vmem_shared>> -> memref<40x128xf32, #tpu.memory_space<vmem_shared>>
      %dma_start3A_137 = arith.constant 0 : i32
      %dma_start3A_138 = arith.constant 0 : i32
      %dma_start3A_139 = tpu.memref_slice %arg8[%dma_start3A_137, %dma_start3A_138] : memref<128x128xf32, #tpu.memory_space<vmem>> -> memref<40x128xf32, #tpu.memory_space<vmem>>
      tpu.enqueue_dma source(%dma_start3A_139 : memref<40x128xf32, #tpu.memory_space<vmem>>) target(%dma_start3A_136 : memref<40x128xf32, #tpu.memory_space<vmem_shared>>) target_semaphore(%run_scoped3A : memref<!tpu.dma_semaphore, #tpu.memory_space<semaphore_mem>>)
      %dma_wait3A_140 = arith.constant 0 : i32
      %dma_wait3A_141 = arith.constant 0 : i32
      %dma_wait3A_142 = tpu.memref_slice %arg8[%dma_wait3A_140, %dma_wait3A_141] : memref<128x128xf32, #tpu.memory_space<vmem>> -> memref<40x128xf32, #tpu.memory_space<vmem>>
      %dma_wait3A_143 = arith.constant 0 : i32
      %dma_wait3A_144 = tpu.memref_slice %arg10[%add3A_21, %dma_wait3A_143] : memref<10112x128xf32, #tpu.memory_space<vmem_shared>> -> memref<40x128xf32, #tpu.memory_space<vmem_shared>>
      %dma_wait3A_145 = arith.constant 0 : i32
      %dma_wait3A_146 = tpu.memref_slice %arg10[%add3A_21, %dma_wait3A_145] : memref<10112x128xf32, #tpu.memory_space<vmem_shared>> -> memref<40x128xf32, #tpu.memory_space<vmem_shared>>
      %dma_wait3A_147 = arith.constant 0 : i32
      %dma_wait3A_148 = arith.constant 0 : i32
      %dma_wait3A_149 = tpu.memref_slice %arg8[%dma_wait3A_147, %dma_wait3A_148] : memref<128x128xf32, #tpu.memory_space<vmem>> -> memref<40x128xf32, #tpu.memory_space<vmem>>
      tpu.wait_dma2 semaphore(%run_scoped3A : memref<!tpu.dma_semaphore, #tpu.memory_space<semaphore_mem>>) src(%dma_wait3A_149 : memref<40x128xf32, #tpu.memory_space<vmem>>) dst(%dma_wait3A_146 : memref<40x128xf32, #tpu.memory_space<vmem_shared>>)
      tpu.yield
    }) : () -> ()
    %add3A_22 = arith.constant 200 : i32
    %add3A_23 = arith.addi %mul3A_2, %add3A_22 : i32
    "tpu.region"() ({
      %run_scoped3A = tpu.sem_alloc : memref<!tpu.dma_semaphore, #tpu.memory_space<semaphore_mem>>
      %dma_start3A_130 = arith.constant 0 : i32
      %dma_start3A_131 = arith.constant 0 : i32
      %dma_start3A_132 = tpu.memref_slice %arg8[%dma_start3A_130, %dma_start3A_131] : memref<128x128xf32, #tpu.memory_space<vmem>> -> memref<40x128xf32, #tpu.memory_space<vmem>>
      %dma_start3A_133 = arith.constant 0 : i32
      %dma_start3A_134 = tpu.memref_slice %arg10[%add3A_23, %dma_start3A_133] : memref<10112x128xf32, #tpu.memory_space<vmem_shared>> -> memref<40x128xf32, #tpu.memory_space<vmem_shared>>
      %dma_start3A_135 = arith.constant 0 : i32
      %dma_start3A_136 = tpu.memref_slice %arg10[%add3A_23, %dma_start3A_135] : memref<10112x128xf32, #tpu.memory_space<vmem_shared>> -> memref<40x128xf32, #tpu.memory_space<vmem_shared>>
      %dma_start3A_137 = arith.constant 0 : i32
      %dma_start3A_138 = arith.constant 0 : i32
      %dma_start3A_139 = tpu.memref_slice %arg8[%dma_start3A_137, %dma_start3A_138] : memref<128x128xf32, #tpu.memory_space<vmem>> -> memref<40x128xf32, #tpu.memory_space<vmem>>
      tpu.enqueue_dma source(%dma_start3A_139 : memref<40x128xf32, #tpu.memory_space<vmem>>) target(%dma_start3A_136 : memref<40x128xf32, #tpu.memory_space<vmem_shared>>) target_semaphore(%run_scoped3A : memref<!tpu.dma_semaphore, #tpu.memory_space<semaphore_mem>>)
      %dma_wait3A_140 = arith.constant 0 : i32
      %dma_wait3A_141 = arith.constant 0 : i32
      %dma_wait3A_142 = tpu.memref_slice %arg8[%dma_wait3A_140, %dma_wait3A_141] : memref<128x128xf32, #tpu.memory_space<vmem>> -> memref<40x128xf32, #tpu.memory_space<vmem>>
      %dma_wait3A_143 = arith.constant 0 : i32
      %dma_wait3A_144 = tpu.memref_slice %arg10[%add3A_23, %dma_wait3A_143] : memref<10112x128xf32, #tpu.memory_space<vmem_shared>> -> memref<40x128xf32, #tpu.memory_space<vmem_shared>>
      %dma_wait3A_145 = arith.constant 0 : i32
      %dma_wait3A_146 = tpu.memref_slice %arg10[%add3A_23, %dma_wait3A_145] : memref<10112x128xf32, #tpu.memory_space<vmem_shared>> -> memref<40x128xf32, #tpu.memory_space<vmem_shared>>
      %dma_wait3A_147 = arith.constant 0 : i32
      %dma_wait3A_148 = arith.constant 0 : i32
      %dma_wait3A_149 = tpu.memref_slice %arg8[%dma_wait3A_147, %dma_wait3A_148] : memref<128x128xf32, #tpu.memory_space<vmem>> -> memref<40x128xf32, #tpu.memory_space<vmem>>
      tpu.wait_dma2 semaphore(%run_scoped3A : memref<!tpu.dma_semaphore, #tpu.memory_space<semaphore_mem>>) src(%dma_wait3A_149 : memref<40x128xf32, #tpu.memory_space<vmem>>) dst(%dma_wait3A_146 : memref<40x128xf32, #tpu.memory_space<vmem_shared>>)
      tpu.yield
    }) : () -> ()
    %add3A_24 = arith.constant 240 : i32
    %add3A_25 = arith.addi %mul3A_2, %add3A_24 : i32
    "tpu.region"() ({
      %run_scoped3A = tpu.sem_alloc : memref<!tpu.dma_semaphore, #tpu.memory_space<semaphore_mem>>
      %dma_start3A_130 = arith.constant 0 : i32
      %dma_start3A_131 = arith.constant 0 : i32
      %dma_start3A_132 = tpu.memref_slice %arg8[%dma_start3A_130, %dma_start3A_131] : memref<128x128xf32, #tpu.memory_space<vmem>> -> memref<40x128xf32, #tpu.memory_space<vmem>>
      %dma_start3A_133 = arith.constant 0 : i32
      %dma_start3A_134 = tpu.memref_slice %arg10[%add3A_25, %dma_start3A_133] : memref<10112x128xf32, #tpu.memory_space<vmem_shared>> -> memref<40x128xf32, #tpu.memory_space<vmem_shared>>
      %dma_start3A_135 = arith.constant 0 : i32
      %dma_start3A_136 = tpu.memref_slice %arg10[%add3A_25, %dma_start3A_135] : memref<10112x128xf32, #tpu.memory_space<vmem_shared>> -> memref<40x128xf32, #tpu.memory_space<vmem_shared>>
      %dma_start3A_137 = arith.constant 0 : i32
      %dma_start3A_138 = arith.constant 0 : i32
      %dma_start3A_139 = tpu.memref_slice %arg8[%dma_start3A_137, %dma_start3A_138] : memref<128x128xf32, #tpu.memory_space<vmem>> -> memref<40x128xf32, #tpu.memory_space<vmem>>
      tpu.enqueue_dma source(%dma_start3A_139 : memref<40x128xf32, #tpu.memory_space<vmem>>) target(%dma_start3A_136 : memref<40x128xf32, #tpu.memory_space<vmem_shared>>) target_semaphore(%run_scoped3A : memref<!tpu.dma_semaphore, #tpu.memory_space<semaphore_mem>>)
      %dma_wait3A_140 = arith.constant 0 : i32
      %dma_wait3A_141 = arith.constant 0 : i32
      %dma_wait3A_142 = tpu.memref_slice %arg8[%dma_wait3A_140, %dma_wait3A_141] : memref<128x128xf32, #tpu.memory_space<vmem>> -> memref<40x128xf32, #tpu.memory_space<vmem>>
      %dma_wait3A_143 = arith.constant 0 : i32
      %dma_wait3A_144 = tpu.memref_slice %arg10[%add3A_25, %dma_wait3A_143] : memref<10112x128xf32, #tpu.memory_space<vmem_shared>> -> memref<40x128xf32, #tpu.memory_space<vmem_shared>>
      %dma_wait3A_145 = arith.constant 0 : i32
      %dma_wait3A_146 = tpu.memref_slice %arg10[%add3A_25, %dma_wait3A_145] : memref<10112x128xf32, #tpu.memory_space<vmem_shared>> -> memref<40x128xf32, #tpu.memory_space<vmem_shared>>
      %dma_wait3A_147 = arith.constant 0 : i32
      %dma_wait3A_148 = arith.constant 0 : i32
      %dma_wait3A_149 = tpu.memref_slice %arg8[%dma_wait3A_147, %dma_wait3A_148] : memref<128x128xf32, #tpu.memory_space<vmem>> -> memref<40x128xf32, #tpu.memory_space<vmem>>
      tpu.wait_dma2 semaphore(%run_scoped3A : memref<!tpu.dma_semaphore, #tpu.memory_space<semaphore_mem>>) src(%dma_wait3A_149 : memref<40x128xf32, #tpu.memory_space<vmem>>) dst(%dma_wait3A_146 : memref<40x128xf32, #tpu.memory_space<vmem_shared>>)
      tpu.yield
    }) : () -> ()
    %add3A_26 = arith.constant 280 : i32
    %add3A_27 = arith.addi %mul3A_2, %add3A_26 : i32
    "tpu.region"() ({
      %run_scoped3A = tpu.sem_alloc : memref<!tpu.dma_semaphore, #tpu.memory_space<semaphore_mem>>
      %dma_start3A_130 = arith.constant 0 : i32
      %dma_start3A_131 = arith.constant 0 : i32
      %dma_start3A_132 = tpu.memref_slice %arg8[%dma_start3A_130, %dma_start3A_131] : memref<128x128xf32, #tpu.memory_space<vmem>> -> memref<40x128xf32, #tpu.memory_space<vmem>>
      %dma_start3A_133 = arith.constant 0 : i32
      %dma_start3A_134 = tpu.memref_slice %arg10[%add3A_27, %dma_start3A_133] : memref<10112x128xf32, #tpu.memory_space<vmem_shared>> -> memref<40x128xf32, #tpu.memory_space<vmem_shared>>
      %dma_start3A_135 = arith.constant 0 : i32
      %dma_start3A_136 = tpu.memref_slice %arg10[%add3A_27, %dma_start3A_135] : memref<10112x128xf32, #tpu.memory_space<vmem_shared>> -> memref<40x128xf32, #tpu.memory_space<vmem_shared>>
      %dma_start3A_137 = arith.constant 0 : i32
      %dma_start3A_138 = arith.constant 0 : i32
      %dma_start3A_139 = tpu.memref_slice %arg8[%dma_start3A_137, %dma_start3A_138] : memref<128x128xf32, #tpu.memory_space<vmem>> -> memref<40x128xf32, #tpu.memory_space<vmem>>
      tpu.enqueue_dma source(%dma_start3A_139 : memref<40x128xf32, #tpu.memory_space<vmem>>) target(%dma_start3A_136 : memref<40x128xf32, #tpu.memory_space<vmem_shared>>) target_semaphore(%run_scoped3A : memref<!tpu.dma_semaphore, #tpu.memory_space<semaphore_mem>>)
      %dma_wait3A_140 = arith.constant 0 : i32
      %dma_wait3A_141 = arith.constant 0 : i32
      %dma_wait3A_142 = tpu.memref_slice %arg8[%dma_wait3A_140, %dma_wait3A_141] : memref<128x128xf32, #tpu.memory_space<vmem>> -> memref<40x128xf32, #tpu.memory_space<vmem>>
      %dma_wait3A_143 = arith.constant 0 : i32
      %dma_wait3A_144 = tpu.memref_slice %arg10[%add3A_27, %dma_wait3A_143] : memref<10112x128xf32, #tpu.memory_space<vmem_shared>> -> memref<40x128xf32, #tpu.memory_space<vmem_shared>>
      %dma_wait3A_145 = arith.constant 0 : i32
      %dma_wait3A_146 = tpu.memref_slice %arg10[%add3A_27, %dma_wait3A_145] : memref<10112x128xf32, #tpu.memory_space<vmem_shared>> -> memref<40x128xf32, #tpu.memory_space<vmem_shared>>
      %dma_wait3A_147 = arith.constant 0 : i32
      %dma_wait3A_148 = arith.constant 0 : i32
      %dma_wait3A_149 = tpu.memref_slice %arg8[%dma_wait3A_147, %dma_wait3A_148] : memref<128x128xf32, #tpu.memory_space<vmem>> -> memref<40x128xf32, #tpu.memory_space<vmem>>
      tpu.wait_dma2 semaphore(%run_scoped3A : memref<!tpu.dma_semaphore, #tpu.memory_space<semaphore_mem>>) src(%dma_wait3A_149 : memref<40x128xf32, #tpu.memory_space<vmem>>) dst(%dma_wait3A_146 : memref<40x128xf32, #tpu.memory_space<vmem_shared>>)
      tpu.yield
    }) : () -> ()
    %add3A_28 = arith.constant 320 : i32
    %add3A_29 = arith.addi %mul3A_2, %add3A_28 : i32
    "tpu.region"() ({
      %run_scoped3A = tpu.sem_alloc : memref<!tpu.dma_semaphore, #tpu.memory_space<semaphore_mem>>
      %dma_start3A_130 = arith.constant 0 : i32
      %dma_start3A_131 = arith.constant 0 : i32
      %dma_start3A_132 = tpu.memref_slice %arg8[%dma_start3A_130, %dma_start3A_131] : memref<128x128xf32, #tpu.memory_space<vmem>> -> memref<40x128xf32, #tpu.memory_space<vmem>>
      %dma_start3A_133 = arith.constant 0 : i32
      %dma_start3A_134 = tpu.memref_slice %arg10[%add3A_29, %dma_start3A_133] : memref<10112x128xf32, #tpu.memory_space<vmem_shared>> -> memref<40x128xf32, #tpu.memory_space<vmem_shared>>
      %dma_start3A_135 = arith.constant 0 : i32
      %dma_start3A_136 = tpu.memref_slice %arg10[%add3A_29, %dma_start3A_135] : memref<10112x128xf32, #tpu.memory_space<vmem_shared>> -> memref<40x128xf32, #tpu.memory_space<vmem_shared>>
      %dma_start3A_137 = arith.constant 0 : i32
      %dma_start3A_138 = arith.constant 0 : i32
      %dma_start3A_139 = tpu.memref_slice %arg8[%dma_start3A_137, %dma_start3A_138] : memref<128x128xf32, #tpu.memory_space<vmem>> -> memref<40x128xf32, #tpu.memory_space<vmem>>
      tpu.enqueue_dma source(%dma_start3A_139 : memref<40x128xf32, #tpu.memory_space<vmem>>) target(%dma_start3A_136 : memref<40x128xf32, #tpu.memory_space<vmem_shared>>) target_semaphore(%run_scoped3A : memref<!tpu.dma_semaphore, #tpu.memory_space<semaphore_mem>>)
      %dma_wait3A_140 = arith.constant 0 : i32
      %dma_wait3A_141 = arith.constant 0 : i32
      %dma_wait3A_142 = tpu.memref_slice %arg8[%dma_wait3A_140, %dma_wait3A_141] : memref<128x128xf32, #tpu.memory_space<vmem>> -> memref<40x128xf32, #tpu.memory_space<vmem>>
      %dma_wait3A_143 = arith.constant 0 : i32
      %dma_wait3A_144 = tpu.memref_slice %arg10[%add3A_29, %dma_wait3A_143] : memref<10112x128xf32, #tpu.memory_space<vmem_shared>> -> memref<40x128xf32, #tpu.memory_space<vmem_shared>>
      %dma_wait3A_145 = arith.constant 0 : i32
      %dma_wait3A_146 = tpu.memref_slice %arg10[%add3A_29, %dma_wait3A_145] : memref<10112x128xf32, #tpu.memory_space<vmem_shared>> -> memref<40x128xf32, #tpu.memory_space<vmem_shared>>
      %dma_wait3A_147 = arith.constant 0 : i32
      %dma_wait3A_148 = arith.constant 0 : i32
      %dma_wait3A_149 = tpu.memref_slice %arg8[%dma_wait3A_147, %dma_wait3A_148] : memref<128x128xf32, #tpu.memory_space<vmem>> -> memref<40x128xf32, #tpu.memory_space<vmem>>
      tpu.wait_dma2 semaphore(%run_scoped3A : memref<!tpu.dma_semaphore, #tpu.memory_space<semaphore_mem>>) src(%dma_wait3A_149 : memref<40x128xf32, #tpu.memory_space<vmem>>) dst(%dma_wait3A_146 : memref<40x128xf32, #tpu.memory_space<vmem_shared>>)
      tpu.yield
    }) : () -> ()
    %add3A_30 = arith.constant 360 : i32
    %add3A_31 = arith.addi %mul3A_2, %add3A_30 : i32
    "tpu.region"() ({
      %run_scoped3A = tpu.sem_alloc : memref<!tpu.dma_semaphore, #tpu.memory_space<semaphore_mem>>
      %dma_start3A_130 = arith.constant 0 : i32
      %dma_start3A_131 = arith.constant 0 : i32
      %dma_start3A_132 = tpu.memref_slice %arg8[%dma_start3A_130, %dma_start3A_131] : memref<128x128xf32, #tpu.memory_space<vmem>> -> memref<40x128xf32, #tpu.memory_space<vmem>>
      %dma_start3A_133 = arith.constant 0 : i32
      %dma_start3A_134 = tpu.memref_slice %arg10[%add3A_31, %dma_start3A_133] : memref<10112x128xf32, #tpu.memory_space<vmem_shared>> -> memref<40x128xf32, #tpu.memory_space<vmem_shared>>
      %dma_start3A_135 = arith.constant 0 : i32
      %dma_start3A_136 = tpu.memref_slice %arg10[%add3A_31, %dma_start3A_135] : memref<10112x128xf32, #tpu.memory_space<vmem_shared>> -> memref<40x128xf32, #tpu.memory_space<vmem_shared>>
      %dma_start3A_137 = arith.constant 0 : i32
      %dma_start3A_138 = arith.constant 0 : i32
      %dma_start3A_139 = tpu.memref_slice %arg8[%dma_start3A_137, %dma_start3A_138] : memref<128x128xf32, #tpu.memory_space<vmem>> -> memref<40x128xf32, #tpu.memory_space<vmem>>
      tpu.enqueue_dma source(%dma_start3A_139 : memref<40x128xf32, #tpu.memory_space<vmem>>) target(%dma_start3A_136 : memref<40x128xf32, #tpu.memory_space<vmem_shared>>) target_semaphore(%run_scoped3A : memref<!tpu.dma_semaphore, #tpu.memory_space<semaphore_mem>>)
      %dma_wait3A_140 = arith.constant 0 : i32
      %dma_wait3A_141 = arith.constant 0 : i32
      %dma_wait3A_142 = tpu.memref_slice %arg8[%dma_wait3A_140, %dma_wait3A_141] : memref<128x128xf32, #tpu.memory_space<vmem>> -> memref<40x128xf32, #tpu.memory_space<vmem>>
      %dma_wait3A_143 = arith.constant 0 : i32
      %dma_wait3A_144 = tpu.memref_slice %arg10[%add3A_31, %dma_wait3A_143] : memref<10112x128xf32, #tpu.memory_space<vmem_shared>> -> memref<40x128xf32, #tpu.memory_space<vmem_shared>>
      %dma_wait3A_145 = arith.constant 0 : i32
      %dma_wait3A_146 = tpu.memref_slice %arg10[%add3A_31, %dma_wait3A_145] : memref<10112x128xf32, #tpu.memory_space<vmem_shared>> -> memref<40x128xf32, #tpu.memory_space<vmem_shared>>
      %dma_wait3A_147 = arith.constant 0 : i32
      %dma_wait3A_148 = arith.constant 0 : i32
      %dma_wait3A_149 = tpu.memref_slice %arg8[%dma_wait3A_147, %dma_wait3A_148] : memref<128x128xf32, #tpu.memory_space<vmem>> -> memref<40x128xf32, #tpu.memory_space<vmem>>
      tpu.wait_dma2 semaphore(%run_scoped3A : memref<!tpu.dma_semaphore, #tpu.memory_space<semaphore_mem>>) src(%dma_wait3A_149 : memref<40x128xf32, #tpu.memory_space<vmem>>) dst(%dma_wait3A_146 : memref<40x128xf32, #tpu.memory_space<vmem_shared>>)
      tpu.yield
    }) : () -> ()
    %add3A_32 = arith.constant 400 : i32
    %add3A_33 = arith.addi %mul3A_2, %add3A_32 : i32
    "tpu.region"() ({
      %run_scoped3A = tpu.sem_alloc : memref<!tpu.dma_semaphore, #tpu.memory_space<semaphore_mem>>
      %dma_start3A_130 = arith.constant 0 : i32
      %dma_start3A_131 = arith.constant 0 : i32
      %dma_start3A_132 = tpu.memref_slice %arg8[%dma_start3A_130, %dma_start3A_131] : memref<128x128xf32, #tpu.memory_space<vmem>> -> memref<40x128xf32, #tpu.memory_space<vmem>>
      %dma_start3A_133 = arith.constant 0 : i32
      %dma_start3A_134 = tpu.memref_slice %arg10[%add3A_33, %dma_start3A_133] : memref<10112x128xf32, #tpu.memory_space<vmem_shared>> -> memref<40x128xf32, #tpu.memory_space<vmem_shared>>
      %dma_start3A_135 = arith.constant 0 : i32
      %dma_start3A_136 = tpu.memref_slice %arg10[%add3A_33, %dma_start3A_135] : memref<10112x128xf32, #tpu.memory_space<vmem_shared>> -> memref<40x128xf32, #tpu.memory_space<vmem_shared>>
      %dma_start3A_137 = arith.constant 0 : i32
      %dma_start3A_138 = arith.constant 0 : i32
      %dma_start3A_139 = tpu.memref_slice %arg8[%dma_start3A_137, %dma_start3A_138] : memref<128x128xf32, #tpu.memory_space<vmem>> -> memref<40x128xf32, #tpu.memory_space<vmem>>
      tpu.enqueue_dma source(%dma_start3A_139 : memref<40x128xf32, #tpu.memory_space<vmem>>) target(%dma_start3A_136 : memref<40x128xf32, #tpu.memory_space<vmem_shared>>) target_semaphore(%run_scoped3A : memref<!tpu.dma_semaphore, #tpu.memory_space<semaphore_mem>>)
      %dma_wait3A_140 = arith.constant 0 : i32
      %dma_wait3A_141 = arith.constant 0 : i32
      %dma_wait3A_142 = tpu.memref_slice %arg8[%dma_wait3A_140, %dma_wait3A_141] : memref<128x128xf32, #tpu.memory_space<vmem>> -> memref<40x128xf32, #tpu.memory_space<vmem>>
      %dma_wait3A_143 = arith.constant 0 : i32
      %dma_wait3A_144 = tpu.memref_slice %arg10[%add3A_33, %dma_wait3A_143] : memref<10112x128xf32, #tpu.memory_space<vmem_shared>> -> memref<40x128xf32, #tpu.memory_space<vmem_shared>>
      %dma_wait3A_145 = arith.constant 0 : i32
      %dma_wait3A_146 = tpu.memref_slice %arg10[%add3A_33, %dma_wait3A_145] : memref<10112x128xf32, #tpu.memory_space<vmem_shared>> -> memref<40x128xf32, #tpu.memory_space<vmem_shared>>
      %dma_wait3A_147 = arith.constant 0 : i32
      %dma_wait3A_148 = arith.constant 0 : i32
      %dma_wait3A_149 = tpu.memref_slice %arg8[%dma_wait3A_147, %dma_wait3A_148] : memref<128x128xf32, #tpu.memory_space<vmem>> -> memref<40x128xf32, #tpu.memory_space<vmem>>
      tpu.wait_dma2 semaphore(%run_scoped3A : memref<!tpu.dma_semaphore, #tpu.memory_space<semaphore_mem>>) src(%dma_wait3A_149 : memref<40x128xf32, #tpu.memory_space<vmem>>) dst(%dma_wait3A_146 : memref<40x128xf32, #tpu.memory_space<vmem_shared>>)
      tpu.yield
    }) : () -> ()
    %add3A_34 = arith.constant 440 : i32
    %add3A_35 = arith.addi %mul3A_2, %add3A_34 : i32
    "tpu.region"() ({
      %run_scoped3A = tpu.sem_alloc : memref<!tpu.dma_semaphore, #tpu.memory_space<semaphore_mem>>
      %dma_start3A_130 = arith.constant 0 : i32
      %dma_start3A_131 = arith.constant 0 : i32
      %dma_start3A_132 = tpu.memref_slice %arg8[%dma_start3A_130, %dma_start3A_131] : memref<128x128xf32, #tpu.memory_space<vmem>> -> memref<40x128xf32, #tpu.memory_space<vmem>>
      %dma_start3A_133 = arith.constant 0 : i32
      %dma_start3A_134 = tpu.memref_slice %arg10[%add3A_35, %dma_start3A_133] : memref<10112x128xf32, #tpu.memory_space<vmem_shared>> -> memref<40x128xf32, #tpu.memory_space<vmem_shared>>
      %dma_start3A_135 = arith.constant 0 : i32
      %dma_start3A_136 = tpu.memref_slice %arg10[%add3A_35, %dma_start3A_135] : memref<10112x128xf32, #tpu.memory_space<vmem_shared>> -> memref<40x128xf32, #tpu.memory_space<vmem_shared>>
      %dma_start3A_137 = arith.constant 0 : i32
      %dma_start3A_138 = arith.constant 0 : i32
      %dma_start3A_139 = tpu.memref_slice %arg8[%dma_start3A_137, %dma_start3A_138] : memref<128x128xf32, #tpu.memory_space<vmem>> -> memref<40x128xf32, #tpu.memory_space<vmem>>
      tpu.enqueue_dma source(%dma_start3A_139 : memref<40x128xf32, #tpu.memory_space<vmem>>) target(%dma_start3A_136 : memref<40x128xf32, #tpu.memory_space<vmem_shared>>) target_semaphore(%run_scoped3A : memref<!tpu.dma_semaphore, #tpu.memory_space<semaphore_mem>>)
      %dma_wait3A_140 = arith.constant 0 : i32
      %dma_wait3A_141 = arith.constant 0 : i32
      %dma_wait3A_142 = tpu.memref_slice %arg8[%dma_wait3A_140, %dma_wait3A_141] : memref<128x128xf32, #tpu.memory_space<vmem>> -> memref<40x128xf32, #tpu.memory_space<vmem>>
      %dma_wait3A_143 = arith.constant 0 : i32
      %dma_wait3A_144 = tpu.memref_slice %arg10[%add3A_35, %dma_wait3A_143] : memref<10112x128xf32, #tpu.memory_space<vmem_shared>> -> memref<40x128xf32, #tpu.memory_space<vmem_shared>>
      %dma_wait3A_145 = arith.constant 0 : i32
      %dma_wait3A_146 = tpu.memref_slice %arg10[%add3A_35, %dma_wait3A_145] : memref<10112x128xf32, #tpu.memory_space<vmem_shared>> -> memref<40x128xf32, #tpu.memory_space<vmem_shared>>
      %dma_wait3A_147 = arith.constant 0 : i32
      %dma_wait3A_148 = arith.constant 0 : i32
      %dma_wait3A_149 = tpu.memref_slice %arg8[%dma_wait3A_147, %dma_wait3A_148] : memref<128x128xf32, #tpu.memory_space<vmem>> -> memref<40x128xf32, #tpu.memory_space<vmem>>
      tpu.wait_dma2 semaphore(%run_scoped3A : memref<!tpu.dma_semaphore, #tpu.memory_space<semaphore_mem>>) src(%dma_wait3A_149 : memref<40x128xf32, #tpu.memory_space<vmem>>) dst(%dma_wait3A_146 : memref<40x128xf32, #tpu.memory_space<vmem_shared>>)
      tpu.yield
    }) : () -> ()
    %add3A_36 = arith.constant 480 : i32
    %add3A_37 = arith.addi %mul3A_2, %add3A_36 : i32
    "tpu.region"() ({
      %run_scoped3A = tpu.sem_alloc : memref<!tpu.dma_semaphore, #tpu.memory_space<semaphore_mem>>
      %dma_start3A_130 = arith.constant 0 : i32
      %dma_start3A_131 = arith.constant 0 : i32
      %dma_start3A_132 = tpu.memref_slice %arg8[%dma_start3A_130, %dma_start3A_131] : memref<128x128xf32, #tpu.memory_space<vmem>> -> memref<40x128xf32, #tpu.memory_space<vmem>>
      %dma_start3A_133 = arith.constant 0 : i32
      %dma_start3A_134 = tpu.memref_slice %arg10[%add3A_37, %dma_start3A_133] : memref<10112x128xf32, #tpu.memory_space<vmem_shared>> -> memref<40x128xf32, #tpu.memory_space<vmem_shared>>
      %dma_start3A_135 = arith.constant 0 : i32
      %dma_start3A_136 = tpu.memref_slice %arg10[%add3A_37, %dma_start3A_135] : memref<10112x128xf32, #tpu.memory_space<vmem_shared>> -> memref<40x128xf32, #tpu.memory_space<vmem_shared>>
      %dma_start3A_137 = arith.constant 0 : i32
      %dma_start3A_138 = arith.constant 0 : i32
      %dma_start3A_139 = tpu.memref_slice %arg8[%dma_start3A_137, %dma_start3A_138] : memref<128x128xf32, #tpu.memory_space<vmem>> -> memref<40x128xf32, #tpu.memory_space<vmem>>
      tpu.enqueue_dma source(%dma_start3A_139 : memref<40x128xf32, #tpu.memory_space<vmem>>) target(%dma_start3A_136 : memref<40x128xf32, #tpu.memory_space<vmem_shared>>) target_semaphore(%run_scoped3A : memref<!tpu.dma_semaphore, #tpu.memory_space<semaphore_mem>>)
      %dma_wait3A_140 = arith.constant 0 : i32
      %dma_wait3A_141 = arith.constant 0 : i32
      %dma_wait3A_142 = tpu.memref_slice %arg8[%dma_wait3A_140, %dma_wait3A_141] : memref<128x128xf32, #tpu.memory_space<vmem>> -> memref<40x128xf32, #tpu.memory_space<vmem>>
      %dma_wait3A_143 = arith.constant 0 : i32
      %dma_wait3A_144 = tpu.memref_slice %arg10[%add3A_37, %dma_wait3A_143] : memref<10112x128xf32, #tpu.memory_space<vmem_shared>> -> memref<40x128xf32, #tpu.memory_space<vmem_shared>>
      %dma_wait3A_145 = arith.constant 0 : i32
      %dma_wait3A_146 = tpu.memref_slice %arg10[%add3A_37, %dma_wait3A_145] : memref<10112x128xf32, #tpu.memory_space<vmem_shared>> -> memref<40x128xf32, #tpu.memory_space<vmem_shared>>
      %dma_wait3A_147 = arith.constant 0 : i32
      %dma_wait3A_148 = arith.constant 0 : i32
      %dma_wait3A_149 = tpu.memref_slice %arg8[%dma_wait3A_147, %dma_wait3A_148] : memref<128x128xf32, #tpu.memory_space<vmem>> -> memref<40x128xf32, #tpu.memory_space<vmem>>
      tpu.wait_dma2 semaphore(%run_scoped3A : memref<!tpu.dma_semaphore, #tpu.memory_space<semaphore_mem>>) src(%dma_wait3A_149 : memref<40x128xf32, #tpu.memory_space<vmem>>) dst(%dma_wait3A_146 : memref<40x128xf32, #tpu.memory_space<vmem_shared>>)
      tpu.yield
    }) : () -> ()
    %add3A_38 = arith.constant 520 : i32
    %add3A_39 = arith.addi %mul3A_2, %add3A_38 : i32
    "tpu.region"() ({
      %run_scoped3A = tpu.sem_alloc : memref<!tpu.dma_semaphore, #tpu.memory_space<semaphore_mem>>
      %dma_start3A_130 = arith.constant 0 : i32
      %dma_start3A_131 = arith.constant 0 : i32
      %dma_start3A_132 = tpu.memref_slice %arg8[%dma_start3A_130, %dma_start3A_131] : memref<128x128xf32, #tpu.memory_space<vmem>> -> memref<40x128xf32, #tpu.memory_space<vmem>>
      %dma_start3A_133 = arith.constant 0 : i32
      %dma_start3A_134 = tpu.memref_slice %arg10[%add3A_39, %dma_start3A_133] : memref<10112x128xf32, #tpu.memory_space<vmem_shared>> -> memref<40x128xf32, #tpu.memory_space<vmem_shared>>
      %dma_start3A_135 = arith.constant 0 : i32
      %dma_start3A_136 = tpu.memref_slice %arg10[%add3A_39, %dma_start3A_135] : memref<10112x128xf32, #tpu.memory_space<vmem_shared>> -> memref<40x128xf32, #tpu.memory_space<vmem_shared>>
      %dma_start3A_137 = arith.constant 0 : i32
      %dma_start3A_138 = arith.constant 0 : i32
      %dma_start3A_139 = tpu.memref_slice %arg8[%dma_start3A_137, %dma_start3A_138] : memref<128x128xf32, #tpu.memory_space<vmem>> -> memref<40x128xf32, #tpu.memory_space<vmem>>
      tpu.enqueue_dma source(%dma_start3A_139 : memref<40x128xf32, #tpu.memory_space<vmem>>) target(%dma_start3A_136 : memref<40x128xf32, #tpu.memory_space<vmem_shared>>) target_semaphore(%run_scoped3A : memref<!tpu.dma_semaphore, #tpu.memory_space<semaphore_mem>>)
      %dma_wait3A_140 = arith.constant 0 : i32
      %dma_wait3A_141 = arith.constant 0 : i32
      %dma_wait3A_142 = tpu.memref_slice %arg8[%dma_wait3A_140, %dma_wait3A_141] : memref<128x128xf32, #tpu.memory_space<vmem>> -> memref<40x128xf32, #tpu.memory_space<vmem>>
      %dma_wait3A_143 = arith.constant 0 : i32
      %dma_wait3A_144 = tpu.memref_slice %arg10[%add3A_39, %dma_wait3A_143] : memref<10112x128xf32, #tpu.memory_space<vmem_shared>> -> memref<40x128xf32, #tpu.memory_space<vmem_shared>>
      %dma_wait3A_145 = arith.constant 0 : i32
      %dma_wait3A_146 = tpu.memref_slice %arg10[%add3A_39, %dma_wait3A_145] : memref<10112x128xf32, #tpu.memory_space<vmem_shared>> -> memref<40x128xf32, #tpu.memory_space<vmem_shared>>
      %dma_wait3A_147 = arith.constant 0 : i32
      %dma_wait3A_148 = arith.constant 0 : i32
      %dma_wait3A_149 = tpu.memref_slice %arg8[%dma_wait3A_147, %dma_wait3A_148] : memref<128x128xf32, #tpu.memory_space<vmem>> -> memref<40x128xf32, #tpu.memory_space<vmem>>
      tpu.wait_dma2 semaphore(%run_scoped3A : memref<!tpu.dma_semaphore, #tpu.memory_space<semaphore_mem>>) src(%dma_wait3A_149 : memref<40x128xf32, #tpu.memory_space<vmem>>) dst(%dma_wait3A_146 : memref<40x128xf32, #tpu.memory_space<vmem_shared>>)
      tpu.yield
    }) : () -> ()
    %add3A_40 = arith.constant 560 : i32
    %add3A_41 = arith.addi %mul3A_2, %add3A_40 : i32
    "tpu.region"() ({
      %run_scoped3A = tpu.sem_alloc : memref<!tpu.dma_semaphore, #tpu.memory_space<semaphore_mem>>
      %dma_start3A_130 = arith.constant 0 : i32
      %dma_start3A_131 = arith.constant 0 : i32
      %dma_start3A_132 = tpu.memref_slice %arg8[%dma_start3A_130, %dma_start3A_131] : memref<128x128xf32, #tpu.memory_space<vmem>> -> memref<40x128xf32, #tpu.memory_space<vmem>>
      %dma_start3A_133 = arith.constant 0 : i32
      %dma_start3A_134 = tpu.memref_slice %arg10[%add3A_41, %dma_start3A_133] : memref<10112x128xf32, #tpu.memory_space<vmem_shared>> -> memref<40x128xf32, #tpu.memory_space<vmem_shared>>
      %dma_start3A_135 = arith.constant 0 : i32
      %dma_start3A_136 = tpu.memref_slice %arg10[%add3A_41, %dma_start3A_135] : memref<10112x128xf32, #tpu.memory_space<vmem_shared>> -> memref<40x128xf32, #tpu.memory_space<vmem_shared>>
      %dma_start3A_137 = arith.constant 0 : i32
      %dma_start3A_138 = arith.constant 0 : i32
      %dma_start3A_139 = tpu.memref_slice %arg8[%dma_start3A_137, %dma_start3A_138] : memref<128x128xf32, #tpu.memory_space<vmem>> -> memref<40x128xf32, #tpu.memory_space<vmem>>
      tpu.enqueue_dma source(%dma_start3A_139 : memref<40x128xf32, #tpu.memory_space<vmem>>) target(%dma_start3A_136 : memref<40x128xf32, #tpu.memory_space<vmem_shared>>) target_semaphore(%run_scoped3A : memref<!tpu.dma_semaphore, #tpu.memory_space<semaphore_mem>>)
      %dma_wait3A_140 = arith.constant 0 : i32
      %dma_wait3A_141 = arith.constant 0 : i32
      %dma_wait3A_142 = tpu.memref_slice %arg8[%dma_wait3A_140, %dma_wait3A_141] : memref<128x128xf32, #tpu.memory_space<vmem>> -> memref<40x128xf32, #tpu.memory_space<vmem>>
      %dma_wait3A_143 = arith.constant 0 : i32
      %dma_wait3A_144 = tpu.memref_slice %arg10[%add3A_41, %dma_wait3A_143] : memref<10112x128xf32, #tpu.memory_space<vmem_shared>> -> memref<40x128xf32, #tpu.memory_space<vmem_shared>>
      %dma_wait3A_145 = arith.constant 0 : i32
      %dma_wait3A_146 = tpu.memref_slice %arg10[%add3A_41, %dma_wait3A_145] : memref<10112x128xf32, #tpu.memory_space<vmem_shared>> -> memref<40x128xf32, #tpu.memory_space<vmem_shared>>
      %dma_wait3A_147 = arith.constant 0 : i32
      %dma_wait3A_148 = arith.constant 0 : i32
      %dma_wait3A_149 = tpu.memref_slice %arg8[%dma_wait3A_147, %dma_wait3A_148] : memref<128x128xf32, #tpu.memory_space<vmem>> -> memref<40x128xf32, #tpu.memory_space<vmem>>
      tpu.wait_dma2 semaphore(%run_scoped3A : memref<!tpu.dma_semaphore, #tpu.memory_space<semaphore_mem>>) src(%dma_wait3A_149 : memref<40x128xf32, #tpu.memory_space<vmem>>) dst(%dma_wait3A_146 : memref<40x128xf32, #tpu.memory_space<vmem_shared>>)
      tpu.yield
    }) : () -> ()
    %add3A_42 = arith.constant 600 : i32
    %add3A_43 = arith.addi %mul3A_2, %add3A_42 : i32
    "tpu.region"() ({
      %run_scoped3A = tpu.sem_alloc : memref<!tpu.dma_semaphore, #tpu.memory_space<semaphore_mem>>
      %dma_start3A_130 = arith.constant 0 : i32
      %dma_start3A_131 = arith.constant 0 : i32
      %dma_start3A_132 = tpu.memref_slice %arg8[%dma_start3A_130, %dma_start3A_131] : memref<128x128xf32, #tpu.memory_space<vmem>> -> memref<32x128xf32, #tpu.memory_space<vmem>>
      %dma_start3A_133 = arith.constant 0 : i32
      %dma_start3A_134 = tpu.memref_slice %arg10[%add3A_43, %dma_start3A_133] : memref<10112x128xf32, #tpu.memory_space<vmem_shared>> -> memref<32x128xf32, #tpu.memory_space<vmem_shared>>
      %dma_start3A_135 = arith.constant 0 : i32
      %dma_start3A_136 = tpu.memref_slice %arg10[%add3A_43, %dma_start3A_135] : memref<10112x128xf32, #tpu.memory_space<vmem_shared>> -> memref<32x128xf32, #tpu.memory_space<vmem_shared>>
      %dma_start3A_137 = arith.constant 0 : i32
      %dma_start3A_138 = arith.constant 0 : i32
      %dma_start3A_139 = tpu.memref_slice %arg8[%dma_start3A_137, %dma_start3A_138] : memref<128x128xf32, #tpu.memory_space<vmem>> -> memref<32x128xf32, #tpu.memory_space<vmem>>
      tpu.enqueue_dma source(%dma_start3A_139 : memref<32x128xf32, #tpu.memory_space<vmem>>) target(%dma_start3A_136 : memref<32x128xf32, #tpu.memory_space<vmem_shared>>) target_semaphore(%run_scoped3A : memref<!tpu.dma_semaphore, #tpu.memory_space<semaphore_mem>>)
      %dma_wait3A_140 = arith.constant 0 : i32
      %dma_wait3A_141 = arith.constant 0 : i32
      %dma_wait3A_142 = tpu.memref_slice %arg8[%dma_wait3A_140, %dma_wait3A_141] : memref<128x128xf32, #tpu.memory_space<vmem>> -> memref<32x128xf32, #tpu.memory_space<vmem>>
      %dma_wait3A_143 = arith.constant 0 : i32
      %dma_wait3A_144 = tpu.memref_slice %arg10[%add3A_43, %dma_wait3A_143] : memref<10112x128xf32, #tpu.memory_space<vmem_shared>> -> memref<32x128xf32, #tpu.memory_space<vmem_shared>>
      %dma_wait3A_145 = arith.constant 0 : i32
      %dma_wait3A_146 = tpu.memref_slice %arg10[%add3A_43, %dma_wait3A_145] : memref<10112x128xf32, #tpu.memory_space<vmem_shared>> -> memref<32x128xf32, #tpu.memory_space<vmem_shared>>
      %dma_wait3A_147 = arith.constant 0 : i32
      %dma_wait3A_148 = arith.constant 0 : i32
      %dma_wait3A_149 = tpu.memref_slice %arg8[%dma_wait3A_147, %dma_wait3A_148] : memref<128x128xf32, #tpu.memory_space<vmem>> -> memref<32x128xf32, #tpu.memory_space<vmem>>
      tpu.wait_dma2 semaphore(%run_scoped3A : memref<!tpu.dma_semaphore, #tpu.memory_space<semaphore_mem>>) src(%dma_wait3A_149 : memref<32x128xf32, #tpu.memory_space<vmem>>) dst(%dma_wait3A_146 : memref<32x128xf32, #tpu.memory_space<vmem_shared>>)
      tpu.yield
    }) : () -> ()
    %dma_wait3A = arith.constant 0 : i32
    %dma_wait3A_44 = arith.constant 0 : i32
    %dma_wait3A_45 = tpu.memref_slice %arg3[%mul3A_4, %dma_wait3A, %dma_wait3A_44] : memref<2500x2x128xi32, #tpu.memory_space<hbm>> -> memref<26x2x128xi32, #tpu.memory_space<hbm>>
    %dma_wait3A_46 = arith.constant 0 : i32
    %dma_wait3A_47 = arith.constant 0 : i32
    %dma_wait3A_48 = tpu.memref_slice %arg3[%mul3A_4, %dma_wait3A_46, %dma_wait3A_47] : memref<2500x2x128xi32, #tpu.memory_space<hbm>> -> memref<26x2x128xi32, #tpu.memory_space<hbm>>
    tpu.wait_dma2 semaphore(%arg11 : memref<!tpu.dma_semaphore, #tpu.memory_space<semaphore_mem>>) src(%dma_wait3A_48 : memref<26x2x128xi32, #tpu.memory_space<hbm>>) dst(%arg6 : memref<26x2x128xi32, #tpu.memory_space<vmem>>)
    %add3A_49 = arith.constant 26 : i32
    %add3A_50 = arith.addi %mul3A_4, %add3A_49 : i32
    %dma_start3A_51 = arith.constant 0 : i32
    %dma_start3A_52 = arith.constant 0 : i32
    %dma_start3A_53 = tpu.memref_slice %arg3[%add3A_50, %dma_start3A_51, %dma_start3A_52] : memref<2500x2x128xi32, #tpu.memory_space<hbm>> -> memref<26x2x128xi32, #tpu.memory_space<hbm>>
    %dma_start3A_54 = arith.constant 0 : i32
    %dma_start3A_55 = arith.constant 0 : i32
    %dma_start3A_56 = tpu.memref_slice %arg3[%add3A_50, %dma_start3A_54, %dma_start3A_55] : memref<2500x2x128xi32, #tpu.memory_space<hbm>> -> memref<26x2x128xi32, #tpu.memory_space<hbm>>
    tpu.enqueue_dma source(%dma_start3A_56 : memref<26x2x128xi32, #tpu.memory_space<hbm>>) target(%arg7 : memref<26x2x128xi32, #tpu.memory_space<vmem>>) target_semaphore(%arg12 : memref<!tpu.dma_semaphore, #tpu.memory_space<semaphore_mem>>)
    %dma_start3A_57 = arith.constant 0 : i32
    %dma_start3A_58 = arith.constant 0 : i32
    %dma_start3A_59 = arith.constant 0 : i32
    %dma_start3A_60 = tpu.memref_slice %arg6[%dma_start3A_57, %dma_start3A_58, %dma_start3A_59] : memref<26x2x128xi32, #tpu.memory_space<vmem>> -> memref<1x1x128xi32, #tpu.memory_space<vmem>>
    %dma_start3A_61 = tpu.memref_squeeze %dma_start3A_60 : memref<1x1x128xi32, #tpu.memory_space<vmem>> -> memref<128xi32, #tpu.memory_space<vmem>>
    %dma_start3A_62 = arith.constant 0 : i32
    %dma_start3A_63 = arith.constant 0 : i32
    %dma_start3A_64 = tpu.memref_slice %arg2[%dma_start3A_62, %dma_start3A_63] : memref<10000x128xf32, #tpu.memory_space<hbm>> -> memref<10000x128xf32, #tpu.memory_space<hbm>>
    tpu.enqueue_indirect_dma source(%dma_start3A_64 : memref<10000x128xf32, #tpu.memory_space<hbm>>) target(%arg9 : memref<128x128xf32, #tpu.memory_space<vmem>>) offsets(%dma_start3A_61 : memref<128xi32, #tpu.memory_space<vmem>>) semaphore(%arg14 : memref<!tpu.dma_semaphore, #tpu.memory_space<semaphore_mem>>)
    %barrier3A = arith.constant 0 : index
    tpu.barrier barrier_id(%barrier3A)
    %scan3A = arith.constant 0 : i32
    %scan3A_65 = arith.constant 0 : i32
    %scan3A_66 = arith.constant 13 : i32
    %scan3A_67 = arith.addi %scan3A_65, %scan3A_66 : i32
    %scan3A_68 = arith.constant 1 : i32
    scf.for %scan3A_130 = %scan3A_65 to %scan3A_67 step %scan3A_68  : i32 {
      %mul3A_131 = arith.constant 2 : i32
      %mul3A_132 = arith.muli %mul3A_131, %scan3A_130 : i32
      %dma_wait3A_133 = arith.constant 0 : i32
      %dma_wait3A_134 = arith.constant 0 : i32
      %dma_wait3A_135 = arith.constant 0 : i32
      %dma_wait3A_136 = tpu.memref_slice %arg6[%dma_wait3A_133, %dma_wait3A_134, %dma_wait3A_135] : memref<26x2x128xi32, #tpu.memory_space<vmem>> -> memref<1x1x128xi32, #tpu.memory_space<vmem>>
      %dma_wait3A_137 = tpu.memref_squeeze %dma_wait3A_136 : memref<1x1x128xi32, #tpu.memory_space<vmem>> -> memref<128xi32, #tpu.memory_space<vmem>>
      %dma_wait3A_138 = arith.constant 0 : i32
      %dma_wait3A_139 = arith.constant 0 : i32
      %dma_wait3A_140 = tpu.memref_slice %arg2[%dma_wait3A_138, %dma_wait3A_139] : memref<10000x128xf32, #tpu.memory_space<hbm>> -> memref<10000x128xf32, #tpu.memory_space<hbm>>
      tpu.wait_indirect_dma semaphore(%arg14 : memref<!tpu.dma_semaphore, #tpu.memory_space<semaphore_mem>>) src(%dma_wait3A_140 : memref<10000x128xf32, #tpu.memory_space<hbm>>) dst(%arg9 : memref<128x128xf32, #tpu.memory_space<vmem>>)
      %add3A_141 = arith.constant 1 : i32
      %add3A_142 = arith.addi %mul3A_132, %add3A_141 : i32
      %dma_start3A_143 = arith.constant 0 : i32
      %dma_start3A_144 = arith.constant 0 : i32
      %dma_start3A_145 = tpu.memref_slice %arg6[%add3A_142, %dma_start3A_143, %dma_start3A_144] : memref<26x2x128xi32, #tpu.memory_space<vmem>> -> memref<1x1x128xi32, #tpu.memory_space<vmem>>
      %dma_start3A_146 = tpu.memref_squeeze %dma_start3A_145 : memref<1x1x128xi32, #tpu.memory_space<vmem>> -> memref<128xi32, #tpu.memory_space<vmem>>
      %dma_start3A_147 = arith.constant 0 : i32
      %dma_start3A_148 = arith.constant 0 : i32
      %dma_start3A_149 = tpu.memref_slice %arg2[%dma_start3A_147, %dma_start3A_148] : memref<10000x128xf32, #tpu.memory_space<hbm>> -> memref<10000x128xf32, #tpu.memory_space<hbm>>
      tpu.enqueue_indirect_dma source(%dma_start3A_149 : memref<10000x128xf32, #tpu.memory_space<hbm>>) target(%arg8 : memref<128x128xf32, #tpu.memory_space<vmem>>) offsets(%dma_start3A_146 : memref<128xi32, #tpu.memory_space<vmem>>) semaphore(%arg13 : memref<!tpu.dma_semaphore, #tpu.memory_space<semaphore_mem>>)
      %dma_start3A_150 = arith.constant 1 : i32
      %dma_start3A_151 = arith.constant 0 : i32
      %dma_start3A_152 = tpu.memref_slice %arg6[%mul3A_132, %dma_start3A_150, %dma_start3A_151] : memref<26x2x128xi32, #tpu.memory_space<vmem>> -> memref<1x1x128xi32, #tpu.memory_space<vmem>>
      %dma_start3A_153 = tpu.memref_squeeze %dma_start3A_152 : memref<1x1x128xi32, #tpu.memory_space<vmem>> -> memref<128xi32, #tpu.memory_space<vmem>>
      %dma_start3A_154 = arith.constant 0 : i32
      %dma_start3A_155 = arith.constant 0 : i32
      %dma_start3A_156 = tpu.memref_slice %arg10[%dma_start3A_154, %dma_start3A_155] : memref<10112x128xf32, #tpu.memory_space<vmem_shared>> -> memref<10112x128xf32, #tpu.memory_space<vmem_shared>>
      tpu.enqueue_indirect_dma source(%arg9 : memref<128x128xf32, #tpu.memory_space<vmem>>) target(%dma_start3A_156 : memref<10112x128xf32, #tpu.memory_space<vmem_shared>>) offsets(%dma_start3A_153 : memref<128xi32, #tpu.memory_space<vmem>>) semaphore(%arg16 : memref<!tpu.dma_semaphore, #tpu.memory_space<semaphore_mem>>) {add = true}
      %dma_wait3A_157 = arith.constant 0 : i32
      %dma_wait3A_158 = arith.constant 0 : i32
      %dma_wait3A_159 = arith.constant 0 : i32
      %dma_wait3A_160 = tpu.memref_slice %arg6[%dma_wait3A_157, %dma_wait3A_158, %dma_wait3A_159] : memref<26x2x128xi32, #tpu.memory_space<vmem>> -> memref<1x1x128xi32, #tpu.memory_space<vmem>>
      %dma_wait3A_161 = tpu.memref_squeeze %dma_wait3A_160 : memref<1x1x128xi32, #tpu.memory_space<vmem>> -> memref<128xi32, #tpu.memory_space<vmem>>
      %dma_wait3A_162 = arith.constant 0 : i32
      %dma_wait3A_163 = arith.constant 0 : i32
      %dma_wait3A_164 = tpu.memref_slice %arg2[%dma_wait3A_162, %dma_wait3A_163] : memref<10000x128xf32, #tpu.memory_space<hbm>> -> memref<10000x128xf32, #tpu.memory_space<hbm>>
      tpu.wait_indirect_dma semaphore(%arg13 : memref<!tpu.dma_semaphore, #tpu.memory_space<semaphore_mem>>) src(%dma_wait3A_164 : memref<10000x128xf32, #tpu.memory_space<hbm>>) dst(%arg8 : memref<128x128xf32, #tpu.memory_space<vmem>>)
      %dma_wait3A_165 = arith.constant 0 : i32
      %dma_wait3A_166 = arith.constant 1 : i32
      %dma_wait3A_167 = arith.constant 0 : i32
      %dma_wait3A_168 = tpu.memref_slice %arg6[%dma_wait3A_165, %dma_wait3A_166, %dma_wait3A_167] : memref<26x2x128xi32, #tpu.memory_space<vmem>> -> memref<1x1x128xi32, #tpu.memory_space<vmem>>
      %dma_wait3A_169 = tpu.memref_squeeze %dma_wait3A_168 : memref<1x1x128xi32, #tpu.memory_space<vmem>> -> memref<128xi32, #tpu.memory_space<vmem>>
      %dma_wait3A_170 = arith.constant 0 : i32
      %dma_wait3A_171 = arith.constant 0 : i32
      %dma_wait3A_172 = tpu.memref_slice %arg10[%dma_wait3A_170, %dma_wait3A_171] : memref<10112x128xf32, #tpu.memory_space<vmem_shared>> -> memref<10112x128xf32, #tpu.memory_space<vmem_shared>>
      tpu.wait_indirect_dma semaphore(%arg16 : memref<!tpu.dma_semaphore, #tpu.memory_space<semaphore_mem>>) src(%arg9 : memref<128x128xf32, #tpu.memory_space<vmem>>) dst(%dma_wait3A_172 : memref<10112x128xf32, #tpu.memory_space<vmem_shared>>)
      %add3A_173 = arith.constant 2 : i32
      %add3A_174 = arith.addi %mul3A_132, %add3A_173 : i32
      %lt3A_175 = arith.constant 26 : i32
      %lt3A_176 = arith.cmpi slt, %add3A_174, %lt3A_175 : i32
      %convert_element_type3A_177 = arith.extui %lt3A_176 : i1 to i32
      %cond3A_178 = arith.constant 0 : i32
      %cond3A_179 = arith.cmpi ne, %convert_element_type3A_177, %cond3A_178 : i32
      scf.if %cond3A_179 {
        %add3A_197 = arith.constant 2 : i32
        %add3A_198 = arith.addi %mul3A_132, %add3A_197 : i32
        %dma_start3A_199 = arith.constant 0 : i32
        %dma_start3A_200 = arith.constant 0 : i32
        %dma_start3A_201 = tpu.memref_slice %arg6[%add3A_198, %dma_start3A_199, %dma_start3A_200] : memref<26x2x128xi32, #tpu.memory_space<vmem>> -> memref<1x1x128xi32, #tpu.memory_space<vmem>>
        %dma_start3A_202 = tpu.memref_squeeze %dma_start3A_201 : memref<1x1x128xi32, #tpu.memory_space<vmem>> -> memref<128xi32, #tpu.memory_space<vmem>>
        %dma_start3A_203 = arith.constant 0 : i32
        %dma_start3A_204 = arith.constant 0 : i32
        %dma_start3A_205 = tpu.memref_slice %arg2[%dma_start3A_203, %dma_start3A_204] : memref<10000x128xf32, #tpu.memory_space<hbm>> -> memref<10000x128xf32, #tpu.memory_space<hbm>>
        tpu.enqueue_indirect_dma source(%dma_start3A_205 : memref<10000x128xf32, #tpu.memory_space<hbm>>) target(%arg9 : memref<128x128xf32, #tpu.memory_space<vmem>>) offsets(%dma_start3A_202 : memref<128xi32, #tpu.memory_space<vmem>>) semaphore(%arg14 : memref<!tpu.dma_semaphore, #tpu.memory_space<semaphore_mem>>)
      } else {
      }
      %add3A_180 = arith.constant 1 : i32
      %add3A_181 = arith.addi %mul3A_132, %add3A_180 : i32
      %dma_start3A_182 = arith.constant 1 : i32
      %dma_start3A_183 = arith.constant 0 : i32
      %dma_start3A_184 = tpu.memref_slice %arg6[%add3A_181, %dma_start3A_182, %dma_start3A_183] : memref<26x2x128xi32, #tpu.memory_space<vmem>> -> memref<1x1x128xi32, #tpu.memory_space<vmem>>
      %dma_start3A_185 = tpu.memref_squeeze %dma_start3A_184 : memref<1x1x128xi32, #tpu.memory_space<vmem>> -> memref<128xi32, #tpu.memory_space<vmem>>
      %dma_start3A_186 = arith.constant 0 : i32
      %dma_start3A_187 = arith.constant 0 : i32
      %dma_start3A_188 = tpu.memref_slice %arg10[%dma_start3A_186, %dma_start3A_187] : memref<10112x128xf32, #tpu.memory_space<vmem_shared>> -> memref<10112x128xf32, #tpu.memory_space<vmem_shared>>
      tpu.enqueue_indirect_dma source(%arg8 : memref<128x128xf32, #tpu.memory_space<vmem>>) target(%dma_start3A_188 : memref<10112x128xf32, #tpu.memory_space<vmem_shared>>) offsets(%dma_start3A_185 : memref<128xi32, #tpu.memory_space<vmem>>) semaphore(%arg15 : memref<!tpu.dma_semaphore, #tpu.memory_space<semaphore_mem>>) {add = true}
      %dma_wait3A_189 = arith.constant 0 : i32
      %dma_wait3A_190 = arith.constant 1 : i32
      %dma_wait3A_191 = arith.constant 0 : i32
      %dma_wait3A_192 = tpu.memref_slice %arg6[%dma_wait3A_189, %dma_wait3A_190, %dma_wait3A_191] : memref<26x2x128xi32, #tpu.memory_space<vmem>> -> memref<1x1x128xi32, #tpu.memory_space<vmem>>
      %dma_wait3A_193 = tpu.memref_squeeze %dma_wait3A_192 : memref<1x1x128xi32, #tpu.memory_space<vmem>> -> memref<128xi32, #tpu.memory_space<vmem>>
      %dma_wait3A_194 = arith.constant 0 : i32
      %dma_wait3A_195 = arith.constant 0 : i32
      %dma_wait3A_196 = tpu.memref_slice %arg10[%dma_wait3A_194, %dma_wait3A_195] : memref<10112x128xf32, #tpu.memory_space<vmem_shared>> -> memref<10112x128xf32, #tpu.memory_space<vmem_shared>>
      tpu.wait_indirect_dma semaphore(%arg15 : memref<!tpu.dma_semaphore, #tpu.memory_space<semaphore_mem>>) src(%arg8 : memref<128x128xf32, #tpu.memory_space<vmem>>) dst(%dma_wait3A_196 : memref<10112x128xf32, #tpu.memory_space<vmem_shared>>)
    }
    %scan3A_69 = arith.constant 13 : i32
    %dma_wait3A_70 = arith.constant 0 : i32
    %dma_wait3A_71 = arith.constant 0 : i32
    %dma_wait3A_72 = tpu.memref_slice %arg3[%mul3A_4, %dma_wait3A_70, %dma_wait3A_71] : memref<2500x2x128xi32, #tpu.memory_space<hbm>> -> memref<26x2x128xi32, #tpu.memory_space<hbm>>
    %dma_wait3A_73 = arith.constant 0 : i32
    %dma_wait3A_74 = arith.constant 0 : i32
    %dma_wait3A_75 = tpu.memref_slice %arg3[%mul3A_4, %dma_wait3A_73, %dma_wait3A_74] : memref<2500x2x128xi32, #tpu.memory_space<hbm>> -> memref<26x2x128xi32, #tpu.memory_space<hbm>>
    tpu.wait_dma2 semaphore(%arg12 : memref<!tpu.dma_semaphore, #tpu.memory_space<semaphore_mem>>) src(%dma_wait3A_75 : memref<26x2x128xi32, #tpu.memory_space<hbm>>) dst(%arg7 : memref<26x2x128xi32, #tpu.memory_space<vmem>>)
    %add3A_76 = arith.constant 52 : i32
    %add3A_77 = arith.addi %mul3A_4, %add3A_76 : i32
    %dma_start3A_78 = arith.constant 0 : i32
    %dma_start3A_79 = arith.constant 0 : i32
    %dma_start3A_80 = tpu.memref_slice %arg3[%add3A_77, %dma_start3A_78, %dma_start3A_79] : memref<2500x2x128xi32, #tpu.memory_space<hbm>> -> memref<26x2x128xi32, #tpu.memory_space<hbm>>
    %dma_start3A_81 = arith.constant 0 : i32
    %dma_start3A_82 = arith.constant 0 : i32
    %dma_start3A_83 = tpu.memref_slice %arg3[%add3A_77, %dma_start3A_81, %dma_start3A_82] : memref<2500x2x128xi32, #tpu.memory_space<hbm>> -> memref<26x2x128xi32, #tpu.memory_space<hbm>>
    tpu.enqueue_dma source(%dma_start3A_83 : memref<26x2x128xi32, #tpu.memory_space<hbm>>) target(%arg6 : memref<26x2x128xi32, #tpu.memory_space<vmem>>) target_semaphore(%arg11 : memref<!tpu.dma_semaphore, #tpu.memory_space<semaphore_mem>>)
    %dma_start3A_84 = arith.constant 0 : i32
    %dma_start3A_85 = arith.constant 0 : i32
    %dma_start3A_86 = arith.constant 0 : i32
    %dma_start3A_87 = tpu.memref_slice %arg7[%dma_start3A_84, %dma_start3A_85, %dma_start3A_86] : memref<26x2x128xi32, #tpu.memory_space<vmem>> -> memref<1x1x128xi32, #tpu.memory_space<vmem>>
    %dma_start3A_88 = tpu.memref_squeeze %dma_start3A_87 : memref<1x1x128xi32, #tpu.memory_space<vmem>> -> memref<128xi32, #tpu.memory_space<vmem>>
    %dma_start3A_89 = arith.constant 0 : i32
    %dma_start3A_90 = arith.constant 0 : i32
    %dma_start3A_91 = tpu.memref_slice %arg2[%dma_start3A_89, %dma_start3A_90] : memref<10000x128xf32, #tpu.memory_space<hbm>> -> memref<10000x128xf32, #tpu.memory_space<hbm>>
    tpu.enqueue_indirect_dma source(%dma_start3A_91 : memref<10000x128xf32, #tpu.memory_space<hbm>>) target(%arg9 : memref<128x128xf32, #tpu.memory_space<vmem>>) offsets(%dma_start3A_88 : memref<128xi32, #tpu.memory_space<vmem>>) semaphore(%arg14 : memref<!tpu.dma_semaphore, #tpu.memory_space<semaphore_mem>>)
    %scan3A_92 = arith.constant 0 : i32
    %scan3A_93 = arith.constant 0 : i32
    %scan3A_94 = arith.constant 13 : i32
    %scan3A_95 = arith.addi %scan3A_93, %scan3A_94 : i32
    %scan3A_96 = arith.constant 1 : i32
    scf.for %scan3A_130 = %scan3A_93 to %scan3A_95 step %scan3A_96  : i32 {
      %mul3A_131 = arith.constant 2 : i32
      %mul3A_132 = arith.muli %mul3A_131, %scan3A_130 : i32
      %dma_wait3A_133 = arith.constant 0 : i32
      %dma_wait3A_134 = arith.constant 0 : i32
      %dma_wait3A_135 = arith.constant 0 : i32
      %dma_wait3A_136 = tpu.memref_slice %arg6[%dma_wait3A_133, %dma_wait3A_134, %dma_wait3A_135] : memref<26x2x128xi32, #tpu.memory_space<vmem>> -> memref<1x1x128xi32, #tpu.memory_space<vmem>>
      %dma_wait3A_137 = tpu.memref_squeeze %dma_wait3A_136 : memref<1x1x128xi32, #tpu.memory_space<vmem>> -> memref<128xi32, #tpu.memory_space<vmem>>
      %dma_wait3A_138 = arith.constant 0 : i32
      %dma_wait3A_139 = arith.constant 0 : i32
      %dma_wait3A_140 = tpu.memref_slice %arg2[%dma_wait3A_138, %dma_wait3A_139] : memref<10000x128xf32, #tpu.memory_space<hbm>> -> memref<10000x128xf32, #tpu.memory_space<hbm>>
      tpu.wait_indirect_dma semaphore(%arg14 : memref<!tpu.dma_semaphore, #tpu.memory_space<semaphore_mem>>) src(%dma_wait3A_140 : memref<10000x128xf32, #tpu.memory_space<hbm>>) dst(%arg9 : memref<128x128xf32, #tpu.memory_space<vmem>>)
      %add3A_141 = arith.constant 1 : i32
      %add3A_142 = arith.addi %mul3A_132, %add3A_141 : i32
      %dma_start3A_143 = arith.constant 0 : i32
      %dma_start3A_144 = arith.constant 0 : i32
      %dma_start3A_145 = tpu.memref_slice %arg7[%add3A_142, %dma_start3A_143, %dma_start3A_144] : memref<26x2x128xi32, #tpu.memory_space<vmem>> -> memref<1x1x128xi32, #tpu.memory_space<vmem>>
      %dma_start3A_146 = tpu.memref_squeeze %dma_start3A_145 : memref<1x1x128xi32, #tpu.memory_space<vmem>> -> memref<128xi32, #tpu.memory_space<vmem>>
      %dma_start3A_147 = arith.constant 0 : i32
      %dma_start3A_148 = arith.constant 0 : i32
      %dma_start3A_149 = tpu.memref_slice %arg2[%dma_start3A_147, %dma_start3A_148] : memref<10000x128xf32, #tpu.memory_space<hbm>> -> memref<10000x128xf32, #tpu.memory_space<hbm>>
      tpu.enqueue_indirect_dma source(%dma_start3A_149 : memref<10000x128xf32, #tpu.memory_space<hbm>>) target(%arg8 : memref<128x128xf32, #tpu.memory_space<vmem>>) offsets(%dma_start3A_146 : memref<128xi32, #tpu.memory_space<vmem>>) semaphore(%arg13 : memref<!tpu.dma_semaphore, #tpu.memory_space<semaphore_mem>>)
      %dma_start3A_150 = arith.constant 1 : i32
      %dma_start3A_151 = arith.constant 0 : i32
      %dma_start3A_152 = tpu.memref_slice %arg7[%mul3A_132, %dma_start3A_150, %dma_start3A_151] : memref<26x2x128xi32, #tpu.memory_space<vmem>> -> memref<1x1x128xi32, #tpu.memory_space<vmem>>
      %dma_start3A_153 = tpu.memref_squeeze %dma_start3A_152 : memref<1x1x128xi32, #tpu.memory_space<vmem>> -> memref<128xi32, #tpu.memory_space<vmem>>
      %dma_start3A_154 = arith.constant 0 : i32
      %dma_start3A_155 = arith.constant 0 : i32
      %dma_start3A_156 = tpu.memref_slice %arg10[%dma_start3A_154, %dma_start3A_155] : memref<10112x128xf32, #tpu.memory_space<vmem_shared>> -> memref<10112x128xf32, #tpu.memory_space<vmem_shared>>
      tpu.enqueue_indirect_dma source(%arg9 : memref<128x128xf32, #tpu.memory_space<vmem>>) target(%dma_start3A_156 : memref<10112x128xf32, #tpu.memory_space<vmem_shared>>) offsets(%dma_start3A_153 : memref<128xi32, #tpu.memory_space<vmem>>) semaphore(%arg16 : memref<!tpu.dma_semaphore, #tpu.memory_space<semaphore_mem>>) {add = true}
      %dma_wait3A_157 = arith.constant 0 : i32
      %dma_wait3A_158 = arith.constant 0 : i32
      %dma_wait3A_159 = arith.constant 0 : i32
      %dma_wait3A_160 = tpu.memref_slice %arg6[%dma_wait3A_157, %dma_wait3A_158, %dma_wait3A_159] : memref<26x2x128xi32, #tpu.memory_space<vmem>> -> memref<1x1x128xi32, #tpu.memory_space<vmem>>
      %dma_wait3A_161 = tpu.memref_squeeze %dma_wait3A_160 : memref<1x1x128xi32, #tpu.memory_space<vmem>> -> memref<128xi32, #tpu.memory_space<vmem>>
      %dma_wait3A_162 = arith.constant 0 : i32
      %dma_wait3A_163 = arith.constant 0 : i32
      %dma_wait3A_164 = tpu.memref_slice %arg2[%dma_wait3A_162, %dma_wait3A_163] : memref<10000x128xf32, #tpu.memory_space<hbm>> -> memref<10000x128xf32, #tpu.memory_space<hbm>>
      tpu.wait_indirect_dma semaphore(%arg13 : memref<!tpu.dma_semaphore, #tpu.memory_space<semaphore_mem>>) src(%dma_wait3A_164 : memref<10000x128xf32, #tpu.memory_space<hbm>>) dst(%arg8 : memref<128x128xf32, #tpu.memory_space<vmem>>)
      %dma_wait3A_165 = arith.constant 0 : i32
      %dma_wait3A_166 = arith.constant 1 : i32
      %dma_wait3A_167 = arith.constant 0 : i32
      %dma_wait3A_168 = tpu.memref_slice %arg6[%dma_wait3A_165, %dma_wait3A_166, %dma_wait3A_167] : memref<26x2x128xi32, #tpu.memory_space<vmem>> -> memref<1x1x128xi32, #tpu.memory_space<vmem>>
      %dma_wait3A_169 = tpu.memref_squeeze %dma_wait3A_168 : memref<1x1x128xi32, #tpu.memory_space<vmem>> -> memref<128xi32, #tpu.memory_space<vmem>>
      %dma_wait3A_170 = arith.constant 0 : i32
      %dma_wait3A_171 = arith.constant 0 : i32
      %dma_wait3A_172 = tpu.memref_slice %arg10[%dma_wait3A_170, %dma_wait3A_171] : memref<10112x128xf32, #tpu.memory_space<vmem_shared>> -> memref<10112x128xf32, #tpu.memory_space<vmem_shared>>
      tpu.wait_indirect_dma semaphore(%arg16 : memref<!tpu.dma_semaphore, #tpu.memory_space<semaphore_mem>>) src(%arg9 : memref<128x128xf32, #tpu.memory_space<vmem>>) dst(%dma_wait3A_172 : memref<10112x128xf32, #tpu.memory_space<vmem_shared>>)
      %add3A_173 = arith.constant 2 : i32
      %add3A_174 = arith.addi %mul3A_132, %add3A_173 : i32
      %lt3A_175 = arith.constant 26 : i32
      %lt3A_176 = arith.cmpi slt, %add3A_174, %lt3A_175 : i32
      %convert_element_type3A_177 = arith.extui %lt3A_176 : i1 to i32
      %cond3A_178 = arith.constant 0 : i32
      %cond3A_179 = arith.cmpi ne, %convert_element_type3A_177, %cond3A_178 : i32
      scf.if %cond3A_179 {
        %add3A_197 = arith.constant 2 : i32
        %add3A_198 = arith.addi %mul3A_132, %add3A_197 : i32
        %dma_start3A_199 = arith.constant 0 : i32
        %dma_start3A_200 = arith.constant 0 : i32
        %dma_start3A_201 = tpu.memref_slice %arg7[%add3A_198, %dma_start3A_199, %dma_start3A_200] : memref<26x2x128xi32, #tpu.memory_space<vmem>> -> memref<1x1x128xi32, #tpu.memory_space<vmem>>
        %dma_start3A_202 = tpu.memref_squeeze %dma_start3A_201 : memref<1x1x128xi32, #tpu.memory_space<vmem>> -> memref<128xi32, #tpu.memory_space<vmem>>
        %dma_start3A_203 = arith.constant 0 : i32
        %dma_start3A_204 = arith.constant 0 : i32
        %dma_start3A_205 = tpu.memref_slice %arg2[%dma_start3A_203, %dma_start3A_204] : memref<10000x128xf32, #tpu.memory_space<hbm>> -> memref<10000x128xf32, #tpu.memory_space<hbm>>
        tpu.enqueue_indirect_dma source(%dma_start3A_205 : memref<10000x128xf32, #tpu.memory_space<hbm>>) target(%arg9 : memref<128x128xf32, #tpu.memory_space<vmem>>) offsets(%dma_start3A_202 : memref<128xi32, #tpu.memory_space<vmem>>) semaphore(%arg14 : memref<!tpu.dma_semaphore, #tpu.memory_space<semaphore_mem>>)
      } else {
      }
      %add3A_180 = arith.constant 1 : i32
      %add3A_181 = arith.addi %mul3A_132, %add3A_180 : i32
      %dma_start3A_182 = arith.constant 1 : i32
      %dma_start3A_183 = arith.constant 0 : i32
      %dma_start3A_184 = tpu.memref_slice %arg7[%add3A_181, %dma_start3A_182, %dma_start3A_183] : memref<26x2x128xi32, #tpu.memory_space<vmem>> -> memref<1x1x128xi32, #tpu.memory_space<vmem>>
      %dma_start3A_185 = tpu.memref_squeeze %dma_start3A_184 : memref<1x1x128xi32, #tpu.memory_space<vmem>> -> memref<128xi32, #tpu.memory_space<vmem>>
      %dma_start3A_186 = arith.constant 0 : i32
      %dma_start3A_187 = arith.constant 0 : i32
      %dma_start3A_188 = tpu.memref_slice %arg10[%dma_start3A_186, %dma_start3A_187] : memref<10112x128xf32, #tpu.memory_space<vmem_shared>> -> memref<10112x128xf32, #tpu.memory_space<vmem_shared>>
      tpu.enqueue_indirect_dma source(%arg8 : memref<128x128xf32, #tpu.memory_space<vmem>>) target(%dma_start3A_188 : memref<10112x128xf32, #tpu.memory_space<vmem_shared>>) offsets(%dma_start3A_185 : memref<128xi32, #tpu.memory_space<vmem>>) semaphore(%arg15 : memref<!tpu.dma_semaphore, #tpu.memory_space<semaphore_mem>>) {add = true}
      %dma_wait3A_189 = arith.constant 0 : i32
      %dma_wait3A_190 = arith.constant 1 : i32
      %dma_wait3A_191 = arith.constant 0 : i32
      %dma_wait3A_192 = tpu.memref_slice %arg6[%dma_wait3A_189, %dma_wait3A_190, %dma_wait3A_191] : memref<26x2x128xi32, #tpu.memory_space<vmem>> -> memref<1x1x128xi32, #tpu.memory_space<vmem>>
      %dma_wait3A_193 = tpu.memref_squeeze %dma_wait3A_192 : memref<1x1x128xi32, #tpu.memory_space<vmem>> -> memref<128xi32, #tpu.memory_space<vmem>>
      %dma_wait3A_194 = arith.constant 0 : i32
      %dma_wait3A_195 = arith.constant 0 : i32
      %dma_wait3A_196 = tpu.memref_slice %arg10[%dma_wait3A_194, %dma_wait3A_195] : memref<10112x128xf32, #tpu.memory_space<vmem_shared>> -> memref<10112x128xf32, #tpu.memory_space<vmem_shared>>
      tpu.wait_indirect_dma semaphore(%arg15 : memref<!tpu.dma_semaphore, #tpu.memory_space<semaphore_mem>>) src(%arg8 : memref<128x128xf32, #tpu.memory_space<vmem>>) dst(%dma_wait3A_196 : memref<10112x128xf32, #tpu.memory_space<vmem_shared>>)
    }
    %scan3A_97 = arith.constant 13 : i32
    %dma_wait3A_98 = arith.constant 0 : i32
    %dma_wait3A_99 = arith.constant 0 : i32
    %dma_wait3A_100 = tpu.memref_slice %arg3[%mul3A_4, %dma_wait3A_98, %dma_wait3A_99] : memref<2500x2x128xi32, #tpu.memory_space<hbm>> -> memref<26x2x128xi32, #tpu.memory_space<hbm>>
    %dma_wait3A_101 = arith.constant 0 : i32
    %dma_wait3A_102 = arith.constant 0 : i32
    %dma_wait3A_103 = tpu.memref_slice %arg3[%mul3A_4, %dma_wait3A_101, %dma_wait3A_102] : memref<2500x2x128xi32, #tpu.memory_space<hbm>> -> memref<26x2x128xi32, #tpu.memory_space<hbm>>
    tpu.wait_dma2 semaphore(%arg11 : memref<!tpu.dma_semaphore, #tpu.memory_space<semaphore_mem>>) src(%dma_wait3A_103 : memref<26x2x128xi32, #tpu.memory_space<hbm>>) dst(%arg6 : memref<26x2x128xi32, #tpu.memory_space<vmem>>)
    %dma_start3A_104 = arith.constant 0 : i32
    %dma_start3A_105 = arith.constant 0 : i32
    %dma_start3A_106 = arith.constant 0 : i32
    %dma_start3A_107 = tpu.memref_slice %arg6[%dma_start3A_104, %dma_start3A_105, %dma_start3A_106] : memref<26x2x128xi32, #tpu.memory_space<vmem>> -> memref<1x1x128xi32, #tpu.memory_space<vmem>>
    %dma_start3A_108 = tpu.memref_squeeze %dma_start3A_107 : memref<1x1x128xi32, #tpu.memory_space<vmem>> -> memref<128xi32, #tpu.memory_space<vmem>>
    %dma_start3A_109 = arith.constant 0 : i32
    %dma_start3A_110 = arith.constant 0 : i32
    %dma_start3A_111 = tpu.memref_slice %arg2[%dma_start3A_109, %dma_start3A_110] : memref<10000x128xf32, #tpu.memory_space<hbm>> -> memref<10000x128xf32, #tpu.memory_space<hbm>>
    tpu.enqueue_indirect_dma source(%dma_start3A_111 : memref<10000x128xf32, #tpu.memory_space<hbm>>) target(%arg9 : memref<128x128xf32, #tpu.memory_space<vmem>>) offsets(%dma_start3A_108 : memref<128xi32, #tpu.memory_space<vmem>>) semaphore(%arg14 : memref<!tpu.dma_semaphore, #tpu.memory_space<semaphore_mem>>)
    %scan3A_112 = arith.constant 0 : i32
    %scan3A_113 = arith.constant 0 : i32
    %scan3A_114 = arith.constant 13 : i32
    %scan3A_115 = arith.addi %scan3A_113, %scan3A_114 : i32
    %scan3A_116 = arith.constant 1 : i32
    scf.for %scan3A_130 = %scan3A_113 to %scan3A_115 step %scan3A_116  : i32 {
      %mul3A_131 = arith.constant 2 : i32
      %mul3A_132 = arith.muli %mul3A_131, %scan3A_130 : i32
      %dma_wait3A_133 = arith.constant 0 : i32
      %dma_wait3A_134 = arith.constant 0 : i32
      %dma_wait3A_135 = arith.constant 0 : i32
      %dma_wait3A_136 = tpu.memref_slice %arg6[%dma_wait3A_133, %dma_wait3A_134, %dma_wait3A_135] : memref<26x2x128xi32, #tpu.memory_space<vmem>> -> memref<1x1x128xi32, #tpu.memory_space<vmem>>
      %dma_wait3A_137 = tpu.memref_squeeze %dma_wait3A_136 : memref<1x1x128xi32, #tpu.memory_space<vmem>> -> memref<128xi32, #tpu.memory_space<vmem>>
      %dma_wait3A_138 = arith.constant 0 : i32
      %dma_wait3A_139 = arith.constant 0 : i32
      %dma_wait3A_140 = tpu.memref_slice %arg2[%dma_wait3A_138, %dma_wait3A_139] : memref<10000x128xf32, #tpu.memory_space<hbm>> -> memref<10000x128xf32, #tpu.memory_space<hbm>>
      tpu.wait_indirect_dma semaphore(%arg14 : memref<!tpu.dma_semaphore, #tpu.memory_space<semaphore_mem>>) src(%dma_wait3A_140 : memref<10000x128xf32, #tpu.memory_space<hbm>>) dst(%arg9 : memref<128x128xf32, #tpu.memory_space<vmem>>)
      %add3A_141 = arith.constant 1 : i32
      %add3A_142 = arith.addi %mul3A_132, %add3A_141 : i32
      %dma_start3A_143 = arith.constant 0 : i32
      %dma_start3A_144 = arith.constant 0 : i32
      %dma_start3A_145 = tpu.memref_slice %arg6[%add3A_142, %dma_start3A_143, %dma_start3A_144] : memref<26x2x128xi32, #tpu.memory_space<vmem>> -> memref<1x1x128xi32, #tpu.memory_space<vmem>>
      %dma_start3A_146 = tpu.memref_squeeze %dma_start3A_145 : memref<1x1x128xi32, #tpu.memory_space<vmem>> -> memref<128xi32, #tpu.memory_space<vmem>>
      %dma_start3A_147 = arith.constant 0 : i32
      %dma_start3A_148 = arith.constant 0 : i32
      %dma_start3A_149 = tpu.memref_slice %arg2[%dma_start3A_147, %dma_start3A_148] : memref<10000x128xf32, #tpu.memory_space<hbm>> -> memref<10000x128xf32, #tpu.memory_space<hbm>>
      tpu.enqueue_indirect_dma source(%dma_start3A_149 : memref<10000x128xf32, #tpu.memory_space<hbm>>) target(%arg8 : memref<128x128xf32, #tpu.memory_space<vmem>>) offsets(%dma_start3A_146 : memref<128xi32, #tpu.memory_space<vmem>>) semaphore(%arg13 : memref<!tpu.dma_semaphore, #tpu.memory_space<semaphore_mem>>)
      %dma_start3A_150 = arith.constant 1 : i32
      %dma_start3A_151 = arith.constant 0 : i32
      %dma_start3A_152 = tpu.memref_slice %arg6[%mul3A_132, %dma_start3A_150, %dma_start3A_151] : memref<26x2x128xi32, #tpu.memory_space<vmem>> -> memref<1x1x128xi32, #tpu.memory_space<vmem>>
      %dma_start3A_153 = tpu.memref_squeeze %dma_start3A_152 : memref<1x1x128xi32, #tpu.memory_space<vmem>> -> memref<128xi32, #tpu.memory_space<vmem>>
      %dma_start3A_154 = arith.constant 0 : i32
      %dma_start3A_155 = arith.constant 0 : i32
      %dma_start3A_156 = tpu.memref_slice %arg10[%dma_start3A_154, %dma_start3A_155] : memref<10112x128xf32, #tpu.memory_space<vmem_shared>> -> memref<10112x128xf32, #tpu.memory_space<vmem_shared>>
      tpu.enqueue_indirect_dma source(%arg9 : memref<128x128xf32, #tpu.memory_space<vmem>>) target(%dma_start3A_156 : memref<10112x128xf32, #tpu.memory_space<vmem_shared>>) offsets(%dma_start3A_153 : memref<128xi32, #tpu.memory_space<vmem>>) semaphore(%arg16 : memref<!tpu.dma_semaphore, #tpu.memory_space<semaphore_mem>>) {add = true}
      %dma_wait3A_157 = arith.constant 0 : i32
      %dma_wait3A_158 = arith.constant 0 : i32
      %dma_wait3A_159 = arith.constant 0 : i32
      %dma_wait3A_160 = tpu.memref_slice %arg6[%dma_wait3A_157, %dma_wait3A_158, %dma_wait3A_159] : memref<26x2x128xi32, #tpu.memory_space<vmem>> -> memref<1x1x128xi32, #tpu.memory_space<vmem>>
      %dma_wait3A_161 = tpu.memref_squeeze %dma_wait3A_160 : memref<1x1x128xi32, #tpu.memory_space<vmem>> -> memref<128xi32, #tpu.memory_space<vmem>>
      %dma_wait3A_162 = arith.constant 0 : i32
      %dma_wait3A_163 = arith.constant 0 : i32
      %dma_wait3A_164 = tpu.memref_slice %arg2[%dma_wait3A_162, %dma_wait3A_163] : memref<10000x128xf32, #tpu.memory_space<hbm>> -> memref<10000x128xf32, #tpu.memory_space<hbm>>
      tpu.wait_indirect_dma semaphore(%arg13 : memref<!tpu.dma_semaphore, #tpu.memory_space<semaphore_mem>>) src(%dma_wait3A_164 : memref<10000x128xf32, #tpu.memory_space<hbm>>) dst(%arg8 : memref<128x128xf32, #tpu.memory_space<vmem>>)
      %dma_wait3A_165 = arith.constant 0 : i32
      %dma_wait3A_166 = arith.constant 1 : i32
      %dma_wait3A_167 = arith.constant 0 : i32
      %dma_wait3A_168 = tpu.memref_slice %arg6[%dma_wait3A_165, %dma_wait3A_166, %dma_wait3A_167] : memref<26x2x128xi32, #tpu.memory_space<vmem>> -> memref<1x1x128xi32, #tpu.memory_space<vmem>>
      %dma_wait3A_169 = tpu.memref_squeeze %dma_wait3A_168 : memref<1x1x128xi32, #tpu.memory_space<vmem>> -> memref<128xi32, #tpu.memory_space<vmem>>
      %dma_wait3A_170 = arith.constant 0 : i32
      %dma_wait3A_171 = arith.constant 0 : i32
      %dma_wait3A_172 = tpu.memref_slice %arg10[%dma_wait3A_170, %dma_wait3A_171] : memref<10112x128xf32, #tpu.memory_space<vmem_shared>> -> memref<10112x128xf32, #tpu.memory_space<vmem_shared>>
      tpu.wait_indirect_dma semaphore(%arg16 : memref<!tpu.dma_semaphore, #tpu.memory_space<semaphore_mem>>) src(%arg9 : memref<128x128xf32, #tpu.memory_space<vmem>>) dst(%dma_wait3A_172 : memref<10112x128xf32, #tpu.memory_space<vmem_shared>>)
      %add3A_173 = arith.constant 2 : i32
      %add3A_174 = arith.addi %mul3A_132, %add3A_173 : i32
      %lt3A_175 = arith.constant 26 : i32
      %lt3A_176 = arith.cmpi slt, %add3A_174, %lt3A_175 : i32
      %convert_element_type3A_177 = arith.extui %lt3A_176 : i1 to i32
      %cond3A_178 = arith.constant 0 : i32
      %cond3A_179 = arith.cmpi ne, %convert_element_type3A_177, %cond3A_178 : i32
      scf.if %cond3A_179 {
        %add3A_197 = arith.constant 2 : i32
        %add3A_198 = arith.addi %mul3A_132, %add3A_197 : i32
        %dma_start3A_199 = arith.constant 0 : i32
        %dma_start3A_200 = arith.constant 0 : i32
        %dma_start3A_201 = tpu.memref_slice %arg6[%add3A_198, %dma_start3A_199, %dma_start3A_200] : memref<26x2x128xi32, #tpu.memory_space<vmem>> -> memref<1x1x128xi32, #tpu.memory_space<vmem>>
        %dma_start3A_202 = tpu.memref_squeeze %dma_start3A_201 : memref<1x1x128xi32, #tpu.memory_space<vmem>> -> memref<128xi32, #tpu.memory_space<vmem>>
        %dma_start3A_203 = arith.constant 0 : i32
        %dma_start3A_204 = arith.constant 0 : i32
        %dma_start3A_205 = tpu.memref_slice %arg2[%dma_start3A_203, %dma_start3A_204] : memref<10000x128xf32, #tpu.memory_space<hbm>> -> memref<10000x128xf32, #tpu.memory_space<hbm>>
        tpu.enqueue_indirect_dma source(%dma_start3A_205 : memref<10000x128xf32, #tpu.memory_space<hbm>>) target(%arg9 : memref<128x128xf32, #tpu.memory_space<vmem>>) offsets(%dma_start3A_202 : memref<128xi32, #tpu.memory_space<vmem>>) semaphore(%arg14 : memref<!tpu.dma_semaphore, #tpu.memory_space<semaphore_mem>>)
      } else {
      }
      %add3A_180 = arith.constant 1 : i32
      %add3A_181 = arith.addi %mul3A_132, %add3A_180 : i32
      %dma_start3A_182 = arith.constant 1 : i32
      %dma_start3A_183 = arith.constant 0 : i32
      %dma_start3A_184 = tpu.memref_slice %arg6[%add3A_181, %dma_start3A_182, %dma_start3A_183] : memref<26x2x128xi32, #tpu.memory_space<vmem>> -> memref<1x1x128xi32, #tpu.memory_space<vmem>>
      %dma_start3A_185 = tpu.memref_squeeze %dma_start3A_184 : memref<1x1x128xi32, #tpu.memory_space<vmem>> -> memref<128xi32, #tpu.memory_space<vmem>>
      %dma_start3A_186 = arith.constant 0 : i32
      %dma_start3A_187 = arith.constant 0 : i32
      %dma_start3A_188 = tpu.memref_slice %arg10[%dma_start3A_186, %dma_start3A_187] : memref<10112x128xf32, #tpu.memory_space<vmem_shared>> -> memref<10112x128xf32, #tpu.memory_space<vmem_shared>>
      tpu.enqueue_indirect_dma source(%arg8 : memref<128x128xf32, #tpu.memory_space<vmem>>) target(%dma_start3A_188 : memref<10112x128xf32, #tpu.memory_space<vmem_shared>>) offsets(%dma_start3A_185 : memref<128xi32, #tpu.memory_space<vmem>>) semaphore(%arg15 : memref<!tpu.dma_semaphore, #tpu.memory_space<semaphore_mem>>) {add = true}
      %dma_wait3A_189 = arith.constant 0 : i32
      %dma_wait3A_190 = arith.constant 1 : i32
      %dma_wait3A_191 = arith.constant 0 : i32
      %dma_wait3A_192 = tpu.memref_slice %arg6[%dma_wait3A_189, %dma_wait3A_190, %dma_wait3A_191] : memref<26x2x128xi32, #tpu.memory_space<vmem>> -> memref<1x1x128xi32, #tpu.memory_space<vmem>>
      %dma_wait3A_193 = tpu.memref_squeeze %dma_wait3A_192 : memref<1x1x128xi32, #tpu.memory_space<vmem>> -> memref<128xi32, #tpu.memory_space<vmem>>
      %dma_wait3A_194 = arith.constant 0 : i32
      %dma_wait3A_195 = arith.constant 0 : i32
      %dma_wait3A_196 = tpu.memref_slice %arg10[%dma_wait3A_194, %dma_wait3A_195] : memref<10112x128xf32, #tpu.memory_space<vmem_shared>> -> memref<10112x128xf32, #tpu.memory_space<vmem_shared>>
      tpu.wait_indirect_dma semaphore(%arg15 : memref<!tpu.dma_semaphore, #tpu.memory_space<semaphore_mem>>) src(%arg8 : memref<128x128xf32, #tpu.memory_space<vmem>>) dst(%dma_wait3A_196 : memref<10112x128xf32, #tpu.memory_space<vmem_shared>>)
    }
    %scan3A_117 = arith.constant 13 : i32
    %sub3A = arith.constant 28 : i32
    %sub3A_118 = arith.subi %add3A, %sub3A : i32
    %ge3A = arith.constant 0 : i32
    %ge3A_119 = arith.cmpi sge, %sub3A_118, %ge3A : i32
    %convert_element_type3A = arith.extui %ge3A_119 : i1 to i32
    %cond3A = arith.constant 0 : i32
    %cond3A_120 = arith.cmpi ne, %convert_element_type3A, %cond3A : i32
    scf.if %cond3A_120 {
      %add3A_130 = arith.constant 2496 : i32
      %add3A_131 = arith.addi %add3A_130, %sub3A_118 : i32
      "tpu.region"() ({
        %run_scoped3A = tpu.sem_alloc : memref<!tpu.dma_semaphore, #tpu.memory_space<semaphore_mem>>
        %dma_start3A_164 = arith.constant 0 : i32
        %dma_start3A_165 = arith.constant 0 : i32
        %dma_start3A_166 = arith.constant 0 : i32
        %dma_start3A_167 = tpu.memref_slice %arg6[%dma_start3A_164, %dma_start3A_165, %dma_start3A_166] : memref<26x2x128xi32, #tpu.memory_space<vmem>> -> memref<1x2x128xi32, #tpu.memory_space<vmem>>
        %dma_start3A_168 = arith.constant 0 : i32
        %dma_start3A_169 = arith.constant 0 : i32
        %dma_start3A_170 = tpu.memref_slice %arg3[%add3A_131, %dma_start3A_168, %dma_start3A_169] : memref<2500x2x128xi32, #tpu.memory_space<hbm>> -> memref<1x2x128xi32, #tpu.memory_space<hbm>>
        %dma_start3A_171 = arith.constant 0 : i32
        %dma_start3A_172 = arith.constant 0 : i32
        %dma_start3A_173 = arith.constant 0 : i32
        %dma_start3A_174 = tpu.memref_slice %arg6[%dma_start3A_171, %dma_start3A_172, %dma_start3A_173] : memref<26x2x128xi32, #tpu.memory_space<vmem>> -> memref<1x2x128xi32, #tpu.memory_space<vmem>>
        %dma_start3A_175 = arith.constant 0 : i32
        %dma_start3A_176 = arith.constant 0 : i32
        %dma_start3A_177 = tpu.memref_slice %arg3[%add3A_131, %dma_start3A_175, %dma_start3A_176] : memref<2500x2x128xi32, #tpu.memory_space<hbm>> -> memref<1x2x128xi32, #tpu.memory_space<hbm>>
        tpu.enqueue_dma source(%dma_start3A_177 : memref<1x2x128xi32, #tpu.memory_space<hbm>>) target(%dma_start3A_174 : memref<1x2x128xi32, #tpu.memory_space<vmem>>) target_semaphore(%run_scoped3A : memref<!tpu.dma_semaphore, #tpu.memory_space<semaphore_mem>>)
        %dma_wait3A_178 = arith.constant 0 : i32
        %dma_wait3A_179 = arith.constant 0 : i32
        %dma_wait3A_180 = arith.constant 0 : i32
        %dma_wait3A_181 = tpu.memref_slice %arg6[%dma_wait3A_178, %dma_wait3A_179, %dma_wait3A_180] : memref<26x2x128xi32, #tpu.memory_space<vmem>> -> memref<1x2x128xi32, #tpu.memory_space<vmem>>
        %dma_wait3A_182 = arith.constant 0 : i32
        %dma_wait3A_183 = arith.constant 0 : i32
        %dma_wait3A_184 = tpu.memref_slice %arg3[%add3A_131, %dma_wait3A_182, %dma_wait3A_183] : memref<2500x2x128xi32, #tpu.memory_space<hbm>> -> memref<1x2x128xi32, #tpu.memory_space<hbm>>
        %dma_wait3A_185 = arith.constant 0 : i32
        %dma_wait3A_186 = arith.constant 0 : i32
        %dma_wait3A_187 = arith.constant 0 : i32
        %dma_wait3A_188 = tpu.memref_slice %arg6[%dma_wait3A_185, %dma_wait3A_186, %dma_wait3A_187] : memref<26x2x128xi32, #tpu.memory_space<vmem>> -> memref<1x2x128xi32, #tpu.memory_space<vmem>>
        %dma_wait3A_189 = arith.constant 0 : i32
        %dma_wait3A_190 = arith.constant 0 : i32
        %dma_wait3A_191 = tpu.memref_slice %arg3[%add3A_131, %dma_wait3A_189, %dma_wait3A_190] : memref<2500x2x128xi32, #tpu.memory_space<hbm>> -> memref<1x2x128xi32, #tpu.memory_space<hbm>>
        tpu.wait_dma2 semaphore(%run_scoped3A : memref<!tpu.dma_semaphore, #tpu.memory_space<semaphore_mem>>) src(%dma_wait3A_191 : memref<1x2x128xi32, #tpu.memory_space<hbm>>) dst(%dma_wait3A_188 : memref<1x2x128xi32, #tpu.memory_space<vmem>>)
        tpu.yield
      }) : () -> ()
      %dma_start3A_132 = arith.constant 0 : i32
      %dma_start3A_133 = arith.constant 0 : i32
      %dma_start3A_134 = arith.constant 0 : i32
      %dma_start3A_135 = tpu.memref_slice %arg6[%dma_start3A_132, %dma_start3A_133, %dma_start3A_134] : memref<26x2x128xi32, #tpu.memory_space<vmem>> -> memref<1x1x128xi32, #tpu.memory_space<vmem>>
      %dma_start3A_136 = tpu.memref_squeeze %dma_start3A_135 : memref<1x1x128xi32, #tpu.memory_space<vmem>> -> memref<128xi32, #tpu.memory_space<vmem>>
      %dma_start3A_137 = arith.constant 0 : i32
      %dma_start3A_138 = arith.constant 0 : i32
      %dma_start3A_139 = tpu.memref_slice %arg2[%dma_start3A_137, %dma_start3A_138] : memref<10000x128xf32, #tpu.memory_space<hbm>> -> memref<10000x128xf32, #tpu.memory_space<hbm>>
      tpu.enqueue_indirect_dma source(%dma_start3A_139 : memref<10000x128xf32, #tpu.memory_space<hbm>>) target(%arg8 : memref<128x128xf32, #tpu.memory_space<vmem>>) offsets(%dma_start3A_136 : memref<128xi32, #tpu.memory_space<vmem>>) semaphore(%arg13 : memref<!tpu.dma_semaphore, #tpu.memory_space<semaphore_mem>>)
      %dma_wait3A_140 = arith.constant 0 : i32
      %dma_wait3A_141 = arith.constant 0 : i32
      %dma_wait3A_142 = arith.constant 0 : i32
      %dma_wait3A_143 = tpu.memref_slice %arg6[%dma_wait3A_140, %dma_wait3A_141, %dma_wait3A_142] : memref<26x2x128xi32, #tpu.memory_space<vmem>> -> memref<1x1x128xi32, #tpu.memory_space<vmem>>
      %dma_wait3A_144 = tpu.memref_squeeze %dma_wait3A_143 : memref<1x1x128xi32, #tpu.memory_space<vmem>> -> memref<128xi32, #tpu.memory_space<vmem>>
      %dma_wait3A_145 = arith.constant 0 : i32
      %dma_wait3A_146 = arith.constant 0 : i32
      %dma_wait3A_147 = tpu.memref_slice %arg2[%dma_wait3A_145, %dma_wait3A_146] : memref<10000x128xf32, #tpu.memory_space<hbm>> -> memref<10000x128xf32, #tpu.memory_space<hbm>>
      tpu.wait_indirect_dma semaphore(%arg13 : memref<!tpu.dma_semaphore, #tpu.memory_space<semaphore_mem>>) src(%dma_wait3A_147 : memref<10000x128xf32, #tpu.memory_space<hbm>>) dst(%arg8 : memref<128x128xf32, #tpu.memory_space<vmem>>)
      %dma_start3A_148 = arith.constant 0 : i32
      %dma_start3A_149 = arith.constant 1 : i32
      %dma_start3A_150 = arith.constant 0 : i32
      %dma_start3A_151 = tpu.memref_slice %arg6[%dma_start3A_148, %dma_start3A_149, %dma_start3A_150] : memref<26x2x128xi32, #tpu.memory_space<vmem>> -> memref<1x1x128xi32, #tpu.memory_space<vmem>>
      %dma_start3A_152 = tpu.memref_squeeze %dma_start3A_151 : memref<1x1x128xi32, #tpu.memory_space<vmem>> -> memref<128xi32, #tpu.memory_space<vmem>>
      %dma_start3A_153 = arith.constant 0 : i32
      %dma_start3A_154 = arith.constant 0 : i32
      %dma_start3A_155 = tpu.memref_slice %arg10[%dma_start3A_153, %dma_start3A_154] : memref<10112x128xf32, #tpu.memory_space<vmem_shared>> -> memref<10112x128xf32, #tpu.memory_space<vmem_shared>>
      tpu.enqueue_indirect_dma source(%arg8 : memref<128x128xf32, #tpu.memory_space<vmem>>) target(%dma_start3A_155 : memref<10112x128xf32, #tpu.memory_space<vmem_shared>>) offsets(%dma_start3A_152 : memref<128xi32, #tpu.memory_space<vmem>>) semaphore(%arg15 : memref<!tpu.dma_semaphore, #tpu.memory_space<semaphore_mem>>) {add = true}
      %dma_wait3A_156 = arith.constant 0 : i32
      %dma_wait3A_157 = arith.constant 1 : i32
      %dma_wait3A_158 = arith.constant 0 : i32
      %dma_wait3A_159 = tpu.memref_slice %arg6[%dma_wait3A_156, %dma_wait3A_157, %dma_wait3A_158] : memref<26x2x128xi32, #tpu.memory_space<vmem>> -> memref<1x1x128xi32, #tpu.memory_space<vmem>>
      %dma_wait3A_160 = tpu.memref_squeeze %dma_wait3A_159 : memref<1x1x128xi32, #tpu.memory_space<vmem>> -> memref<128xi32, #tpu.memory_space<vmem>>
      %dma_wait3A_161 = arith.constant 0 : i32
      %dma_wait3A_162 = arith.constant 0 : i32
      %dma_wait3A_163 = tpu.memref_slice %arg10[%dma_wait3A_161, %dma_wait3A_162] : memref<10112x128xf32, #tpu.memory_space<vmem_shared>> -> memref<10112x128xf32, #tpu.memory_space<vmem_shared>>
      tpu.wait_indirect_dma semaphore(%arg15 : memref<!tpu.dma_semaphore, #tpu.memory_space<semaphore_mem>>) src(%arg8 : memref<128x128xf32, #tpu.memory_space<vmem>>) dst(%dma_wait3A_163 : memref<10112x128xf32, #tpu.memory_space<vmem_shared>>)
    } else {
    }
    %barrier3A_121 = arith.constant 0 : index
    tpu.barrier barrier_id(%barrier3A_121)
    %lt3A = arith.constant 15 : i32
    %lt3A_122 = arith.cmpi slt, %arg1, %lt3A : i32
    %convert_element_type3A_123 = arith.extui %lt3A_122 : i1 to i32
    %cond3A_124 = arith.constant 0 : i32
    %cond3A_125 = arith.cmpi ne, %convert_element_type3A_123, %cond3A_124 : i32
    scf.if %cond3A_125 {
      "tpu.region"() ({
        %run_scoped3A = tpu.sem_alloc : memref<!tpu.dma_semaphore, #tpu.memory_space<semaphore_mem>>
        %dma_start3A_130 = arith.constant 0 : i32
        %dma_start3A_131 = tpu.memref_slice %arg5[%arg0, %mul3A_2, %dma_start3A_130] : memref<2x10000x128xf32, #tpu.memory_space<hbm>> -> memref<1x632x128xf32, #tpu.memory_space<hbm>>
        %dma_start3A_132 = tpu.memref_squeeze %dma_start3A_131 : memref<1x632x128xf32, #tpu.memory_space<hbm>> -> memref<632x128xf32, #tpu.memory_space<hbm>>
        %dma_start3A_133 = arith.constant 0 : i32
        %dma_start3A_134 = tpu.memref_slice %arg10[%mul3A_2, %dma_start3A_133] : memref<10112x128xf32, #tpu.memory_space<vmem_shared>> -> memref<632x128xf32, #tpu.memory_space<vmem_shared>>
        tpu.enqueue_dma source(%dma_start3A_134 : memref<632x128xf32, #tpu.memory_space<vmem_shared>>) target(%dma_start3A_132 : memref<632x128xf32, #tpu.memory_space<hbm>>) target_semaphore(%run_scoped3A : memref<!tpu.dma_semaphore, #tpu.memory_space<semaphore_mem>>)
        %dma_wait3A_135 = arith.constant 0 : i32
        %dma_wait3A_136 = tpu.memref_slice %arg5[%arg0, %mul3A_2, %dma_wait3A_135] : memref<2x10000x128xf32, #tpu.memory_space<hbm>> -> memref<1x632x128xf32, #tpu.memory_space<hbm>>
        %dma_wait3A_137 = tpu.memref_squeeze %dma_wait3A_136 : memref<1x632x128xf32, #tpu.memory_space<hbm>> -> memref<632x128xf32, #tpu.memory_space<hbm>>
        %dma_wait3A_138 = arith.constant 0 : i32
        %dma_wait3A_139 = tpu.memref_slice %arg10[%mul3A_2, %dma_wait3A_138] : memref<10112x128xf32, #tpu.memory_space<vmem_shared>> -> memref<632x128xf32, #tpu.memory_space<vmem_shared>>
        tpu.wait_dma2 semaphore(%run_scoped3A : memref<!tpu.dma_semaphore, #tpu.memory_space<semaphore_mem>>) src(%dma_wait3A_139 : memref<632x128xf32, #tpu.memory_space<vmem_shared>>) dst(%dma_wait3A_137 : memref<632x128xf32, #tpu.memory_space<hbm>>)
        tpu.yield
      }) : () -> ()
    } else {
    }
    %eq3A = arith.constant 15 : i32
    %eq3A_126 = arith.cmpi eq, %arg1, %eq3A : i32
    %convert_element_type3A_127 = arith.extui %eq3A_126 : i1 to i32
    %cond3A_128 = arith.constant 0 : i32
    %cond3A_129 = arith.cmpi ne, %convert_element_type3A_127, %cond3A_128 : i32
    scf.if %cond3A_129 {
      "tpu.region"() ({
        %run_scoped3A = tpu.sem_alloc : memref<!tpu.dma_semaphore, #tpu.memory_space<semaphore_mem>>
        %dma_start3A_130 = arith.constant 0 : i32
        %dma_start3A_131 = tpu.memref_slice %arg5[%arg0, %mul3A_2, %dma_start3A_130] : memref<2x10000x128xf32, #tpu.memory_space<hbm>> -> memref<1x520x128xf32, #tpu.memory_space<hbm>>
        %dma_start3A_132 = tpu.memref_squeeze %dma_start3A_131 : memref<1x520x128xf32, #tpu.memory_space<hbm>> -> memref<520x128xf32, #tpu.memory_space<hbm>>
        %dma_start3A_133 = arith.constant 0 : i32
        %dma_start3A_134 = tpu.memref_slice %arg10[%mul3A_2, %dma_start3A_133] : memref<10112x128xf32, #tpu.memory_space<vmem_shared>> -> memref<520x128xf32, #tpu.memory_space<vmem_shared>>
        tpu.enqueue_dma source(%dma_start3A_134 : memref<520x128xf32, #tpu.memory_space<vmem_shared>>) target(%dma_start3A_132 : memref<520x128xf32, #tpu.memory_space<hbm>>) target_semaphore(%run_scoped3A : memref<!tpu.dma_semaphore, #tpu.memory_space<semaphore_mem>>)
        %dma_wait3A_135 = arith.constant 0 : i32
        %dma_wait3A_136 = tpu.memref_slice %arg5[%arg0, %mul3A_2, %dma_wait3A_135] : memref<2x10000x128xf32, #tpu.memory_space<hbm>> -> memref<1x520x128xf32, #tpu.memory_space<hbm>>
        %dma_wait3A_137 = tpu.memref_squeeze %dma_wait3A_136 : memref<1x520x128xf32, #tpu.memory_space<hbm>> -> memref<520x128xf32, #tpu.memory_space<hbm>>
        %dma_wait3A_138 = arith.constant 0 : i32
        %dma_wait3A_139 = tpu.memref_slice %arg10[%mul3A_2, %dma_wait3A_138] : memref<10112x128xf32, #tpu.memory_space<vmem_shared>> -> memref<520x128xf32, #tpu.memory_space<vmem_shared>>
        tpu.wait_dma2 semaphore(%run_scoped3A : memref<!tpu.dma_semaphore, #tpu.memory_space<semaphore_mem>>) src(%dma_wait3A_139 : memref<520x128xf32, #tpu.memory_space<vmem_shared>>) dst(%dma_wait3A_137 : memref<520x128xf32, #tpu.memory_space<hbm>>)
        tpu.yield
      }) : () -> ()
    } else {
    }
    return
  }
}

module attributes {stable_mosaic.version = 14 : i64} {
  func.func @body(%arg0: i32, %arg1: memref<2x2000x128xf32, #tpu.memory_space<vmem>>, %arg2: memref<128x128xf32, #tpu.memory_space<vmem>>, %arg3: memref<1x128xf32, #tpu.memory_space<vmem>>, %arg4: memref<2000x128xf32, #tpu.memory_space<vmem>>) attributes {dimension_semantics = [#tpu.dimension_semantics<arbitrary>], iteration_bounds = array<i64: 5>, scalar_prefetch = 0 : i64, scratch_operands = 0 : i64, tpu.core_type = #tpu.core_type<tc>, window_params = [{transform_indices = @transform_0, window_bounds = array<i64: 2, 2000, 128>}, {pipeline_mode = #tpu.pipeline_mode<synchronous>, transform_indices = @transform_1, window_bounds = array<i64: 128, 128>}, {pipeline_mode = #tpu.pipeline_mode<synchronous>, transform_indices = @transform_2, window_bounds = array<i64: 1, 128>}, {transform_indices = @transform_3, window_bounds = array<i64: 2000, 128>}]} {
    %get3A = arith.constant 0 : index
    %get3A_0 = arith.constant 0 : index
    %get3A_1 = arith.constant 0 : index
    %get3A_2 = vector.load %arg1[%get3A, %get3A_0, %get3A_1] : memref<2x2000x128xf32, #tpu.memory_space<vmem>>, vector<1x2000x128xf32>
    %get3A_3 = vector.shape_cast %get3A_2 : vector<1x2000x128xf32> to vector<2000x128xf32>
    %get3A_4 = arith.constant 1 : index
    %get3A_5 = arith.constant 0 : index
    %get3A_6 = arith.constant 0 : index
    %get3A_7 = vector.load %arg1[%get3A_4, %get3A_5, %get3A_6] : memref<2x2000x128xf32, #tpu.memory_space<vmem>>, vector<1x2000x128xf32>
    %get3A_8 = vector.shape_cast %get3A_7 : vector<1x2000x128xf32> to vector<2000x128xf32>
    %add3A = arith.addf %get3A_3, %get3A_8 : vector<2000x128xf32>
    %get3A_9 = arith.constant 0 : index
    %get3A_10 = arith.constant 0 : index
    %get3A_11 = vector.load %arg2[%get3A_9, %get3A_10] : memref<128x128xf32, #tpu.memory_space<vmem>>, vector<128x128xf32>
    %dot_general3A = arith.constant dense<0.000000e+00> : vector<2000x128xf32>
    %dot_general3A_12 = tpu.matmul %add3A, %get3A_11, %dot_general3A {dimension_numbers = #tpu.dot_dimension_numbers<[1], [0], [0], [1], [0, 0, 1, 1], [], []>, precision = #tpu.contract_precision<fp32>, transpose_lhs_hint = false} : vector<2000x128xf32>, vector<128x128xf32>, vector<2000x128xf32> -> vector<2000x128xf32>
    %get3A_13 = arith.constant 0 : index
    %get3A_14 = arith.constant 0 : index
    %get3A_15 = vector.load %arg3[%get3A_13, %get3A_14] : memref<1x128xf32, #tpu.memory_space<vmem>>, vector<1x128xf32>
    %add3A_16 = vector.broadcast %get3A_15 : vector<1x128xf32> to vector<2000x128xf32>
    %add3A_17 = arith.addf %dot_general3A_12, %add3A_16 : vector<2000x128xf32>
    %swap3A = arith.constant 0 : index
    %swap3A_18 = arith.constant 0 : index
    %swap3A_19 = vector.load %arg4[%swap3A, %swap3A_18] : memref<2000x128xf32, #tpu.memory_space<vmem>>, vector<2000x128xf32>
    tpu.vector_store %arg4[%swap3A, %swap3A_18], %add3A_17 {strides = array<i32>} : memref<2000x128xf32, #tpu.memory_space<vmem>>, vector<2000x128xf32>,
    return
  }
  func.func @transform_0(%arg0: i32) -> (i32, i32, i32) {
    %c0_i32 = arith.constant 0 : i32
    %c0_i32_0 = arith.constant 0 : i32
    %c0_i32_1 = arith.constant 0 : i32
    return %c0_i32, %arg0, %c0_i32_0 : i32, i32, i32
  }
  func.func @transform_1(%arg0: i32) -> (i32, i32) {
    %c0_i32 = arith.constant 0 : i32
    %c0_i32_0 = arith.constant 0 : i32
    %c0_i32_1 = arith.constant 0 : i32
    return %c0_i32, %c0_i32_0 : i32, i32
  }
  func.func @transform_2(%arg0: i32) -> (i32, i32) {
    %c0_i32 = arith.constant 0 : i32
    %c0_i32_0 = arith.constant 0 : i32
    %c0_i32_1 = arith.constant 0 : i32
    return %c0_i32, %c0_i32_0 : i32, i32
  }
  func.func @transform_3(%arg0: i32) -> (i32, i32) {
    %c0_i32 = arith.constant 0 : i32
    %c0_i32_0 = arith.constant 0 : i32
    return %arg0, %c0_i32 : i32, i32
  }
}

module attributes {stable_mosaic.version = 14 : i64} {
  func.func @body(%arg0: i32, %arg1: memref<2x2000x128xf32, #tpu.memory_space<vmem>>, %arg2: memref<128x128xf32, #tpu.memory_space<vmem>>, %arg3: memref<1x128xf32, #tpu.memory_space<vmem>>, %arg4: memref<2000x128xf32, #tpu.memory_space<vmem>>, %arg5: memref<2000x128xf32, #tpu.memory_space<vmem>>) attributes {dimension_semantics = [#tpu.dimension_semantics<arbitrary>], iteration_bounds = array<i64: 5>, scalar_prefetch = 0 : i64, scratch_operands = 0 : i64, tpu.core_type = #tpu.core_type<tc>, window_params = [{transform_indices = @transform_0, window_bounds = array<i64: 2, 2000, 128>}, {pipeline_mode = #tpu.pipeline_mode<synchronous>, transform_indices = @transform_1, window_bounds = array<i64: 128, 128>}, {pipeline_mode = #tpu.pipeline_mode<synchronous>, transform_indices = @transform_2, window_bounds = array<i64: 1, 128>}, {transform_indices = @transform_3, window_bounds = array<i64: 2000, 128>}, {transform_indices = @transform_4, window_bounds = array<i64: 2000, 128>}]} {
    %get3A = arith.constant 0 : index
    %get3A_0 = arith.constant 0 : index
    %get3A_1 = arith.constant 0 : index
    %get3A_2 = vector.load %arg1[%get3A, %get3A_0, %get3A_1] : memref<2x2000x128xf32, #tpu.memory_space<vmem>>, vector<1x2000x128xf32>
    %get3A_3 = vector.shape_cast %get3A_2 : vector<1x2000x128xf32> to vector<2000x128xf32>
    %get3A_4 = arith.constant 1 : index
    %get3A_5 = arith.constant 0 : index
    %get3A_6 = arith.constant 0 : index
    %get3A_7 = vector.load %arg1[%get3A_4, %get3A_5, %get3A_6] : memref<2x2000x128xf32, #tpu.memory_space<vmem>>, vector<1x2000x128xf32>
    %get3A_8 = vector.shape_cast %get3A_7 : vector<1x2000x128xf32> to vector<2000x128xf32>
    %add3A = arith.addf %get3A_3, %get3A_8 : vector<2000x128xf32>
    %get3A_9 = arith.constant 0 : index
    %get3A_10 = arith.constant 0 : index
    %get3A_11 = vector.load %arg2[%get3A_9, %get3A_10] : memref<128x128xf32, #tpu.memory_space<vmem>>, vector<128x128xf32>
    %dot_general3A = arith.constant dense<0.000000e+00> : vector<2000x128xf32>
    %dot_general3A_12 = tpu.matmul %add3A, %get3A_11, %dot_general3A {dimension_numbers = #tpu.dot_dimension_numbers<[1], [0], [0], [1], [0, 0, 1, 1], [], []>, precision = #tpu.contract_precision<fp32>, transpose_lhs_hint = false} : vector<2000x128xf32>, vector<128x128xf32>, vector<2000x128xf32> -> vector<2000x128xf32>
    %get3A_13 = arith.constant 0 : index
    %get3A_14 = arith.constant 0 : index
    %get3A_15 = vector.load %arg3[%get3A_13, %get3A_14] : memref<1x128xf32, #tpu.memory_space<vmem>>, vector<1x128xf32>
    %add3A_16 = vector.broadcast %get3A_15 : vector<1x128xf32> to vector<2000x128xf32>
    %add3A_17 = arith.addf %dot_general3A_12, %add3A_16 : vector<2000x128xf32>
    %gt3A = arith.constant 0.000000e+00 : f32
    %gt3A_18 = vector.broadcast %gt3A : f32 to vector<2000x128xf32>
    %gt3A_19 = arith.cmpf ogt, %add3A_17, %gt3A_18 : vector<2000x128xf32>
    %mul3A = arith.constant 0.00999999977 : f32
    %mul3A_20 = vector.broadcast %mul3A : f32 to vector<2000x128xf32>
    %mul3A_21 = arith.mulf %mul3A_20, %add3A_17 : vector<2000x128xf32>
    %select_n3A = arith.select %gt3A_19, %add3A_17, %mul3A_21 : vector<2000x128xi1>, vector<2000x128xf32>
    %get3A_22 = arith.constant 0 : index
    %get3A_23 = arith.constant 0 : index
    %get3A_24 = vector.load %arg4[%get3A_22, %get3A_23] : memref<2000x128xf32, #tpu.memory_space<vmem>>, vector<2000x128xf32>
    %add3A_25 = arith.addf %select_n3A, %get3A_24 : vector<2000x128xf32>
    %gt3A_26 = arith.constant 0.000000e+00 : f32
    %gt3A_27 = vector.broadcast %gt3A_26 : f32 to vector<2000x128xf32>
    %gt3A_28 = arith.cmpf ogt, %add3A_25, %gt3A_27 : vector<2000x128xf32>
    %mul3A_29 = arith.constant 0.00999999977 : f32
    %mul3A_30 = vector.broadcast %mul3A_29 : f32 to vector<2000x128xf32>
    %mul3A_31 = arith.mulf %mul3A_30, %add3A_25 : vector<2000x128xf32>
    %select_n3A_32 = arith.select %gt3A_28, %add3A_25, %mul3A_31 : vector<2000x128xi1>, vector<2000x128xf32>
    %swap3A = arith.constant 0 : index
    %swap3A_33 = arith.constant 0 : index
    %swap3A_34 = vector.load %arg5[%swap3A, %swap3A_33] : memref<2000x128xf32, #tpu.memory_space<vmem>>, vector<2000x128xf32>
    tpu.vector_store %arg5[%swap3A, %swap3A_33], %select_n3A_32 {strides = array<i32>} : memref<2000x128xf32, #tpu.memory_space<vmem>>, vector<2000x128xf32>,
    return
  }
  func.func @transform_0(%arg0: i32) -> (i32, i32, i32) {
    %c0_i32 = arith.constant 0 : i32
    %c0_i32_0 = arith.constant 0 : i32
    %c0_i32_1 = arith.constant 0 : i32
    return %c0_i32, %arg0, %c0_i32_0 : i32, i32, i32
  }
  func.func @transform_1(%arg0: i32) -> (i32, i32) {
    %c0_i32 = arith.constant 0 : i32
    %c0_i32_0 = arith.constant 0 : i32
    %c0_i32_1 = arith.constant 0 : i32
    return %c0_i32, %c0_i32_0 : i32, i32
  }
  func.func @transform_2(%arg0: i32) -> (i32, i32) {
    %c0_i32 = arith.constant 0 : i32
    %c0_i32_0 = arith.constant 0 : i32
    %c0_i32_1 = arith.constant 0 : i32
    return %c0_i32, %c0_i32_0 : i32, i32
  }
  func.func @transform_3(%arg0: i32) -> (i32, i32) {
    %c0_i32 = arith.constant 0 : i32
    %c0_i32_0 = arith.constant 0 : i32
    return %arg0, %c0_i32 : i32, i32
  }
  func.func @transform_4(%arg0: i32) -> (i32, i32) {
    %c0_i32 = arith.constant 0 : i32
    %c0_i32_0 = arith.constant 0 : i32
    return %arg0, %c0_i32 : i32, i32
  }
}

module attributes {stable_mosaic.version = 14 : i64} {
  func.func @body(%arg0: i32, %arg1: memref<2x2000x128xf32, #tpu.memory_space<vmem>>, %arg2: memref<128x128xf32, #tpu.memory_space<vmem>>, %arg3: memref<1x128xf32, #tpu.memory_space<vmem>>, %arg4: memref<2000x128xf32, #tpu.memory_space<vmem>>) attributes {dimension_semantics = [#tpu.dimension_semantics<arbitrary>], iteration_bounds = array<i64: 5>, scalar_prefetch = 0 : i64, scratch_operands = 0 : i64, tpu.core_type = #tpu.core_type<tc>, window_params = [{transform_indices = @transform_0, window_bounds = array<i64: 2, 2000, 128>}, {pipeline_mode = #tpu.pipeline_mode<synchronous>, transform_indices = @transform_1, window_bounds = array<i64: 128, 128>}, {pipeline_mode = #tpu.pipeline_mode<synchronous>, transform_indices = @transform_2, window_bounds = array<i64: 1, 128>}, {transform_indices = @transform_3, window_bounds = array<i64: 2000, 128>}]} {
    %get3A = arith.constant 0 : index
    %get3A_0 = arith.constant 0 : index
    %get3A_1 = arith.constant 0 : index
    %get3A_2 = vector.load %arg1[%get3A, %get3A_0, %get3A_1] : memref<2x2000x128xf32, #tpu.memory_space<vmem>>, vector<1x2000x128xf32>
    %get3A_3 = vector.shape_cast %get3A_2 : vector<1x2000x128xf32> to vector<2000x128xf32>
    %get3A_4 = arith.constant 1 : index
    %get3A_5 = arith.constant 0 : index
    %get3A_6 = arith.constant 0 : index
    %get3A_7 = vector.load %arg1[%get3A_4, %get3A_5, %get3A_6] : memref<2x2000x128xf32, #tpu.memory_space<vmem>>, vector<1x2000x128xf32>
    %get3A_8 = vector.shape_cast %get3A_7 : vector<1x2000x128xf32> to vector<2000x128xf32>
    %add3A = arith.addf %get3A_3, %get3A_8 : vector<2000x128xf32>
    %get3A_9 = arith.constant 0 : index
    %get3A_10 = arith.constant 0 : index
    %get3A_11 = vector.load %arg2[%get3A_9, %get3A_10] : memref<128x128xf32, #tpu.memory_space<vmem>>, vector<128x128xf32>
    %dot_general3A = arith.constant dense<0.000000e+00> : vector<2000x128xf32>
    %dot_general3A_12 = tpu.matmul %add3A, %get3A_11, %dot_general3A {dimension_numbers = #tpu.dot_dimension_numbers<[1], [0], [0], [1], [0, 0, 1, 1], [], []>, precision = #tpu.contract_precision<fp32>, transpose_lhs_hint = false} : vector<2000x128xf32>, vector<128x128xf32>, vector<2000x128xf32> -> vector<2000x128xf32>
    %get3A_13 = arith.constant 0 : index
    %get3A_14 = arith.constant 0 : index
    %get3A_15 = vector.load %arg3[%get3A_13, %get3A_14] : memref<1x128xf32, #tpu.memory_space<vmem>>, vector<1x128xf32>
    %add3A_16 = vector.broadcast %get3A_15 : vector<1x128xf32> to vector<2000x128xf32>
    %add3A_17 = arith.addf %dot_general3A_12, %add3A_16 : vector<2000x128xf32>
    %gt3A = arith.constant 0.000000e+00 : f32
    %gt3A_18 = vector.broadcast %gt3A : f32 to vector<2000x128xf32>
    %gt3A_19 = arith.cmpf ogt, %add3A_17, %gt3A_18 : vector<2000x128xf32>
    %mul3A = arith.constant 0.00999999977 : f32
    %mul3A_20 = vector.broadcast %mul3A : f32 to vector<2000x128xf32>
    %mul3A_21 = arith.mulf %mul3A_20, %add3A_17 : vector<2000x128xf32>
    %select_n3A = arith.select %gt3A_19, %add3A_17, %mul3A_21 : vector<2000x128xi1>, vector<2000x128xf32>
    %swap3A = arith.constant 0 : index
    %swap3A_22 = arith.constant 0 : index
    %swap3A_23 = vector.load %arg4[%swap3A, %swap3A_22] : memref<2000x128xf32, #tpu.memory_space<vmem>>, vector<2000x128xf32>
    tpu.vector_store %arg4[%swap3A, %swap3A_22], %select_n3A {strides = array<i32>} : memref<2000x128xf32, #tpu.memory_space<vmem>>, vector<2000x128xf32>,
    return
  }
  func.func @transform_0(%arg0: i32) -> (i32, i32, i32) {
    %c0_i32 = arith.constant 0 : i32
    %c0_i32_0 = arith.constant 0 : i32
    %c0_i32_1 = arith.constant 0 : i32
    return %c0_i32, %arg0, %c0_i32_0 : i32, i32, i32
  }
  func.func @transform_1(%arg0: i32) -> (i32, i32) {
    %c0_i32 = arith.constant 0 : i32
    %c0_i32_0 = arith.constant 0 : i32
    %c0_i32_1 = arith.constant 0 : i32
    return %c0_i32, %c0_i32_0 : i32, i32
  }
  func.func @transform_2(%arg0: i32) -> (i32, i32) {
    %c0_i32 = arith.constant 0 : i32
    %c0_i32_0 = arith.constant 0 : i32
    %c0_i32_1 = arith.constant 0 : i32
    return %c0_i32, %c0_i32_0 : i32, i32
  }
  func.func @transform_3(%arg0: i32) -> (i32, i32) {
    %c0_i32 = arith.constant 0 : i32
    %c0_i32_0 = arith.constant 0 : i32
    return %arg0, %c0_i32 : i32, i32
  }
}

</mosaic_0001>

<sc_bundles>
// kernel: kernel.10.cloned.1.call-start
scs
__scs_entry_jumppad:
0x0: {  	(pc) =	sbr.rel $0x88, $3  }
0x1: {  	(tag) =	ssettag $0x0;
	lr =	simm.s32 $0x1  }
0x2: {  	[smem:$0x3F99] =	sst lr;
	_ =	strace $0xD0000000  }
0x3: {  	_ = 	snop  }
0x4: {  	_ = 	snop  }
0x5: {  	_ = 	snop  }
0x6: {  	_ = 	snop  }
0x7: {  	_ = 	snop  }
__scs_overlays_trampoline_lowered:
0x8: {  	[smem:$0x3FA8] =	sst s0  }
0x9: {  	[smem:$0x3FA9] =	sst s1  }
0xa: {  	[smem:$0x3FAA] =	sst s2  }
0xb: {  	[smem:$0x3FAB] =	sst s3  }
0xc: {  	[smem:$0x3FAC] =	sst s4  }
0xd: {  	[smem:$0x3FAD] =	sst s5  }
0xe: {  	[smem:$0x3FAE] =	sst s6  }
0xf: {  	[smem:$0x3FAF] =	sst s7  }
0x10: {  	[smem:$0x3FB0] =	sst s8  }
0x11: {  	[smem:$0x3FB1] =	sst s9;
	s0 =	simm.s32 @!p0 $0x0  }
0x12: {  	s1 =	sld [smem:$0x3F97];
	s0 =	simm.s32 @p0 $0x1  }
0x13: {  	[smem:$0x3FB2] =	sst s0;
	s0 =	simm.s32 @!p1 $0x0  }
0x14: {  	s2 =	sld [smem:$0x3F96];
	s0 =	simm.s32 @p1 $0x1  }
0x15: {  	[smem:$0x3FB3] =	sst s0;
	s0 =	simm.s32 @!p2 $0x0  }
0x16: {  	s3 =	sld [smem:$0x3FDB];
	s0 =	simm.s32 @p2 $0x1  }
0x17: {  	s4 =	simm.s32 $0x1BF5;
	[smem:$0x3FB5] =	sst s0  }
0x18: {  	s0 =	sld [smem:$0x3F98];
	_ =	swait.ge [sflag:s4], $0x0  }
0x19: {  	s7 =	sld [smem:$0x3F99]  }
0x1a: {  	s8 =	sadd.s32 $0xFFFFE003, lr  }
0x1b: {  	s9 =	sadd.s32 $0xFFFFFEF7, lr;
	s5 =	simm.s32 $0xFFFFFFFF;
	p2 =	slt.u32 s8, $0xFFFFF086  }
0x1c: {  	p1 =	slt.u32 s9, $0xF7A;
	s5 =	simm.s32 @!p2 $0x0  }
0x1d: {  	s5 =	simm.s32 @p1 $0x1;
	p0 =	seq.s32 s7, s2  }
0x1e: {  	s7 =	smul.u32 @!p0 $0xF7A, s2;
	p2 =	seq.s32 @!p0 s5, $0x0  }
0x1f: {  	s9 =	smul.u32 $0xF7A, s1;
	s8 =	simm.s32 @!p0 $0x1BF5;
	p2 =	por !p2, p0  }
0x20: {  	[sflag:s8] =	ssyncset.s32 @!p0 $0xFFFFF086;
	s6 =	sadd.s32 @!p0 s3, s7;
	s7 =	simm.s32 @!p0 $0x108  }
0x21: {  	s3 =	sadd.s32 s3, s9;
	s6 =	sadd.s32 @!p0 $0x88, s6;
	s7 =	simm.s32 @p2 $0x1082  }
0x22: {  	[simem:s7], [sflag:s8] =	dma.local @!p0 [hbm:s6], $0xF7A  }
0x23: {  	s9 =	sor.u32 $0xD0000000, s2;
	s6 =	simm.s32 $0x108;
	_ =	swait.ge @!p0 [sflag:s8], $0x0  }
0x24: {  	s3 =	sadd.s32 $0x88, s3;
	s6 =	simm.s32 @!p1 $0x1082;
	[sflag:s4] =	ssyncset.s32 $0xFFFFF086  }
0x25: {  	[simem:s6], [sflag:s4] =	dma.local [hbm:s3], $0xF7A  }
0x26: {  	[smem:$0x3F99] =	sst s1;
	(tag) =	ssettag s2;
	_ =	strace s9  }
0x27: {  	s1 =	sld [smem:$0x3FA9]  }
0x28: {  	s2 =	sld [smem:$0x3FAA]  }
0x29: {  	s4 =	sld [smem:$0x3FAC]  }
0x2a: {  	p0 =	seq.s32 s5, $0x0;
	s5 =	sld [smem:$0x3FAD]  }
0x2b: {  	s6 =	sld [smem:$0x3FAE]  }
0x2c: {  	s7 =	sld [smem:$0x3FAF]  }
0x2d: {  	s3 =	simm.s32 $0x108;
	s8 =	sld [smem:$0x3FB0]  }
0x2e: {  	s3 =	simm.s32 @!p0 $0x1082;
	s9 =	sld [smem:$0x3FB1]  }
0x2f: {  	lr =	sadd.s32 s0, s3;
	s0 =	sld [smem:$0x3FA8]  }
0x30: {  	s3 =	sld [smem:$0x3FAB]  }
0x31: {  	[smem:$0x3FB4] =	sst s10  }
0x32: {  	s10 =	sld [smem:$0x3FB2];
	_ =	sdelay $0x3  }
0x33: {  	p0 =	seq.s32 s10, $0x1;
	s10 =	sld [smem:$0x3FB4];
	_ =	sdelay $0x3  }
0x34: {  	[smem:$0x3FB4] =	sst s10  }
0x35: {  	s10 =	sld [smem:$0x3FB3];
	_ =	sdelay $0x3  }
0x36: {  	p1 =	seq.s32 s10, $0x1;
	s10 =	sld [smem:$0x3FB4];
	_ =	sdelay $0x3  }
0x37: {  	[smem:$0x3FB4] =	sst s10  }
0x38: {  	s10 =	sld [smem:$0x3FB5]  }
0x39: {  	_ = 	snop;
	(pc) =	sbr.ind lr, $3  }
0x3a: {  	_ = 	snop  }
0x3b: {  	_ = 	snop  }
0x3c: {  	p2 =	seq.s32 s10, $0x1;
	s10 =	sld [smem:$0x3FB4]  }
0x3d: {  	_ =	shalt  }
0x3e: {  	_ =	shalt  }
0x3f: {  	_ =	shalt  }
0x40: {  	_ =	shalt  }
0x41: {  	_ =	shalt  }
0x42: {  	_ =	shalt  }
0x43: {  	_ =	shalt  }
0x44: {  	_ =	shalt  }
0x45: {  	_ =	shalt  }
0x46: {  	_ =	shalt  }
0x47: {  	_ =	shalt  }
0x48: {  	_ =	shalt  }
0x49: {  	_ =	shalt  }
0x4a: {  	_ =	shalt  }
0x4b: {  	_ =	shalt  }
0x4c: {  	_ =	shalt  }
0x4d: {  	_ =	shalt  }
0x4e: {  	_ =	shalt  }
0x4f: {  	_ =	shalt  }
0x50: {  	_ =	shalt  }
0x51: {  	_ =	shalt  }
0x52: {  	_ =	shalt  }
0x53: {  	_ =	shalt  }
0x54: {  	_ =	shalt  }
0x55: {  	_ =	shalt  }
0x56: {  	_ =	shalt  }
0x57: {  	_ =	shalt  }
0x58: {  	_ =	shalt  }
0x59: {  	_ =	shalt  }
0x5a: {  	_ =	shalt  }
0x5b: {  	_ =	shalt  }
0x5c: {  	_ =	shalt  }
0x5d: {  	_ =	shalt  }
0x5e: {  	_ =	shalt  }
0x5f: {  	_ =	shalt  }
0x60: {  	_ =	shalt  }
0x61: {  	_ =	shalt  }
0x62: {  	_ =	shalt  }
0x63: {  	_ =	shalt  }
0x64: {  	_ =	shalt  }
0x65: {  	_ =	shalt  }
0x66: {  	_ =	shalt  }
0x67: {  	_ =	shalt  }
0x68: {  	_ =	shalt  }
0x69: {  	_ =	shalt  }
0x6a: {  	_ =	shalt  }
0x6b: {  	_ =	shalt  }
0x6c: {  	_ =	shalt  }
0x6d: {  	_ =	shalt  }
0x6e: {  	_ =	shalt  }
0x6f: {  	_ =	shalt  }
0x70: {  	_ =	shalt  }
0x71: {  	_ =	shalt  }
0x72: {  	_ =	shalt  }
0x73: {  	_ =	shalt  }
0x74: {  	_ =	shalt  }
0x75: {  	_ =	shalt  }
0x76: {  	_ =	shalt  }
0x77: {  	_ =	shalt  }
0x78: {  	_ =	shalt  }
0x79: {  	_ =	shalt  }
0x7a: {  	_ =	shalt  }
0x7b: {  	_ =	shalt  }
0x7c: {  	_ =	shalt  }
0x7d: {  	_ =	shalt  }
0x7e: {  	_ =	shalt  }
0x7f: {  	_ =	shalt  }
0x80: {  	_ =	shalt  }
0x81: {  	_ =	shalt  }
0x82: {  	_ =	shalt  }
0x83: {  	_ =	shalt  }
0x84: {  	_ =	shalt  }
0x85: {  	_ =	shalt  }
0x86: {  	_ =	shalt  }
0x87: {  	_ =	shalt  }
.Lfunc_end0:
.L_simem_size_0:
called_computation.1_lowered:
.L_overlay_start_0:
0x88: {  	s2 =	sld [smem:$0x3FD9]  }
0x89: {  	s3 =	sld [smem:$0x3FFE];
	_ =	sdelay $0x1  }
0x8a: {  	s1 =	srdreg.scid  }
0x8b: {  	s0 =	sand.u32 $0x1, s1  }
0x8c: {  	s17 =	sshll.u32 s0, $0xA;
	s2 =	sadd.s32 s3, s2  }
0x8d: {  	s2 =	sadd.s32 s2, s17  }
0x8e: {  	[smem:$0x3FC0] =	sst s2  }
0x8f: {  	_ = 	snop  }
0x90: {  	s2 =	sld [smem:$0x3FC8]  }
0x91: {  	s18 =	sld [smem:$0x3FD0];
	(tm) =	ssettm $0x1  }
0x92: {  	s4 =	sld [smem:$0x3FFB];
	_ =	sdelay $0x3  }
0x93: {  	_ =	strace s4  }
0x94: {  	s4 =	sld [smem:$0x3FFC];
	_ =	sdelay $0x3  }
0x95: {  	_ =	strace s4  }
0x96: {  	s4 =	sld [smem:$0x3FFD];
	_ =	sdelay $0x3  }
0x97: {  	_ =	strace s4  }
0x98: {  	_ =	strace $0x8FFFFFFF  }
0x99: {  	s19 =	sld [smem:$0x3FDB];
	_ =	sdelay $0x1  }
0x9a: {  	s5 =	simm.s32 $_scs_section_size  }
0x9b: {  	s6 =	simm.s32 $_size__tile_overlayer_lowered;
	s7 =	simm.s32 $_tile_overlayer_lowered  }
0x9c: {  	s22 =	simm.s32 $0x1BFF;
	s21 =	sshll.u32 s7, $0x1;
	s4 =	sadd.s32 s5, s19  }
0x9d: {  	s8 =	simm.s32 $0x0;
	s20 =	sshll.u32 s6, $0x1;
	s6 =	sadd.s32 s21, s4  }
0x9e: {  	[timem:s8], [sflag:s22] =	dma.local [hbm:s6], s20  }
0x9f: {  	_ =	swait.ge [sflag:s22], s20  }
0xa0: {  	s5 =	ssub.s32 $0x0, s20;
	[sflag:s22] =	ssyncset.done $0x0  }
0xa1: {  	[sflag:s22] =	ssyncadd.s32 s5;
	_ =	sdelay $0x1  }
0xa2: {  	s23 =	simm.s32 $0x1B8B  }
0xa3: {  	_ =	swait.ge [sflag:s23], $0x1  }
0xa4: {  	[sflag:s23] =	ssyncset.done $0x0  }
0xa5: {  	s25 =	simm.s32 $0x1B8E;
	s24 =	sld [smem:$0x3FFE];
	[sflag:s23] =	ssyncadd.s32 $0xFFFFFFFF  }
0xa6: {  	s26 =	simm.s32 $execute0_lowered;
	[smem:$0x3FD2] =	sst s25  }
0xa7: {  	s6 =	sshll.u32 s26, $0x1;
	_ =	strace $0x80000049;
	[dreg:$0x1] =	wrdreg $0xFFFFFFFF  }
0xa8: {  	s28 =	simm.s32 $_size_execute0_lowered;
	s4 =	sadd.s32 s4, s6;
	[dreg:$0x0] =	wrdreg $0x0  }
0xa9: {  	s6 =	sshll.u32 s28, $0x1;
	[dreg:$0x2] =	wrdreg s4  }
0xaa: {  	[dreg:$0x3] =	wrdreg s6  }
0xab: {  	[dreg:$0x4] =	wrdreg $0xC0  }
0xac: {  	_ =	task [dreg:s8], $0x5FFFF  }
0xad: {  	[dreg:$0x1] =	wrdreg $0xFFFFFFFF  }
0xae: {  	[dreg:$0x0] =	wrdreg $0x60  }
0xaf: {  	[dreg:$0x2] =	wrdreg s18  }
0xb0: {  	[dreg:$0x3] =	wrdreg s2  }
0xb1: {  	[dreg:$0x4] =	wrdreg s24  }
0xb2: {  	[dreg:$0x5] =	wrdreg $0xB4000  }
0xb3: {  	[dreg:$0x6] =	wrdreg $0x9  }
0xb4: {  	_ =	task.clear_ibuf [dreg:s8], $0x7FFFF;
	_ =	strace $0x90000049  }
0xb5: {  	s29 =	simm.s32 $0x9;
	_ =	strace $0x8000004B  }
0xb6: {  	_ =	swait.ge [sflag:s29], $0x1  }
0xb7: {  	[sflag:s29] =	ssyncadd.s32 $0xFFFFFFFF  }
0xb8: {  	_ =	strace $0x9000004B  }
0xb9: {  	_ =	sfence  }
0xba: {  	s30 =	sld [smem:$0x0];
	_ =	sdelay $0x2  }
0xbb: {  	s31 =	sshll.u32 s1, $0xD;
	s1 =	sshrl.u32 s1, $0x2  }
0xbc: {  	s3 =	sand.u32 $0x4000, s31;
	s1 =	sadd.s32 s1, s30  }
0xbd: {  	s0 =	sor.u32 s3, s0;
	s1 =	sshll.u32 s1, $0x11  }
0xbe: {  	s0 =	sor.u32 s1, s0  }
0xbf: {  	s0 =	sadd.s32 $0x8F2B, s0  }
0xc0: {  	[sflag:s0] =	ssyncadd.remote.s32 $0x1  }
0xc1: {  	_ =	sfence.sel $0xFFFF  }
0xc2: {  	[dreg:$0x0] =	wrdreg $0xFFFFFFFF;
	(pc) =	sbr.abs _section_cstart, $3  }
0xc3: {  	[dreg:$0x1] =	wrdreg $0xFFFFFFFF  }
0xc4: {  	_ =	task.clear_ibuf [dreg:s8], $0x2FFFF;
	_ =	strace $0x9FFFFFFF  }
0xc5: {  	(tm) =	ssettm $0x7FFFFFFF  }
tec
execute0_lowered:
.L_overlay_start_1:
0x0: {  	(tag) =	ssettag $0x1  }
0x1: {  	s1 =	rddreg [dreg:$0x0]  }
0x2: {  	s0 =	rddreg [dreg:$0x1]  }
0x3: {  	s2 =	rddreg [dreg:$0x2]  }
0x4: {  	s3 =	rddreg [dreg:$0x3]  }
0x5: {  	s5 =	srdreg.scid;
	s4 =	simm.s32 $0x0;
	s12 =	stileid.u32  }
0x6: {  	s30 =	simm.s32 $0x3400;
	s31 =	simm.s32 $0x7;
	s5 =	sand.u32 $0x1, s5  }
0x7: {  	[smem:$0x7FF] =	sst s4;
	s7 =	smul.u32 $0x4F000, s12;
	s8 =	sadd.s32 $0x1A00, s2  }
0x8: {  	s2 =	sadd.s32 $0x1E00, s2;
	s22 =	smul.u32 $0x13C00, s12;
	p1 =	seq.s32 s12, $0xF  }
0x9: {  	s6 =	sshll.u32 s5, $0x4;
	_ =	strace $0x8000004A;
	[dreg:$0x5] =	wrdreg s8  }
0xa: {  	s9 =	ssub.s32 $0x2, s5;
	s5 =	smul.u32 $0x138800, s5;
	s7 =	sshrl.u32 s7, $0x2  }
0xb: {  	s8 =	sor.u32 s12, s6;
	s11 =	sshrl.u32 s9, $0x1;
	s6 =	sadd.s32 s7, s3  }
0xc: {  	s12 =	simm.s32 $0x1900;
	s10 =	smul.u32 $0x9C0, s8;
	s14 =	sadd.s32 $0x1400, s6  }
0xd: {  	s7 =	ssub.s32 s9, s11;
	s15 =	sadd.s32 $0x2800, s6;
	[dreg:$0x7] =	wrdreg s14  }
0xe: {  	s17 =	smul.u32 $0x4E00, s8;
	s16 =	sadd.s32 $0x3C00, s6;
	[dreg:$0x8] =	wrdreg s15  }
0xf: {  	s25 =	sshll.u32 s8, $0x5;
	s18 =	sadd.s32 $0x5000, s6;
	[dreg:$0x9] =	wrdreg s16  }
0x10: {  	p0 =	slt.u32 s8, $0x1C;
	s19 =	sadd.s32 $0x6400, s6;
	[dreg:$0xa] =	wrdreg s18  }
0x11: {  	s8 =	simm.s32 $0x4;
	s20 =	sadd.s32 $0x7800, s6;
	[dreg:$0xb] =	wrdreg s19  }
0x12: {  	s21 =	sadd.s32 $0x8C00, s6;
	s11 =	sadd.s32 $0xA000, s6;
	[dreg:$0xc] =	wrdreg s20  }
0x13: {  	s23 =	sadd.s32 $0xB400, s6;
	s24 =	sadd.s32 $0xC800, s6;
	[dreg:$0xd] =	wrdreg s21  }
0x14: {  	s26 =	sadd.s32 $0xDC00, s6;
	s28 =	sadd.s32 $0x11800, s6;
	[dreg:$0xe] =	wrdreg s11  }
0x15: {  	s29 =	sadd.s32 $0x12C00, s6;
	s13 =	sadd.s32 s0, s10;
	[dreg:$0xf] =	wrdreg s23  }
0x16: {  	[dreg:$0x10] =	wrdreg s24;
	s9 =	sshrl.u32 s17, $0x3;
	s10 =	sadd.s32 s22, s5  }
0x17: {  	[dreg:$0x11] =	wrdreg s26;
	s5 =	sshrl.u32 s5, $0x3;
	s20 =	sadd.s32 $0xF000, s6  }
0x18: {  	s26 =	sadd.s32 $0x10400, s6;
	s11 =	simm.s32 $0x5;
	s14 =	simm.s32 $0x1980  }
0x19: {  	s15 =	simm.s32 $0x2;
	s16 =	simm.s32 $0x0;
	[dreg:$0x6] =	wrdreg s13  }
0x1a: {  	s9 =	sadd.s32 s0, s9;
	s0 =	sadd.s32 s25, s0;
	s10 =	sshrl.u32 s10, $0x3  }
0x1b: {  	s25 =	smax.u32 s7, $0x1;
	s7 =	simm.s32 $0x7400;
	s13 =	simm.s32 $0x1880  }
0x1c: {  	s10 =	sadd.s32 s2, s10;
	s2 =	sadd.s32 s2, s5;
	s21 =	sadd.s32 $0x340, s9  }
0x1d: {  	s22 =	sadd.s32 $0x680, s9;
	s23 =	sadd.s32 $0x13480, s0;
	s0 =	simm.s32 $0x1  }
0x1e: {  	s5 =	simm.s32 $0x80;
	s9 =	simm.s32 $0x3;
	[dreg:$0x12] =	wrdreg s10  }
0x1f: {  	s24 =	sadd.s32 $0x25080, s2;
	s2 =	simm.s32 $0x1A00;
	s10 =	simm.s32 $0x6  }
.LBB2_1:
0x20: {  	s17 =	rddreg [dreg:$0x6]  }
0x21: {  	[tilespmem:s4], [sflag:$0x1] =	stream.linear.gather [hbm4b:s17+s4], $0x1A00, $0x38;
	[tilespmem:$0x1F000] =	vst v63  }
0x22: {  	s18 =	rddreg [dreg:$0x5]  }
0x23: {  	[tilespmem:s30], [sflag:$0x7] =	stream.linear.gather [hbm4b:s18+s4], $0x1400, $0x38;
	[tilespmem:$0x1F000] =	vst v63  }
0x24: {  	_ =	swait.ge [sflag:s31], $0x1400  }
0x25: {  	[sflag:s31] =	ssyncset.done $0x0  }
0x26: {  	[sflag:s31] =	ssyncadd.s32 $0xFFFFEC00  }
0x27: {  	[spmem:s6] =	stream.linear.scatter [tilespmem:s30], [sflag:$0x7], $0x1400, $0x38;
	[tilespmem:$0x1F000] =	vst v63  }
0x28: {  	_ =	swait.ge [sflag:s31], $0x1400  }
0x29: {  	[sflag:s31] =	ssyncset.done $0x0  }
0x2a: {  	s19 =	rddreg [dreg:$0x7];
	[sflag:s31] =	ssyncadd.s32 $0xFFFFEC00  }
0x2b: {  	[spmem:s19] =	stream.linear.scatter [tilespmem:s30], [sflag:$0x7], $0x1400, $0x38;
	[tilespmem:$0x1F000] =	vst v63  }
0x2c: {  	_ =	swait.ge [sflag:s31], $0x1400  }
0x2d: {  	[sflag:s31] =	ssyncset.done $0x0  }
0x2e: {  	s18 =	rddreg [dreg:$0x8];
	[sflag:s31] =	ssyncadd.s32 $0xFFFFEC00  }
0x2f: {  	[spmem:s18] =	stream.linear.scatter [tilespmem:s30], [sflag:$0x7], $0x1400, $0x38;
	[tilespmem:$0x1F000] =	vst v63  }
0x30: {  	_ =	swait.ge [sflag:s31], $0x1400  }
0x31: {  	[sflag:s31] =	ssyncset.done $0x0  }
0x32: {  	s19 =	rddreg [dreg:$0x9];
	[sflag:s31] =	ssyncadd.s32 $0xFFFFEC00  }
0x33: {  	[spmem:s19] =	stream.linear.scatter [tilespmem:s30], [sflag:$0x7], $0x1400, $0x38;
	[tilespmem:$0x1F000] =	vst v63  }
0x34: {  	_ =	swait.ge [sflag:s31], $0x1400  }
0x35: {  	[sflag:s31] =	ssyncset.done $0x0  }
0x36: {  	s18 =	rddreg [dreg:$0xa];
	[sflag:s31] =	ssyncadd.s32 $0xFFFFEC00  }
0x37: {  	[spmem:s18] =	stream.linear.scatter [tilespmem:s30], [sflag:$0x7], $0x1400, $0x38;
	[tilespmem:$0x1F000] =	vst v63  }
0x38: {  	_ =	swait.ge [sflag:s31], $0x1400  }
0x39: {  	[sflag:s31] =	ssyncset.done $0x0  }
0x3a: {  	s19 =	rddreg [dreg:$0xb];
	[sflag:s31] =	ssyncadd.s32 $0xFFFFEC00  }
0x3b: {  	[spmem:s19] =	stream.linear.scatter [tilespmem:s30], [sflag:$0x7], $0x1400, $0x38;
	[tilespmem:$0x1F000] =	vst v63  }
0x3c: {  	_ =	swait.ge [sflag:s31], $0x1400  }
0x3d: {  	[sflag:s31] =	ssyncset.done $0x0  }
0x3e: {  	s18 =	rddreg [dreg:$0xc];
	[sflag:s31] =	ssyncadd.s32 $0xFFFFEC00  }
0x3f: {  	[spmem:s18] =	stream.linear.scatter [tilespmem:s30], [sflag:$0x7], $0x1400, $0x38;
	[tilespmem:$0x1F000] =	vst v63  }
0x40: {  	_ =	swait.ge [sflag:s31], $0x1400  }
0x41: {  	[sflag:s31] =	ssyncset.done $0x0  }
0x42: {  	s19 =	rddreg [dreg:$0xd];
	[sflag:s31] =	ssyncadd.s32 $0xFFFFEC00  }
0x43: {  	[spmem:s19] =	stream.linear.scatter [tilespmem:s30], [sflag:$0x7], $0x1400, $0x38;
	[tilespmem:$0x1F000] =	vst v63  }
0x44: {  	_ =	swait.ge [sflag:s31], $0x1400  }
0x45: {  	[sflag:s31] =	ssyncset.done $0x0  }
0x46: {  	s18 =	rddreg [dreg:$0xe];
	[sflag:s31] =	ssyncadd.s32 $0xFFFFEC00  }
0x47: {  	[spmem:s18] =	stream.linear.scatter [tilespmem:s30], [sflag:$0x7], $0x1400, $0x38;
	[tilespmem:$0x1F000] =	vst v63  }
0x48: {  	_ =	swait.ge [sflag:s31], $0x1400  }
0x49: {  	[sflag:s31] =	ssyncset.done $0x0  }
0x4a: {  	s19 =	rddreg [dreg:$0xf];
	[sflag:s31] =	ssyncadd.s32 $0xFFFFEC00  }
0x4b: {  	[spmem:s19] =	stream.linear.scatter [tilespmem:s30], [sflag:$0x7], $0x1400, $0x38;
	[tilespmem:$0x1F000] =	vst v63  }
0x4c: {  	_ =	swait.ge [sflag:s31], $0x1400  }
0x4d: {  	[sflag:s31] =	ssyncset.done $0x0  }
0x4e: {  	s18 =	rddreg [dreg:$0x10];
	[sflag:s31] =	ssyncadd.s32 $0xFFFFEC00  }
0x4f: {  	[spmem:s18] =	stream.linear.scatter [tilespmem:s30], [sflag:$0x7], $0x1400, $0x38;
	[tilespmem:$0x1F000] =	vst v63  }
0x50: {  	_ =	swait.ge [sflag:s31], $0x1400  }
0x51: {  	[sflag:s31] =	ssyncset.done $0x0  }
0x52: {  	s19 =	rddreg [dreg:$0x11];
	[sflag:s31] =	ssyncadd.s32 $0xFFFFEC00  }
0x53: {  	[spmem:s19] =	stream.linear.scatter [tilespmem:s30], [sflag:$0x7], $0x1400, $0x38;
	[tilespmem:$0x1F000] =	vst v63  }
0x54: {  	_ =	swait.ge [sflag:s31], $0x1400  }
0x55: {  	[sflag:s31] =	ssyncset.done $0x0  }
0x56: {  	[sflag:s31] =	ssyncadd.s32 $0xFFFFEC00  }
0x57: {  	[spmem:s20] =	stream.linear.scatter [tilespmem:s30], [sflag:$0x7], $0x1400, $0x38;
	[tilespmem:$0x1F000] =	vst v63  }
0x58: {  	_ =	swait.ge [sflag:s31], $0x1400  }
0x59: {  	[sflag:s31] =	ssyncset.done $0x0  }
0x5a: {  	[sflag:s31] =	ssyncadd.s32 $0xFFFFEC00  }
0x5b: {  	[spmem:s26] =	stream.linear.scatter [tilespmem:s30], [sflag:$0x7], $0x1400, $0x38;
	[tilespmem:$0x1F000] =	vst v63  }
0x5c: {  	_ =	swait.ge [sflag:s31], $0x1400  }
0x5d: {  	[sflag:s31] =	ssyncset.done $0x0  }
0x5e: {  	[sflag:s31] =	ssyncadd.s32 $0xFFFFEC00  }
0x5f: {  	[spmem:s28] =	stream.linear.scatter [tilespmem:s30], [sflag:$0x7], $0x1400, $0x38;
	[tilespmem:$0x1F000] =	vst v63  }
0x60: {  	_ =	swait.ge [sflag:s31], $0x1400  }
0x61: {  	[sflag:s31] =	ssyncset.done $0x0  }
0x62: {  	[sflag:s31] =	ssyncadd.s32 $0xFFFFEC00  }
0x63: {  	[spmem:s29] =	stream.linear.scatter [tilespmem:s30], [sflag:$0x7], $0x1000, $0x38;
	[tilespmem:$0x1F000] =	vst v63  }
0x64: {  	_ =	swait.ge [sflag:s31], $0x1000  }
0x65: {  	[sflag:s31] =	ssyncset.done $0x0  }
0x66: {  	[sflag:s31] =	ssyncadd.s32 $0xFFFFF000  }
0x67: {  	_ =	swait.ge [sflag:s0], $0x1A00  }
0x68: {  	[sflag:s0] =	ssyncset.done $0x0  }
0x69: {  	[sflag:s0] =	ssyncadd.s32 $0xFFFFE600  }
0x6a: {  	[tilespmem:s2], [sflag:$0x2] =	stream.linear.gather [hbm4b:s21+s4], $0x1A00, $0x38;
	[tilespmem:$0x1F000] =	vst v63  }
0x6b: {  	_ = 	snop  }
0x6c: {  	[tilespmem:s7], [sflag:$0x4] =	stream.indirect.gather [hbm4b:s1+s5], $0x80, s4, s5, $0xb8;
	[tilespmem:$0x1F000] =	vst v63  }
0x6d: {  	[bflag:$0x0] =	sbarrier.arrive $0xFFFF  }
0x6e: {  	_ =	swait.ge [sflag:s8], $0x4000  }
0x6f: {  	[sflag:s8] =	ssyncset.done $0x0  }
0x70: {  	s18 =	simm.s32 $0x100;
	[sflag:s8] =	ssyncadd.s32 $0xFFFFC000  }
0x71: {  	[tilespmem:s30], [sflag:$0x3] =	stream.indirect.gather [hbm4b:s1+s5], $0x80, s18, s5, $0xb8;
	[tilespmem:$0x1F000] =	vst v63  }
0x72: {  	s19 =	simm.s32 $0x80  }
0x73: {  	[spmem:s3] =	stream.indirect.scatter.add.f32 [tilespmem:s7], [sflag:$0x6], $0x80, s19, s5, $0xb8;
	[tilespmem:$0x1F000] =	vst v63  }
0x74: {  	_ =	swait.ge [sflag:s9], $0x4000  }
0x75: {  	[sflag:s9] =	ssyncset.done $0x0  }
0x76: {  	[sflag:s9] =	ssyncadd.s32 $0xFFFFC000  }
0x77: {  	_ =	swait.ge [sflag:s10], $0x4000  }
0x78: {  	[sflag:s10] =	ssyncset.done $0x0  }
0x79: {  	s18 =	simm.s32 $0x200;
	[sflag:s10] =	ssyncadd.s32 $0xFFFFC000  }
0x7a: {  	[tilespmem:s7], [sflag:$0x4] =	stream.indirect.gather [hbm4b:s1+s5], $0x80, s18, s5, $0xb8;
	[tilespmem:$0x1F000] =	vst v63  }
0x7b: {  	s19 =	simm.s32 $0x180  }
0x7c: {  	[spmem:s3] =	stream.indirect.scatter.add.f32 [tilespmem:s30], [sflag:$0x5], $0x80, s19, s5, $0xb8;
	[tilespmem:$0x1F000] =	vst v63  }
0x7d: {  	_ =	swait.ge [sflag:s11], $0x4000  }
0x7e: {  	s17 =	simm.s32 $0xFFFFA800;
	[sflag:s11] =	ssyncset.done $0x0  }
.LBB2_2:
0x7f: {  	p2 =	sne.s32 s17, $0xFFFFF800  }
0x80: {  	[sflag:s11] =	ssyncadd.s32 $0xFFFFC000;
	s18 =	smov.u32 s17;
	s17 =	sadd.s32 $0x800, s17  }
0x81: {  	_ = 	snop  }
0x82: {  	_ =	swait.ge [sflag:s8], $0x4000  }
0x83: {  	s18 =	sshra.s32 s18, $0x2;
	[sflag:s8] =	ssyncset.done $0x0  }
0x84: {  	s19 =	sadd.s32 $0x1900, s18;
	[sflag:s8] =	ssyncadd.s32 $0xFFFFC000  }
0x85: {  	[tilespmem:s30], [sflag:$0x3] =	stream.indirect.gather [hbm4b:s1+s5], $0x80, s19, s5, $0xb8;
	[tilespmem:$0x1F000] =	vst v63  }
0x86: {  	s19 =	sadd.s32 $0x1880, s18  }
0x87: {  	[spmem:s3] =	stream.indirect.scatter.add.f32 [tilespmem:s7], [sflag:$0x6], $0x80, s19, s5, $0xb8;
	[tilespmem:$0x1F000] =	vst v63  }
0x88: {  	_ =	swait.ge [sflag:s9], $0x4000  }
0x89: {  	[sflag:s9] =	ssyncset.done $0x0  }
0x8a: {  	[sflag:s9] =	ssyncadd.s32 $0xFFFFC000  }
0x8b: {  	_ =	swait.ge [sflag:s10], $0x4000  }
0x8c: {  	[sflag:s10] =	ssyncset.done $0x0  }
0x8d: {  	s19 =	sadd.s32 $0x1A00, s18;
	[sflag:s10] =	ssyncadd.s32 $0xFFFFC000  }
0x8e: {  	[tilespmem:s7], [sflag:$0x4] =	stream.indirect.gather [hbm4b:s1+s5], $0x80, s19, s5, $0xb8;
	[tilespmem:$0x1F000] =	vst v63  }
.Ltmp0:
0x8f: {  	_ = 	snop;
	(pc) =	sbr.rel @p2 .LBB2_2-.Ltmp0, $4  }
0x90: {  	s18 =	sadd.s32 $0x1980, s18  }
0x91: {  	[spmem:s3] =	stream.indirect.scatter.add.f32 [tilespmem:s30], [sflag:$0x5], $0x80, s18, s5, $0xb8;
	[tilespmem:$0x1F000] =	vst v63  }
0x92: {  	_ =	swait.ge [sflag:s11], $0x4000  }
0x93: {  	[sflag:s11] =	ssyncset.done $0x0  }
0x94: {  	[sflag:s11] =	ssyncadd.s32 $0xFFFFC000  }
0x95: {  	_ =	swait.ge [sflag:s8], $0x4000  }
0x96: {  	[sflag:s8] =	ssyncset.done $0x0  }
0x97: {  	[sflag:s8] =	ssyncadd.s32 $0xFFFFC000  }
0x98: {  	[tilespmem:s30], [sflag:$0x3] =	stream.indirect.gather [hbm4b:s1+s5], $0x80, s12, s5, $0xb8;
	[tilespmem:$0x1F000] =	vst v63  }
0x99: {  	_ = 	snop  }
0x9a: {  	[spmem:s3] =	stream.indirect.scatter.add.f32 [tilespmem:s7], [sflag:$0x6], $0x80, s13, s5, $0xb8;
	[tilespmem:$0x1F000] =	vst v63  }
0x9b: {  	_ =	swait.ge [sflag:s9], $0x4000  }
0x9c: {  	[sflag:s9] =	ssyncset.done $0x0  }
0x9d: {  	[sflag:s9] =	ssyncadd.s32 $0xFFFFC000  }
0x9e: {  	_ =	swait.ge [sflag:s10], $0x4000  }
0x9f: {  	[sflag:s10] =	ssyncset.done $0x0  }
0xa0: {  	[sflag:s10] =	ssyncadd.s32 $0xFFFFC000  }
0xa1: {  	[spmem:s3] =	stream.indirect.scatter.add.f32 [tilespmem:s30], [sflag:$0x5], $0x80, s14, s5, $0xb8;
	[tilespmem:$0x1F000] =	vst v63  }
0xa2: {  	_ =	swait.ge [sflag:s11], $0x4000  }
0xa3: {  	[sflag:s11] =	ssyncset.done $0x0  }
0xa4: {  	[sflag:s11] =	ssyncadd.s32 $0xFFFFC000  }
0xa5: {  	_ =	swait.ge [sflag:s15], $0x1A00  }
0xa6: {  	[sflag:s15] =	ssyncset.done $0x0  }
0xa7: {  	[sflag:s15] =	ssyncadd.s32 $0xFFFFE600  }
0xa8: {  	[tilespmem:s4], [sflag:$0x1] =	stream.linear.gather [hbm4b:s22+s4], $0x1A00, $0x38;
	[tilespmem:$0x1F000] =	vst v63  }
0xa9: {  	_ = 	snop  }
0xaa: {  	[tilespmem:s7], [sflag:$0x4] =	stream.indirect.gather [hbm4b:s1+s5], $0x80, s2, s5, $0xb8;
	[tilespmem:$0x1F000] =	vst v63  }
0xab: {  	_ =	swait.ge [sflag:s8], $0x4000  }
0xac: {  	[sflag:s8] =	ssyncset.done $0x0  }
0xad: {  	s17 =	simm.s32 $0x1B00;
	[sflag:s8] =	ssyncadd.s32 $0xFFFFC000  }
0xae: {  	[tilespmem:s30], [sflag:$0x3] =	stream.indirect.gather [hbm4b:s1+s5], $0x80, s17, s5, $0xb8;
	[tilespmem:$0x1F000] =	vst v63  }
0xaf: {  	s19 =	simm.s32 $0x1A80  }
0xb0: {  	[spmem:s3] =	stream.indirect.scatter.add.f32 [tilespmem:s7], [sflag:$0x6], $0x80, s19, s5, $0xb8;
	[tilespmem:$0x1F000] =	vst v63  }
0xb1: {  	_ =	swait.ge [sflag:s9], $0x4000  }
0xb2: {  	[sflag:s9] =	ssyncset.done $0x0  }
0xb3: {  	[sflag:s9] =	ssyncadd.s32 $0xFFFFC000  }
0xb4: {  	_ =	swait.ge [sflag:s10], $0x4000  }
0xb5: {  	[sflag:s10] =	ssyncset.done $0x0  }
0xb6: {  	s18 =	simm.s32 $0x1C00;
	[sflag:s10] =	ssyncadd.s32 $0xFFFFC000  }
0xb7: {  	[tilespmem:s7], [sflag:$0x4] =	stream.indirect.gather [hbm4b:s1+s5], $0x80, s18, s5, $0xb8;
	[tilespmem:$0x1F000] =	vst v63  }
0xb8: {  	s19 =	simm.s32 $0x1B80  }
0xb9: {  	[spmem:s3] =	stream.indirect.scatter.add.f32 [tilespmem:s30], [sflag:$0x5], $0x80, s19, s5, $0xb8;
	[tilespmem:$0x1F000] =	vst v63  }
0xba: {  	_ =	swait.ge [sflag:s11], $0x4000  }
0xbb: {  	s17 =	simm.s32 $0xFFFFA800;
	[sflag:s11] =	ssyncset.done $0x0  }
.LBB2_4:
0xbc: {  	p2 =	sne.s32 s17, $0xFFFFF800  }
0xbd: {  	[sflag:s11] =	ssyncadd.s32 $0xFFFFC000;
	s18 =	smov.u32 s17;
	s17 =	sadd.s32 $0x800, s17  }
0xbe: {  	_ = 	snop  }
0xbf: {  	_ =	swait.ge [sflag:s8], $0x4000  }
0xc0: {  	s18 =	sshra.s32 s18, $0x2;
	[sflag:s8] =	ssyncset.done $0x0  }
0xc1: {  	s19 =	sadd.s32 $0x3300, s18;
	[sflag:s8] =	ssyncadd.s32 $0xFFFFC000  }
0xc2: {  	[tilespmem:s30], [sflag:$0x3] =	stream.indirect.gather [hbm4b:s1+s5], $0x80, s19, s5, $0xb8;
	[tilespmem:$0x1F000] =	vst v63  }
0xc3: {  	s19 =	sadd.s32 $0x3280, s18  }
0xc4: {  	[spmem:s3] =	stream.indirect.scatter.add.f32 [tilespmem:s7], [sflag:$0x6], $0x80, s19, s5, $0xb8;
	[tilespmem:$0x1F000] =	vst v63  }
0xc5: {  	_ =	swait.ge [sflag:s9], $0x4000  }
0xc6: {  	[sflag:s9] =	ssyncset.done $0x0  }
0xc7: {  	[sflag:s9] =	ssyncadd.s32 $0xFFFFC000  }
0xc8: {  	_ =	swait.ge [sflag:s10], $0x4000  }
0xc9: {  	[sflag:s10] =	ssyncset.done $0x0  }
0xca: {  	s19 =	sadd.s32 $0x3400, s18;
	[sflag:s10] =	ssyncadd.s32 $0xFFFFC000  }
0xcb: {  	[tilespmem:s7], [sflag:$0x4] =	stream.indirect.gather [hbm4b:s1+s5], $0x80, s19, s5, $0xb8;
	[tilespmem:$0x1F000] =	vst v63  }
.Ltmp1:
0xcc: {  	_ = 	snop;
	(pc) =	sbr.rel @p2 .LBB2_4-.Ltmp1, $4  }
0xcd: {  	s18 =	sadd.s32 $0x3380, s18  }
0xce: {  	[spmem:s3] =	stream.indirect.scatter.add.f32 [tilespmem:s30], [sflag:$0x5], $0x80, s18, s5, $0xb8;
	[tilespmem:$0x1F000] =	vst v63  }
0xcf: {  	_ =	swait.ge [sflag:s11], $0x4000  }
0xd0: {  	[sflag:s11] =	ssyncset.done $0x0  }
0xd1: {  	[sflag:s11] =	ssyncadd.s32 $0xFFFFC000  }
0xd2: {  	_ =	swait.ge [sflag:s8], $0x4000  }
0xd3: {  	[sflag:s8] =	ssyncset.done $0x0  }
0xd4: {  	s17 =	simm.s32 $0x3300;
	[sflag:s8] =	ssyncadd.s32 $0xFFFFC000  }
0xd5: {  	[tilespmem:s30], [sflag:$0x3] =	stream.indirect.gather [hbm4b:s1+s5], $0x80, s17, s5, $0xb8;
	[tilespmem:$0x1F000] =	vst v63  }
0xd6: {  	s18 =	simm.s32 $0x3280  }
0xd7: {  	[spmem:s3] =	stream.indirect.scatter.add.f32 [tilespmem:s7], [sflag:$0x6], $0x80, s18, s5, $0xb8;
	[tilespmem:$0x1F000] =	vst v63  }
0xd8: {  	_ =	swait.ge [sflag:s9], $0x4000  }
0xd9: {  	[sflag:s9] =	ssyncset.done $0x0  }
0xda: {  	[sflag:s9] =	ssyncadd.s32 $0xFFFFC000  }
0xdb: {  	_ =	swait.ge [sflag:s10], $0x4000  }
0xdc: {  	[sflag:s10] =	ssyncset.done $0x0  }
0xdd: {  	s19 =	simm.s32 $0x3380;
	[sflag:s10] =	ssyncadd.s32 $0xFFFFC000  }
0xde: {  	[spmem:s3] =	stream.indirect.scatter.add.f32 [tilespmem:s30], [sflag:$0x5], $0x80, s19, s5, $0xb8;
	[tilespmem:$0x1F000] =	vst v63  }
0xdf: {  	_ =	swait.ge [sflag:s11], $0x4000  }
0xe0: {  	[sflag:s11] =	ssyncset.done $0x0  }
0xe1: {  	[sflag:s11] =	ssyncadd.s32 $0xFFFFC000  }
0xe2: {  	_ =	swait.ge [sflag:s0], $0x1A00  }
0xe3: {  	[sflag:s0] =	ssyncset.done $0x0  }
0xe4: {  	[sflag:s0] =	ssyncadd.s32 $0xFFFFE600  }
0xe5: {  	[tilespmem:s7], [sflag:$0x4] =	stream.indirect.gather [hbm4b:s1+s5], $0x80, s4, s5, $0xb8;
	[tilespmem:$0x1F000] =	vst v63  }
0xe6: {  	_ =	swait.ge [sflag:s8], $0x4000  }
0xe7: {  	[sflag:s8] =	ssyncset.done $0x0  }
0xe8: {  	s18 =	simm.s32 $0x100;
	[sflag:s8] =	ssyncadd.s32 $0xFFFFC000  }
0xe9: {  	[tilespmem:s30], [sflag:$0x3] =	stream.indirect.gather [hbm4b:s1+s5], $0x80, s18, s5, $0xb8;
	[tilespmem:$0x1F000] =	vst v63  }
0xea: {  	s19 =	simm.s32 $0x80  }
0xeb: {  	[spmem:s3] =	stream.indirect.scatter.add.f32 [tilespmem:s7], [sflag:$0x6], $0x80, s19, s5, $0xb8;
	[tilespmem:$0x1F000] =	vst v63  }
0xec: {  	_ =	swait.ge [sflag:s9], $0x4000  }
0xed: {  	[sflag:s9] =	ssyncset.done $0x0  }
0xee: {  	[sflag:s9] =	ssyncadd.s32 $0xFFFFC000  }
0xef: {  	_ =	swait.ge [sflag:s10], $0x4000  }
0xf0: {  	[sflag:s10] =	ssyncset.done $0x0  }
0xf1: {  	s18 =	simm.s32 $0x200;
	[sflag:s10] =	ssyncadd.s32 $0xFFFFC000  }
0xf2: {  	[tilespmem:s7], [sflag:$0x4] =	stream.indirect.gather [hbm4b:s1+s5], $0x80, s18, s5, $0xb8;
	[tilespmem:$0x1F000] =	vst v63  }
0xf3: {  	s19 =	simm.s32 $0x180  }
0xf4: {  	[spmem:s3] =	stream.indirect.scatter.add.f32 [tilespmem:s30], [sflag:$0x5], $0x80, s19, s5, $0xb8;
	[tilespmem:$0x1F000] =	vst v63  }
0xf5: {  	_ =	swait.ge [sflag:s11], $0x4000  }
0xf6: {  	s17 =	simm.s32 $0xFFFFA800;
	[sflag:s11] =	ssyncset.done $0x0  }
.LBB2_6:
0xf7: {  	p2 =	sne.s32 s17, $0xFFFFF800  }
0xf8: {  	[sflag:s11] =	ssyncadd.s32 $0xFFFFC000;
	s18 =	smov.u32 s17;
	s17 =	sadd.s32 $0x800, s17  }
0xf9: {  	_ = 	snop  }
0xfa: {  	_ =	swait.ge [sflag:s8], $0x4000  }
0xfb: {  	s18 =	sshra.s32 s18, $0x2;
	[sflag:s8] =	ssyncset.done $0x0  }
0xfc: {  	s19 =	sadd.s32 $0x1900, s18;
	[sflag:s8] =	ssyncadd.s32 $0xFFFFC000  }
0xfd: {  	[tilespmem:s30], [sflag:$0x3] =	stream.indirect.gather [hbm4b:s1+s5], $0x80, s19, s5, $0xb8;
	[tilespmem:$0x1F000] =	vst v63  }
0xfe: {  	s19 =	sadd.s32 $0x1880, s18  }
0xff: {  	[spmem:s3] =	stream.indirect.scatter.add.f32 [tilespmem:s7], [sflag:$0x6], $0x80, s19, s5, $0xb8;
	[tilespmem:$0x1F000] =	vst v63  }
0x100: {  	_ =	swait.ge [sflag:s9], $0x4000  }
0x101: {  	[sflag:s9] =	ssyncset.done $0x0  }
0x102: {  	[sflag:s9] =	ssyncadd.s32 $0xFFFFC000  }
0x103: {  	_ =	swait.ge [sflag:s10], $0x4000  }
0x104: {  	[sflag:s10] =	ssyncset.done $0x0  }
0x105: {  	s19 =	sadd.s32 $0x1A00, s18;
	[sflag:s10] =	ssyncadd.s32 $0xFFFFC000  }
0x106: {  	[tilespmem:s7], [sflag:$0x4] =	stream.indirect.gather [hbm4b:s1+s5], $0x80, s19, s5, $0xb8;
	[tilespmem:$0x1F000] =	vst v63  }
.Ltmp2:
0x107: {  	_ = 	snop;
	(pc) =	sbr.rel @p2 .LBB2_6-.Ltmp2, $4  }
0x108: {  	s18 =	sadd.s32 $0x1980, s18  }
0x109: {  	[spmem:s3] =	stream.indirect.scatter.add.f32 [tilespmem:s30], [sflag:$0x5], $0x80, s18, s5, $0xb8;
	[tilespmem:$0x1F000] =	vst v63  }
0x10a: {  	_ =	swait.ge [sflag:s11], $0x4000  }
0x10b: {  	[sflag:s11] =	ssyncset.done $0x0  }
0x10c: {  	[sflag:s11] =	ssyncadd.s32 $0xFFFFC000  }
0x10d: {  	_ =	swait.ge [sflag:s8], $0x4000  }
0x10e: {  	[sflag:s8] =	ssyncset.done $0x0  }
0x10f: {  	[sflag:s8] =	ssyncadd.s32 $0xFFFFC000  }
0x110: {  	[tilespmem:s30], [sflag:$0x3] =	stream.indirect.gather [hbm4b:s1+s5], $0x80, s12, s5, $0xb8;
	[tilespmem:$0x1F000] =	vst v63  }
0x111: {  	_ = 	snop  }
0x112: {  	[spmem:s3] =	stream.indirect.scatter.add.f32 [tilespmem:s7], [sflag:$0x6], $0x80, s13, s5, $0xb8;
	[tilespmem:$0x1F000] =	vst v63  }
0x113: {  	_ =	swait.ge [sflag:s9], $0x4000  }
0x114: {  	[sflag:s9] =	ssyncset.done $0x0  }
0x115: {  	[sflag:s9] =	ssyncadd.s32 $0xFFFFC000  }
0x116: {  	_ =	swait.ge [sflag:s10], $0x4000  }
0x117: {  	[sflag:s10] =	ssyncset.done $0x0  }
0x118: {  	[sflag:s10] =	ssyncadd.s32 $0xFFFFC000  }
0x119: {  	[spmem:s3] =	stream.indirect.scatter.add.f32 [tilespmem:s30], [sflag:$0x5], $0x80, s14, s5, $0xb8;
	[tilespmem:$0x1F000] =	vst v63  }
0x11a: {  	_ =	swait.ge [sflag:s11], $0x4000  }
0x11b: {  	[sflag:s11] =	ssyncset.done $0x0  }
0x11c: {  	s17 =	simm.s32 @!p0 $0x0;
	s18 =	simm.s32 @!p0 $0x7;
	[sflag:s11] =	ssyncadd.s32 $0xFFFFC000  }
0x11d: {  	[tilespmem:s17], [sflag:$0x7] =	stream.linear.gather @!p0 [hbm4b:s23+s17], $0x100, $0x38;
	[tilespmem:$0x1F000] =	vst v63  }
0x11e: {  	_ =	swait.ge @!p0 [sflag:s18], $0x100  }
0x11f: {  	[sflag:s18] =	ssyncset.done @!p0 $0x0  }
0x120: {  	s19 =	simm.s32 @!p0 $0x3400;
	[sflag:s18] =	ssyncadd.s32 @!p0 $0xFFFFFF00;
	s18 =	simm.s32 @!p0 $0x80  }
0x121: {  	[tilespmem:s19], [sflag:$0x3] =	stream.indirect.gather @!p0 [hbm4b:s1+s18], $0x80, s17, s18, $0xb8;
	[tilespmem:$0x1F000] =	vst v63  }
0x122: {  	s17 =	simm.s32 @!p0 $0x3  }
0x123: {  	_ =	swait.ge @!p0 [sflag:s17], $0x4000  }
0x124: {  	[sflag:s17] =	ssyncset.done @!p0 $0x0  }
0x125: {  	[sflag:s17] =	ssyncadd.s32 @!p0 $0xFFFFC000;
	s17 =	simm.s32 @!p0 $0x5  }
0x126: {  	[spmem:s3] =	stream.indirect.scatter.add.f32 @!p0 [tilespmem:s19], [sflag:$0x5], $0x80, s18, s18, $0xb8;
	[tilespmem:$0x1F000] =	vst v63  }
0x127: {  	_ =	swait.ge @!p0 [sflag:s17], $0x4000  }
0x128: {  	[sflag:s17] =	ssyncset.done @!p0 $0x0  }
0x129: {  	[sflag:s17] =	ssyncadd.s32 @!p0 $0xFFFFC000  }
0x12a: {  	s18 =	simm.s32 @p1 $0x1FC7;
	s17 =	sshrl.u32 @p1 s6, $0x3;
	[bflag:$0x0] =	sbarrier.arrive $0xFFFF  }
0x12b: {  	[hbm:s24], [sflag:s18] =	dma.local @p1 [spmem:s17], $0x2080  }
0x12c: {  	s16 =	sadd.s32 $0x1, s16;
	s17 =	simm.s32 @p1 $0x7  }
0x12d: {  	p2 =	sne.s32 s16, s25;
	s18 =	stileid.u32;
	_ =	swait.ge @p1 [sflag:s17], $0x2080  }
0x12e: {  	s18 =	sshll.u32 @!p1 s18, $0x6;
	[sflag:s17] =	ssyncset.done @p1 $0x0;
	s19 =	rddreg [dreg:$0x12]  }
0x12f: {  	[sflag:s17] =	ssyncadd.s32 @p1 $0xFFFFDF80;
	s17 =	sor.u32 @!p1 $0x1C07, s18;
	s18 =	sshrl.u32 @!p1 s6, $0x3  }
0x130: {  	[hbm:s19], [sflag:s17] =	dma.local @!p1 [spmem:s18], $0x2780  }
.Ltmp3:
0x131: {  	_ = 	snop;
	(pc) =	sbr.rel @p2 .LBB2_1-.Ltmp3, $4  }
0x132: {  	s17 =	simm.s32 @!p1 $0x7  }
0x133: {  	_ =	swait.ge @!p1 [sflag:s17], $0x2780  }
0x134: {  	[sflag:s17] =	ssyncset.done @!p1 $0x0  }
0x135: {  	[sflag:s17] =	ssyncadd.s32 @!p1 $0xFFFFD880  }
0x136: {  	_ =	sfence.sel $0x180000  }
0x137: {  	[bflag:$0x0] =	sbarrier.arrive $0xFFFF  }
0x138: {  	_ =	strace $0x9000004A  }
0x139: {  	s0 =	stileid.u32;
	[bflag:$0x2] =	sbarrier.arrive $0xFFFF  }
0x13a: {  	p0 =	sne.s32 s0, $0x0;
	s0 =	rddreg [dreg:$0x4]  }
0x13b: {  	s0 =	sadd.s32 @!p0 $0x100000, s0  }
0x13c: {  	[sflag:s0] =	ssyncadd.tile.s32 @!p0 $0x1;
	_ =	shalt  }
.Lfunc_end2:
_tile_overlayer_lowered:
.L_overlay_start_2:
0x13d: {  	(tag) =	ssettag $0x2  }
0x13e: {  	s0 =	rddreg [dreg:$0x0];
	s2 =	stileid.u32  }
0x13f: {  	s1 =	rddreg [dreg:$0x1];
	p0 =	sne.s32 s2, $0x0  }
0x140: {  	s3 =	rddreg [dreg:$0x2];
	[bflag:$0x3] =	sbarrier.arrive $0xFFFF;
	s2 =	simm.s32 @!p0 $0x1C07  }
0x141: {  	[timem:s3], [sflag:s2] =	dma.local @!p0 [hbm:s0], s1  }
0x142: {  	s0 =	simm.s32 @!p0 $0x7  }
0x143: {  	_ =	swait.ge @!p0 [sflag:s0], s1  }
0x144: {  	s1 =	ssub.s32 @!p0 $0x0, s1;
	[sflag:s0] =	ssyncset.done @!p0 $0x0  }
0x145: {  	[sflag:s0] =	ssyncadd.s32 @!p0 s1  }
0x146: {  	[bflag:$0x3] =	sbarrier.arrive $0xFFFF  }
0x147: {  	_ =	shalt  }

// kernel: kernel.7.cloned.1.call-start
scs
__scs_entry_jumppad:
0x0: {  	(pc) =	sbr.rel $0x88, $3  }
0x1: {  	(tag) =	ssettag $0x0;
	lr =	simm.s32 $0x1  }
0x2: {  	[smem:$0x3F99] =	sst lr;
	_ =	strace $0xD0000000  }
0x3: {  	_ = 	snop  }
0x4: {  	_ = 	snop  }
0x5: {  	_ = 	snop  }
0x6: {  	_ = 	snop  }
0x7: {  	_ = 	snop  }
__scs_overlays_trampoline_lowered:
0x8: {  	[smem:$0x3FA8] =	sst s0  }
0x9: {  	[smem:$0x3FA9] =	sst s1  }
0xa: {  	[smem:$0x3FAA] =	sst s2  }
0xb: {  	[smem:$0x3FAB] =	sst s3  }
0xc: {  	[smem:$0x3FAC] =	sst s4  }
0xd: {  	[smem:$0x3FAD] =	sst s5  }
0xe: {  	[smem:$0x3FAE] =	sst s6  }
0xf: {  	[smem:$0x3FAF] =	sst s7  }
0x10: {  	[smem:$0x3FB0] =	sst s8  }
0x11: {  	[smem:$0x3FB1] =	sst s9;
	s0 =	simm.s32 @!p0 $0x0  }
0x12: {  	s1 =	sld [smem:$0x3F97];
	s0 =	simm.s32 @p0 $0x1  }
0x13: {  	[smem:$0x3FB2] =	sst s0;
	s0 =	simm.s32 @!p1 $0x0  }
0x14: {  	s2 =	sld [smem:$0x3F96];
	s0 =	simm.s32 @p1 $0x1  }
0x15: {  	[smem:$0x3FB3] =	sst s0;
	s0 =	simm.s32 @!p2 $0x0  }
0x16: {  	s3 =	sld [smem:$0x3FDB];
	s0 =	simm.s32 @p2 $0x1  }
0x17: {  	s4 =	simm.s32 $0x1BF5;
	[smem:$0x3FB5] =	sst s0  }
0x18: {  	s0 =	sld [smem:$0x3F98];
	_ =	swait.ge [sflag:s4], $0x0  }
0x19: {  	s7 =	sld [smem:$0x3F99]  }
0x1a: {  	s8 =	sadd.s32 $0xFFFFE003, lr  }
0x1b: {  	s9 =	sadd.s32 $0xFFFFFEF7, lr;
	s5 =	simm.s32 $0xFFFFFFFF;
	p2 =	slt.u32 s8, $0xFFFFF086  }
0x1c: {  	p1 =	slt.u32 s9, $0xF7A;
	s5 =	simm.s32 @!p2 $0x0  }
0x1d: {  	s5 =	simm.s32 @p1 $0x1;
	p0 =	seq.s32 s7, s2  }
0x1e: {  	s7 =	smul.u32 @!p0 $0xF7A, s2;
	p2 =	seq.s32 @!p0 s5, $0x0  }
0x1f: {  	s9 =	smul.u32 $0xF7A, s1;
	s8 =	simm.s32 @!p0 $0x1BF5;
	p2 =	por !p2, p0  }
0x20: {  	[sflag:s8] =	ssyncset.s32 @!p0 $0xFFFFF086;
	s6 =	sadd.s32 @!p0 s3, s7;
	s7 =	simm.s32 @!p0 $0x108  }
0x21: {  	s3 =	sadd.s32 s3, s9;
	s6 =	sadd.s32 @!p0 $0x88, s6;
	s7 =	simm.s32 @p2 $0x1082  }
0x22: {  	[simem:s7], [sflag:s8] =	dma.local @!p0 [hbm:s6], $0xF7A  }
0x23: {  	s9 =	sor.u32 $0xD0000000, s2;
	s6 =	simm.s32 $0x108;
	_ =	swait.ge @!p0 [sflag:s8], $0x0  }
0x24: {  	s3 =	sadd.s32 $0x88, s3;
	s6 =	simm.s32 @!p1 $0x1082;
	[sflag:s4] =	ssyncset.s32 $0xFFFFF086  }
0x25: {  	[simem:s6], [sflag:s4] =	dma.local [hbm:s3], $0xF7A  }
0x26: {  	[smem:$0x3F99] =	sst s1;
	(tag) =	ssettag s2;
	_ =	strace s9  }
0x27: {  	s1 =	sld [smem:$0x3FA9]  }
0x28: {  	s2 =	sld [smem:$0x3FAA]  }
0x29: {  	s4 =	sld [smem:$0x3FAC]  }
0x2a: {  	p0 =	seq.s32 s5, $0x0;
	s5 =	sld [smem:$0x3FAD]  }
0x2b: {  	s6 =	sld [smem:$0x3FAE]  }
0x2c: {  	s7 =	sld [smem:$0x3FAF]  }
0x2d: {  	s3 =	simm.s32 $0x108;
	s8 =	sld [smem:$0x3FB0]  }
0x2e: {  	s3 =	simm.s32 @!p0 $0x1082;
	s9 =	sld [smem:$0x3FB1]  }
0x2f: {  	lr =	sadd.s32 s0, s3;
	s0 =	sld [smem:$0x3FA8]  }
0x30: {  	s3 =	sld [smem:$0x3FAB]  }
0x31: {  	[smem:$0x3FB4] =	sst s10  }
0x32: {  	s10 =	sld [smem:$0x3FB2];
	_ =	sdelay $0x3  }
0x33: {  	p0 =	seq.s32 s10, $0x1;
	s10 =	sld [smem:$0x3FB4];
	_ =	sdelay $0x3  }
0x34: {  	[smem:$0x3FB4] =	sst s10  }
0x35: {  	s10 =	sld [smem:$0x3FB3];
	_ =	sdelay $0x3  }
0x36: {  	p1 =	seq.s32 s10, $0x1;
	s10 =	sld [smem:$0x3FB4];
	_ =	sdelay $0x3  }
0x37: {  	[smem:$0x3FB4] =	sst s10  }
0x38: {  	s10 =	sld [smem:$0x3FB5]  }
0x39: {  	_ = 	snop;
	(pc) =	sbr.ind lr, $3  }
0x3a: {  	_ = 	snop  }
0x3b: {  	_ = 	snop  }
0x3c: {  	p2 =	seq.s32 s10, $0x1;
	s10 =	sld [smem:$0x3FB4]  }
0x3d: {  	_ =	shalt  }
0x3e: {  	_ =	shalt  }
0x3f: {  	_ =	shalt  }
0x40: {  	_ =	shalt  }
0x41: {  	_ =	shalt  }
0x42: {  	_ =	shalt  }
0x43: {  	_ =	shalt  }
0x44: {  	_ =	shalt  }
0x45: {  	_ =	shalt  }
0x46: {  	_ =	shalt  }
0x47: {  	_ =	shalt  }
0x48: {  	_ =	shalt  }
0x49: {  	_ =	shalt  }
0x4a: {  	_ =	shalt  }
0x4b: {  	_ =	shalt  }
0x4c: {  	_ =	shalt  }
0x4d: {  	_ =	shalt  }
0x4e: {  	_ =	shalt  }
0x4f: {  	_ =	shalt  }
0x50: {  	_ =	shalt  }
0x51: {  	_ =	shalt  }
0x52: {  	_ =	shalt  }
0x53: {  	_ =	shalt  }
0x54: {  	_ =	shalt  }
0x55: {  	_ =	shalt  }
0x56: {  	_ =	shalt  }
0x57: {  	_ =	shalt  }
0x58: {  	_ =	shalt  }
0x59: {  	_ =	shalt  }
0x5a: {  	_ =	shalt  }
0x5b: {  	_ =	shalt  }
0x5c: {  	_ =	shalt  }
0x5d: {  	_ =	shalt  }
0x5e: {  	_ =	shalt  }
0x5f: {  	_ =	shalt  }
0x60: {  	_ =	shalt  }
0x61: {  	_ =	shalt  }
0x62: {  	_ =	shalt  }
0x63: {  	_ =	shalt  }
0x64: {  	_ =	shalt  }
0x65: {  	_ =	shalt  }
0x66: {  	_ =	shalt  }
0x67: {  	_ =	shalt  }
0x68: {  	_ =	shalt  }
0x69: {  	_ =	shalt  }
0x6a: {  	_ =	shalt  }
0x6b: {  	_ =	shalt  }
0x6c: {  	_ =	shalt  }
0x6d: {  	_ =	shalt  }
0x6e: {  	_ =	shalt  }
0x6f: {  	_ =	shalt  }
0x70: {  	_ =	shalt  }
0x71: {  	_ =	shalt  }
0x72: {  	_ =	shalt  }
0x73: {  	_ =	shalt  }
0x74: {  	_ =	shalt  }
0x75: {  	_ =	shalt  }
0x76: {  	_ =	shalt  }
0x77: {  	_ =	shalt  }
0x78: {  	_ =	shalt  }
0x79: {  	_ =	shalt  }
0x7a: {  	_ =	shalt  }
0x7b: {  	_ =	shalt  }
0x7c: {  	_ =	shalt  }
0x7d: {  	_ =	shalt  }
0x7e: {  	_ =	shalt  }
0x7f: {  	_ =	shalt  }
0x80: {  	_ =	shalt  }
0x81: {  	_ =	shalt  }
0x82: {  	_ =	shalt  }
0x83: {  	_ =	shalt  }
0x84: {  	_ =	shalt  }
0x85: {  	_ =	shalt  }
0x86: {  	_ =	shalt  }
0x87: {  	_ =	shalt  }
.Lfunc_end0:
.L_simem_size_0:
called_computation_lowered:
.L_overlay_start_0:
0x88: {  	s2 =	sld [smem:$0x3FD9]  }
0x89: {  	s3 =	sld [smem:$0x3FFE];
	_ =	sdelay $0x1  }
0x8a: {  	s1 =	srdreg.scid  }
0x8b: {  	s0 =	sand.u32 $0x1, s1  }
0x8c: {  	s17 =	sshll.u32 s0, $0xA;
	s2 =	sadd.s32 s3, s2  }
0x8d: {  	s2 =	sadd.s32 s2, s17  }
0x8e: {  	[smem:$0x3FC0] =	sst s2  }
0x8f: {  	_ = 	snop  }
0x90: {  	s2 =	sld [smem:$0x3FC9]  }
0x91: {  	s18 =	sld [smem:$0x3FC8];
	(tm) =	ssettm $0x1  }
0x92: {  	s4 =	sld [smem:$0x3FFB];
	_ =	sdelay $0x3  }
0x93: {  	_ =	strace s4  }
0x94: {  	s4 =	sld [smem:$0x3FFC];
	_ =	sdelay $0x3  }
0x95: {  	_ =	strace s4  }
0x96: {  	s4 =	sld [smem:$0x3FFD];
	_ =	sdelay $0x3  }
0x97: {  	_ =	strace s4  }
0x98: {  	_ =	strace $0x8FFFFFFF  }
0x99: {  	s19 =	sld [smem:$0x3FDB];
	_ =	sdelay $0x1  }
0x9a: {  	s5 =	simm.s32 $_scs_section_size  }
0x9b: {  	s6 =	simm.s32 $_size__tile_overlayer_lowered;
	s7 =	simm.s32 $_tile_overlayer_lowered  }
0x9c: {  	s22 =	simm.s32 $0x1BFF;
	s21 =	sshll.u32 s7, $0x1;
	s4 =	sadd.s32 s5, s19  }
0x9d: {  	s8 =	simm.s32 $0x0;
	s20 =	sshll.u32 s6, $0x1;
	s6 =	sadd.s32 s21, s4  }
0x9e: {  	[timem:s8], [sflag:s22] =	dma.local [hbm:s6], s20  }
0x9f: {  	_ =	swait.ge [sflag:s22], s20  }
0xa0: {  	s5 =	ssub.s32 $0x0, s20;
	[sflag:s22] =	ssyncset.done $0x0  }
0xa1: {  	[sflag:s22] =	ssyncadd.s32 s5;
	_ =	sdelay $0x1  }
0xa2: {  	s23 =	simm.s32 $0x1B8B  }
0xa3: {  	_ =	swait.ge [sflag:s23], $0x1  }
0xa4: {  	[sflag:s23] =	ssyncset.done $0x0  }
0xa5: {  	s25 =	simm.s32 $0x1B8E;
	s24 =	sld [smem:$0x3FFE];
	[sflag:s23] =	ssyncadd.s32 $0xFFFFFFFF  }
0xa6: {  	s26 =	simm.s32 $execute0_lowered;
	[smem:$0x3FD2] =	sst s25  }
0xa7: {  	s6 =	sshll.u32 s26, $0x1;
	_ =	strace $0x80000046;
	[dreg:$0x1] =	wrdreg $0xFFFFFFFF  }
0xa8: {  	s28 =	simm.s32 $_size_execute0_lowered;
	s4 =	sadd.s32 s4, s6;
	[dreg:$0x0] =	wrdreg $0x0  }
0xa9: {  	s6 =	sshll.u32 s28, $0x1;
	[dreg:$0x2] =	wrdreg s4  }
0xaa: {  	[dreg:$0x3] =	wrdreg s6  }
0xab: {  	[dreg:$0x4] =	wrdreg $0xC0  }
0xac: {  	_ =	task [dreg:s8], $0x5FFFF  }
0xad: {  	[dreg:$0x1] =	wrdreg $0xFFFFFFFF  }
0xae: {  	[dreg:$0x0] =	wrdreg $0x60  }
0xaf: {  	[dreg:$0x2] =	wrdreg s2  }
0xb0: {  	[dreg:$0x3] =	wrdreg s18  }
0xb1: {  	[dreg:$0x4] =	wrdreg s24  }
0xb2: {  	[dreg:$0x5] =	wrdreg $0xB4000  }
0xb3: {  	[dreg:$0x6] =	wrdreg $0x9  }
0xb4: {  	_ =	task.clear_ibuf [dreg:s8], $0x7FFFF;
	_ =	strace $0x90000046  }
0xb5: {  	s29 =	simm.s32 $0x9;
	_ =	strace $0x80000048  }
0xb6: {  	_ =	swait.ge [sflag:s29], $0x1  }
0xb7: {  	[sflag:s29] =	ssyncadd.s32 $0xFFFFFFFF  }
0xb8: {  	_ =	strace $0x90000048  }
0xb9: {  	_ =	sfence  }
0xba: {  	s30 =	sld [smem:$0x0];
	_ =	sdelay $0x2  }
0xbb: {  	s31 =	sshll.u32 s1, $0xD;
	s1 =	sshrl.u32 s1, $0x2  }
0xbc: {  	s3 =	sand.u32 $0x4000, s31;
	s1 =	sadd.s32 s1, s30  }
0xbd: {  	s0 =	sor.u32 s3, s0;
	s1 =	sshll.u32 s1, $0x11  }
0xbe: {  	s0 =	sor.u32 s1, s0  }
0xbf: {  	s0 =	sadd.s32 $0x8F2B, s0  }
0xc0: {  	[sflag:s0] =	ssyncadd.remote.s32 $0x1  }
0xc1: {  	_ =	sfence.sel $0xFFFF  }
0xc2: {  	[dreg:$0x0] =	wrdreg $0xFFFFFFFF;
	(pc) =	sbr.abs _section_cstart, $3  }
0xc3: {  	[dreg:$0x1] =	wrdreg $0xFFFFFFFF  }
0xc4: {  	_ =	task.clear_ibuf [dreg:s8], $0x2FFFF;
	_ =	strace $0x9FFFFFFF  }
0xc5: {  	(tm) =	ssettm $0x7FFFFFFF  }
tec
execute0_lowered:
.L_overlay_start_1:
0x0: {  	(tag) =	ssettag $0x1  }
0x1: {  	s1 =	rddreg [dreg:$0x0]  }
0x2: {  	s0 =	rddreg [dreg:$0x1]  }
0x3: {  	s2 =	rddreg [dreg:$0x2]  }
0x4: {  	s3 =	rddreg [dreg:$0x3]  }
0x5: {  	s5 =	srdreg.scid;
	s4 =	simm.s32 $0x0;
	s12 =	stileid.u32  }
0x6: {  	s30 =	simm.s32 $0x3400;
	s31 =	simm.s32 $0x7;
	s5 =	sand.u32 $0x1, s5  }
0x7: {  	[smem:$0x7FF] =	sst s4;
	s7 =	smul.u32 $0x4F000, s12;
	s8 =	sadd.s32 $0x1A00, s2  }
0x8: {  	s2 =	sadd.s32 $0x1E00, s2;
	s22 =	smul.u32 $0x13C00, s12;
	p1 =	seq.s32 s12, $0xF  }
0x9: {  	s6 =	sshll.u32 s5, $0x4;
	_ =	strace $0x80000047;
	[dreg:$0x5] =	wrdreg s8  }
0xa: {  	s9 =	ssub.s32 $0x2, s5;
	s5 =	smul.u32 $0x138800, s5;
	s7 =	sshrl.u32 s7, $0x2  }
0xb: {  	s8 =	sor.u32 s12, s6;
	s11 =	sshrl.u32 s9, $0x1;
	s6 =	sadd.s32 s7, s3  }
0xc: {  	s12 =	simm.s32 $0x1900;
	s10 =	smul.u32 $0x9C0, s8;
	s14 =	sadd.s32 $0x1400, s6  }
0xd: {  	s7 =	ssub.s32 s9, s11;
	s15 =	sadd.s32 $0x2800, s6;
	[dreg:$0x7] =	wrdreg s14  }
0xe: {  	s17 =	smul.u32 $0x4E00, s8;
	s16 =	sadd.s32 $0x3C00, s6;
	[dreg:$0x8] =	wrdreg s15  }
0xf: {  	s25 =	sshll.u32 s8, $0x5;
	s18 =	sadd.s32 $0x5000, s6;
	[dreg:$0x9] =	wrdreg s16  }
0x10: {  	p0 =	slt.u32 s8, $0x1C;
	s19 =	sadd.s32 $0x6400, s6;
	[dreg:$0xa] =	wrdreg s18  }
0x11: {  	s8 =	simm.s32 $0x4;
	s20 =	sadd.s32 $0x7800, s6;
	[dreg:$0xb] =	wrdreg s19  }
0x12: {  	s21 =	sadd.s32 $0x8C00, s6;
	s11 =	sadd.s32 $0xA000, s6;
	[dreg:$0xc] =	wrdreg s20  }
0x13: {  	s23 =	sadd.s32 $0xB400, s6;
	s24 =	sadd.s32 $0xC800, s6;
	[dreg:$0xd] =	wrdreg s21  }
0x14: {  	s26 =	sadd.s32 $0xDC00, s6;
	s28 =	sadd.s32 $0x11800, s6;
	[dreg:$0xe] =	wrdreg s11  }
0x15: {  	s29 =	sadd.s32 $0x12C00, s6;
	s13 =	sadd.s32 s0, s10;
	[dreg:$0xf] =	wrdreg s23  }
0x16: {  	[dreg:$0x10] =	wrdreg s24;
	s9 =	sshrl.u32 s17, $0x3;
	s10 =	sadd.s32 s22, s5  }
0x17: {  	[dreg:$0x11] =	wrdreg s26;
	s5 =	sshrl.u32 s5, $0x3;
	s20 =	sadd.s32 $0xF000, s6  }
0x18: {  	s26 =	sadd.s32 $0x10400, s6;
	s11 =	simm.s32 $0x5;
	s14 =	simm.s32 $0x1980  }
0x19: {  	s15 =	simm.s32 $0x2;
	s16 =	simm.s32 $0x0;
	[dreg:$0x6] =	wrdreg s13  }
0x1a: {  	s9 =	sadd.s32 s0, s9;
	s0 =	sadd.s32 s25, s0;
	s10 =	sshrl.u32 s10, $0x3  }
0x1b: {  	s25 =	smax.u32 s7, $0x1;
	s7 =	simm.s32 $0x7400;
	s13 =	simm.s32 $0x1880  }
0x1c: {  	s10 =	sadd.s32 s2, s10;
	s2 =	sadd.s32 s2, s5;
	s21 =	sadd.s32 $0x340, s9  }
0x1d: {  	s22 =	sadd.s32 $0x680, s9;
	s23 =	sadd.s32 $0x13480, s0;
	s0 =	simm.s32 $0x1  }
0x1e: {  	s5 =	simm.s32 $0x80;
	s9 =	simm.s32 $0x3;
	[dreg:$0x12] =	wrdreg s10  }
0x1f: {  	s24 =	sadd.s32 $0x25080, s2;
	s2 =	simm.s32 $0x1A00;
	s10 =	simm.s32 $0x6  }
.LBB2_1:
0x20: {  	s17 =	rddreg [dreg:$0x6]  }
0x21: {  	[tilespmem:s4], [sflag:$0x1] =	stream.linear.gather [hbm4b:s17+s4], $0x1A00, $0x38;
	[tilespmem:$0x1F000] =	vst v63  }
0x22: {  	s18 =	rddreg [dreg:$0x5]  }
0x23: {  	[tilespmem:s30], [sflag:$0x7] =	stream.linear.gather [hbm4b:s18+s4], $0x1400, $0x38;
	[tilespmem:$0x1F000] =	vst v63  }
0x24: {  	_ =	swait.ge [sflag:s31], $0x1400  }
0x25: {  	[sflag:s31] =	ssyncset.done $0x0  }
0x26: {  	[sflag:s31] =	ssyncadd.s32 $0xFFFFEC00  }
0x27: {  	[spmem:s6] =	stream.linear.scatter [tilespmem:s30], [sflag:$0x7], $0x1400, $0x38;
	[tilespmem:$0x1F000] =	vst v63  }
0x28: {  	_ =	swait.ge [sflag:s31], $0x1400  }
0x29: {  	[sflag:s31] =	ssyncset.done $0x0  }
0x2a: {  	s19 =	rddreg [dreg:$0x7];
	[sflag:s31] =	ssyncadd.s32 $0xFFFFEC00  }
0x2b: {  	[spmem:s19] =	stream.linear.scatter [tilespmem:s30], [sflag:$0x7], $0x1400, $0x38;
	[tilespmem:$0x1F000] =	vst v63  }
0x2c: {  	_ =	swait.ge [sflag:s31], $0x1400  }
0x2d: {  	[sflag:s31] =	ssyncset.done $0x0  }
0x2e: {  	s18 =	rddreg [dreg:$0x8];
	[sflag:s31] =	ssyncadd.s32 $0xFFFFEC00  }
0x2f: {  	[spmem:s18] =	stream.linear.scatter [tilespmem:s30], [sflag:$0x7], $0x1400, $0x38;
	[tilespmem:$0x1F000] =	vst v63  }
0x30: {  	_ =	swait.ge [sflag:s31], $0x1400  }
0x31: {  	[sflag:s31] =	ssyncset.done $0x0  }
0x32: {  	s19 =	rddreg [dreg:$0x9];
	[sflag:s31] =	ssyncadd.s32 $0xFFFFEC00  }
0x33: {  	[spmem:s19] =	stream.linear.scatter [tilespmem:s30], [sflag:$0x7], $0x1400, $0x38;
	[tilespmem:$0x1F000] =	vst v63  }
0x34: {  	_ =	swait.ge [sflag:s31], $0x1400  }
0x35: {  	[sflag:s31] =	ssyncset.done $0x0  }
0x36: {  	s18 =	rddreg [dreg:$0xa];
	[sflag:s31] =	ssyncadd.s32 $0xFFFFEC00  }
0x37: {  	[spmem:s18] =	stream.linear.scatter [tilespmem:s30], [sflag:$0x7], $0x1400, $0x38;
	[tilespmem:$0x1F000] =	vst v63  }
0x38: {  	_ =	swait.ge [sflag:s31], $0x1400  }
0x39: {  	[sflag:s31] =	ssyncset.done $0x0  }
0x3a: {  	s19 =	rddreg [dreg:$0xb];
	[sflag:s31] =	ssyncadd.s32 $0xFFFFEC00  }
0x3b: {  	[spmem:s19] =	stream.linear.scatter [tilespmem:s30], [sflag:$0x7], $0x1400, $0x38;
	[tilespmem:$0x1F000] =	vst v63  }
0x3c: {  	_ =	swait.ge [sflag:s31], $0x1400  }
0x3d: {  	[sflag:s31] =	ssyncset.done $0x0  }
0x3e: {  	s18 =	rddreg [dreg:$0xc];
	[sflag:s31] =	ssyncadd.s32 $0xFFFFEC00  }
0x3f: {  	[spmem:s18] =	stream.linear.scatter [tilespmem:s30], [sflag:$0x7], $0x1400, $0x38;
	[tilespmem:$0x1F000] =	vst v63  }
0x40: {  	_ =	swait.ge [sflag:s31], $0x1400  }
0x41: {  	[sflag:s31] =	ssyncset.done $0x0  }
0x42: {  	s19 =	rddreg [dreg:$0xd];
	[sflag:s31] =	ssyncadd.s32 $0xFFFFEC00  }
0x43: {  	[spmem:s19] =	stream.linear.scatter [tilespmem:s30], [sflag:$0x7], $0x1400, $0x38;
	[tilespmem:$0x1F000] =	vst v63  }
0x44: {  	_ =	swait.ge [sflag:s31], $0x1400  }
0x45: {  	[sflag:s31] =	ssyncset.done $0x0  }
0x46: {  	s18 =	rddreg [dreg:$0xe];
	[sflag:s31] =	ssyncadd.s32 $0xFFFFEC00  }
0x47: {  	[spmem:s18] =	stream.linear.scatter [tilespmem:s30], [sflag:$0x7], $0x1400, $0x38;
	[tilespmem:$0x1F000] =	vst v63  }
0x48: {  	_ =	swait.ge [sflag:s31], $0x1400  }
0x49: {  	[sflag:s31] =	ssyncset.done $0x0  }
0x4a: {  	s19 =	rddreg [dreg:$0xf];
	[sflag:s31] =	ssyncadd.s32 $0xFFFFEC00  }
0x4b: {  	[spmem:s19] =	stream.linear.scatter [tilespmem:s30], [sflag:$0x7], $0x1400, $0x38;
	[tilespmem:$0x1F000] =	vst v63  }
0x4c: {  	_ =	swait.ge [sflag:s31], $0x1400  }
0x4d: {  	[sflag:s31] =	ssyncset.done $0x0  }
0x4e: {  	s18 =	rddreg [dreg:$0x10];
	[sflag:s31] =	ssyncadd.s32 $0xFFFFEC00  }
0x4f: {  	[spmem:s18] =	stream.linear.scatter [tilespmem:s30], [sflag:$0x7], $0x1400, $0x38;
	[tilespmem:$0x1F000] =	vst v63  }
0x50: {  	_ =	swait.ge [sflag:s31], $0x1400  }
0x51: {  	[sflag:s31] =	ssyncset.done $0x0  }
0x52: {  	s19 =	rddreg [dreg:$0x11];
	[sflag:s31] =	ssyncadd.s32 $0xFFFFEC00  }
0x53: {  	[spmem:s19] =	stream.linear.scatter [tilespmem:s30], [sflag:$0x7], $0x1400, $0x38;
	[tilespmem:$0x1F000] =	vst v63  }
0x54: {  	_ =	swait.ge [sflag:s31], $0x1400  }
0x55: {  	[sflag:s31] =	ssyncset.done $0x0  }
0x56: {  	[sflag:s31] =	ssyncadd.s32 $0xFFFFEC00  }
0x57: {  	[spmem:s20] =	stream.linear.scatter [tilespmem:s30], [sflag:$0x7], $0x1400, $0x38;
	[tilespmem:$0x1F000] =	vst v63  }
0x58: {  	_ =	swait.ge [sflag:s31], $0x1400  }
0x59: {  	[sflag:s31] =	ssyncset.done $0x0  }
0x5a: {  	[sflag:s31] =	ssyncadd.s32 $0xFFFFEC00  }
0x5b: {  	[spmem:s26] =	stream.linear.scatter [tilespmem:s30], [sflag:$0x7], $0x1400, $0x38;
	[tilespmem:$0x1F000] =	vst v63  }
0x5c: {  	_ =	swait.ge [sflag:s31], $0x1400  }
0x5d: {  	[sflag:s31] =	ssyncset.done $0x0  }
0x5e: {  	[sflag:s31] =	ssyncadd.s32 $0xFFFFEC00  }
0x5f: {  	[spmem:s28] =	stream.linear.scatter [tilespmem:s30], [sflag:$0x7], $0x1400, $0x38;
	[tilespmem:$0x1F000] =	vst v63  }
0x60: {  	_ =	swait.ge [sflag:s31], $0x1400  }
0x61: {  	[sflag:s31] =	ssyncset.done $0x0  }
0x62: {  	[sflag:s31] =	ssyncadd.s32 $0xFFFFEC00  }
0x63: {  	[spmem:s29] =	stream.linear.scatter [tilespmem:s30], [sflag:$0x7], $0x1000, $0x38;
	[tilespmem:$0x1F000] =	vst v63  }
0x64: {  	_ =	swait.ge [sflag:s31], $0x1000  }
0x65: {  	[sflag:s31] =	ssyncset.done $0x0  }
0x66: {  	[sflag:s31] =	ssyncadd.s32 $0xFFFFF000  }
0x67: {  	_ =	swait.ge [sflag:s0], $0x1A00  }
0x68: {  	[sflag:s0] =	ssyncset.done $0x0  }
0x69: {  	[sflag:s0] =	ssyncadd.s32 $0xFFFFE600  }
0x6a: {  	[tilespmem:s2], [sflag:$0x2] =	stream.linear.gather [hbm4b:s21+s4], $0x1A00, $0x38;
	[tilespmem:$0x1F000] =	vst v63  }
0x6b: {  	_ = 	snop  }
0x6c: {  	[tilespmem:s7], [sflag:$0x4] =	stream.indirect.gather [hbm4b:s1+s5], $0x80, s4, s5, $0xb8;
	[tilespmem:$0x1F000] =	vst v63  }
0x6d: {  	[bflag:$0x0] =	sbarrier.arrive $0xFFFF  }
0x6e: {  	_ =	swait.ge [sflag:s8], $0x4000  }
0x6f: {  	[sflag:s8] =	ssyncset.done $0x0  }
0x70: {  	s18 =	simm.s32 $0x100;
	[sflag:s8] =	ssyncadd.s32 $0xFFFFC000  }
0x71: {  	[tilespmem:s30], [sflag:$0x3] =	stream.indirect.gather [hbm4b:s1+s5], $0x80, s18, s5, $0xb8;
	[tilespmem:$0x1F000] =	vst v63  }
0x72: {  	s19 =	simm.s32 $0x80  }
0x73: {  	[spmem:s3] =	stream.indirect.scatter.add.f32 [tilespmem:s7], [sflag:$0x6], $0x80, s19, s5, $0xb8;
	[tilespmem:$0x1F000] =	vst v63  }
0x74: {  	_ =	swait.ge [sflag:s9], $0x4000  }
0x75: {  	[sflag:s9] =	ssyncset.done $0x0  }
0x76: {  	[sflag:s9] =	ssyncadd.s32 $0xFFFFC000  }
0x77: {  	_ =	swait.ge [sflag:s10], $0x4000  }
0x78: {  	[sflag:s10] =	ssyncset.done $0x0  }
0x79: {  	s18 =	simm.s32 $0x200;
	[sflag:s10] =	ssyncadd.s32 $0xFFFFC000  }
0x7a: {  	[tilespmem:s7], [sflag:$0x4] =	stream.indirect.gather [hbm4b:s1+s5], $0x80, s18, s5, $0xb8;
	[tilespmem:$0x1F000] =	vst v63  }
0x7b: {  	s19 =	simm.s32 $0x180  }
0x7c: {  	[spmem:s3] =	stream.indirect.scatter.add.f32 [tilespmem:s30], [sflag:$0x5], $0x80, s19, s5, $0xb8;
	[tilespmem:$0x1F000] =	vst v63  }
0x7d: {  	_ =	swait.ge [sflag:s11], $0x4000  }
0x7e: {  	s17 =	simm.s32 $0xFFFFA800;
	[sflag:s11] =	ssyncset.done $0x0  }
.LBB2_2:
0x7f: {  	p2 =	sne.s32 s17, $0xFFFFF800  }
0x80: {  	[sflag:s11] =	ssyncadd.s32 $0xFFFFC000;
	s18 =	smov.u32 s17;
	s17 =	sadd.s32 $0x800, s17  }
0x81: {  	_ = 	snop  }
0x82: {  	_ =	swait.ge [sflag:s8], $0x4000  }
0x83: {  	s18 =	sshra.s32 s18, $0x2;
	[sflag:s8] =	ssyncset.done $0x0  }
0x84: {  	s19 =	sadd.s32 $0x1900, s18;
	[sflag:s8] =	ssyncadd.s32 $0xFFFFC000  }
0x85: {  	[tilespmem:s30], [sflag:$0x3] =	stream.indirect.gather [hbm4b:s1+s5], $0x80, s19, s5, $0xb8;
	[tilespmem:$0x1F000] =	vst v63  }
0x86: {  	s19 =	sadd.s32 $0x1880, s18  }
0x87: {  	[spmem:s3] =	stream.indirect.scatter.add.f32 [tilespmem:s7], [sflag:$0x6], $0x80, s19, s5, $0xb8;
	[tilespmem:$0x1F000] =	vst v63  }
0x88: {  	_ =	swait.ge [sflag:s9], $0x4000  }
0x89: {  	[sflag:s9] =	ssyncset.done $0x0  }
0x8a: {  	[sflag:s9] =	ssyncadd.s32 $0xFFFFC000  }
0x8b: {  	_ =	swait.ge [sflag:s10], $0x4000  }
0x8c: {  	[sflag:s10] =	ssyncset.done $0x0  }
0x8d: {  	s19 =	sadd.s32 $0x1A00, s18;
	[sflag:s10] =	ssyncadd.s32 $0xFFFFC000  }
0x8e: {  	[tilespmem:s7], [sflag:$0x4] =	stream.indirect.gather [hbm4b:s1+s5], $0x80, s19, s5, $0xb8;
	[tilespmem:$0x1F000] =	vst v63  }
.Ltmp0:
0x8f: {  	_ = 	snop;
	(pc) =	sbr.rel @p2 .LBB2_2-.Ltmp0, $4  }
0x90: {  	s18 =	sadd.s32 $0x1980, s18  }
0x91: {  	[spmem:s3] =	stream.indirect.scatter.add.f32 [tilespmem:s30], [sflag:$0x5], $0x80, s18, s5, $0xb8;
	[tilespmem:$0x1F000] =	vst v63  }
0x92: {  	_ =	swait.ge [sflag:s11], $0x4000  }
0x93: {  	[sflag:s11] =	ssyncset.done $0x0  }
0x94: {  	[sflag:s11] =	ssyncadd.s32 $0xFFFFC000  }
0x95: {  	_ =	swait.ge [sflag:s8], $0x4000  }
0x96: {  	[sflag:s8] =	ssyncset.done $0x0  }
0x97: {  	[sflag:s8] =	ssyncadd.s32 $0xFFFFC000  }
0x98: {  	[tilespmem:s30], [sflag:$0x3] =	stream.indirect.gather [hbm4b:s1+s5], $0x80, s12, s5, $0xb8;
	[tilespmem:$0x1F000] =	vst v63  }
0x99: {  	_ = 	snop  }
0x9a: {  	[spmem:s3] =	stream.indirect.scatter.add.f32 [tilespmem:s7], [sflag:$0x6], $0x80, s13, s5, $0xb8;
	[tilespmem:$0x1F000] =	vst v63  }
0x9b: {  	_ =	swait.ge [sflag:s9], $0x4000  }
0x9c: {  	[sflag:s9] =	ssyncset.done $0x0  }
0x9d: {  	[sflag:s9] =	ssyncadd.s32 $0xFFFFC000  }
0x9e: {  	_ =	swait.ge [sflag:s10], $0x4000  }
0x9f: {  	[sflag:s10] =	ssyncset.done $0x0  }
0xa0: {  	[sflag:s10] =	ssyncadd.s32 $0xFFFFC000  }
0xa1: {  	[spmem:s3] =	stream.indirect.scatter.add.f32 [tilespmem:s30], [sflag:$0x5], $0x80, s14, s5, $0xb8;
	[tilespmem:$0x1F000] =	vst v63  }
0xa2: {  	_ =	swait.ge [sflag:s11], $0x4000  }
0xa3: {  	[sflag:s11] =	ssyncset.done $0x0  }
0xa4: {  	[sflag:s11] =	ssyncadd.s32 $0xFFFFC000  }
0xa5: {  	_ =	swait.ge [sflag:s15], $0x1A00  }
0xa6: {  	[sflag:s15] =	ssyncset.done $0x0  }
0xa7: {  	[sflag:s15] =	ssyncadd.s32 $0xFFFFE600  }
0xa8: {  	[tilespmem:s4], [sflag:$0x1] =	stream.linear.gather [hbm4b:s22+s4], $0x1A00, $0x38;
	[tilespmem:$0x1F000] =	vst v63  }
0xa9: {  	_ = 	snop  }
0xaa: {  	[tilespmem:s7], [sflag:$0x4] =	stream.indirect.gather [hbm4b:s1+s5], $0x80, s2, s5, $0xb8;
	[tilespmem:$0x1F000] =	vst v63  }
0xab: {  	_ =	swait.ge [sflag:s8], $0x4000  }
0xac: {  	[sflag:s8] =	ssyncset.done $0x0  }
0xad: {  	s17 =	simm.s32 $0x1B00;
	[sflag:s8] =	ssyncadd.s32 $0xFFFFC000  }
0xae: {  	[tilespmem:s30], [sflag:$0x3] =	stream.indirect.gather [hbm4b:s1+s5], $0x80, s17, s5, $0xb8;
	[tilespmem:$0x1F000] =	vst v63  }
0xaf: {  	s19 =	simm.s32 $0x1A80  }
0xb0: {  	[spmem:s3] =	stream.indirect.scatter.add.f32 [tilespmem:s7], [sflag:$0x6], $0x80, s19, s5, $0xb8;
	[tilespmem:$0x1F000] =	vst v63  }
0xb1: {  	_ =	swait.ge [sflag:s9], $0x4000  }
0xb2: {  	[sflag:s9] =	ssyncset.done $0x0  }
0xb3: {  	[sflag:s9] =	ssyncadd.s32 $0xFFFFC000  }
0xb4: {  	_ =	swait.ge [sflag:s10], $0x4000  }
0xb5: {  	[sflag:s10] =	ssyncset.done $0x0  }
0xb6: {  	s18 =	simm.s32 $0x1C00;
	[sflag:s10] =	ssyncadd.s32 $0xFFFFC000  }
0xb7: {  	[tilespmem:s7], [sflag:$0x4] =	stream.indirect.gather [hbm4b:s1+s5], $0x80, s18, s5, $0xb8;
	[tilespmem:$0x1F000] =	vst v63  }
0xb8: {  	s19 =	simm.s32 $0x1B80  }
0xb9: {  	[spmem:s3] =	stream.indirect.scatter.add.f32 [tilespmem:s30], [sflag:$0x5], $0x80, s19, s5, $0xb8;
	[tilespmem:$0x1F000] =	vst v63  }
0xba: {  	_ =	swait.ge [sflag:s11], $0x4000  }
0xbb: {  	s17 =	simm.s32 $0xFFFFA800;
	[sflag:s11] =	ssyncset.done $0x0  }
.LBB2_4:
0xbc: {  	p2 =	sne.s32 s17, $0xFFFFF800  }
0xbd: {  	[sflag:s11] =	ssyncadd.s32 $0xFFFFC000;
	s18 =	smov.u32 s17;
	s17 =	sadd.s32 $0x800, s17  }
0xbe: {  	_ = 	snop  }
0xbf: {  	_ =	swait.ge [sflag:s8], $0x4000  }
0xc0: {  	s18 =	sshra.s32 s18, $0x2;
	[sflag:s8] =	ssyncset.done $0x0  }
0xc1: {  	s19 =	sadd.s32 $0x3300, s18;
	[sflag:s8] =	ssyncadd.s32 $0xFFFFC000  }
0xc2: {  	[tilespmem:s30], [sflag:$0x3] =	stream.indirect.gather [hbm4b:s1+s5], $0x80, s19, s5, $0xb8;
	[tilespmem:$0x1F000] =	vst v63  }
0xc3: {  	s19 =	sadd.s32 $0x3280, s18  }
0xc4: {  	[spmem:s3] =	stream.indirect.scatter.add.f32 [tilespmem:s7], [sflag:$0x6], $0x80, s19, s5, $0xb8;
	[tilespmem:$0x1F000] =	vst v63  }
0xc5: {  	_ =	swait.ge [sflag:s9], $0x4000  }
0xc6: {  	[sflag:s9] =	ssyncset.done $0x0  }
0xc7: {  	[sflag:s9] =	ssyncadd.s32 $0xFFFFC000  }
0xc8: {  	_ =	swait.ge [sflag:s10], $0x4000  }
0xc9: {  	[sflag:s10] =	ssyncset.done $0x0  }
0xca: {  	s19 =	sadd.s32 $0x3400, s18;
	[sflag:s10] =	ssyncadd.s32 $0xFFFFC000  }
0xcb: {  	[tilespmem:s7], [sflag:$0x4] =	stream.indirect.gather [hbm4b:s1+s5], $0x80, s19, s5, $0xb8;
	[tilespmem:$0x1F000] =	vst v63  }
.Ltmp1:
0xcc: {  	_ = 	snop;
	(pc) =	sbr.rel @p2 .LBB2_4-.Ltmp1, $4  }
0xcd: {  	s18 =	sadd.s32 $0x3380, s18  }
0xce: {  	[spmem:s3] =	stream.indirect.scatter.add.f32 [tilespmem:s30], [sflag:$0x5], $0x80, s18, s5, $0xb8;
	[tilespmem:$0x1F000] =	vst v63  }
0xcf: {  	_ =	swait.ge [sflag:s11], $0x4000  }
0xd0: {  	[sflag:s11] =	ssyncset.done $0x0  }
0xd1: {  	[sflag:s11] =	ssyncadd.s32 $0xFFFFC000  }
0xd2: {  	_ =	swait.ge [sflag:s8], $0x4000  }
0xd3: {  	[sflag:s8] =	ssyncset.done $0x0  }
0xd4: {  	s17 =	simm.s32 $0x3300;
	[sflag:s8] =	ssyncadd.s32 $0xFFFFC000  }
0xd5: {  	[tilespmem:s30], [sflag:$0x3] =	stream.indirect.gather [hbm4b:s1+s5], $0x80, s17, s5, $0xb8;
	[tilespmem:$0x1F000] =	vst v63  }
0xd6: {  	s18 =	simm.s32 $0x3280  }
0xd7: {  	[spmem:s3] =	stream.indirect.scatter.add.f32 [tilespmem:s7], [sflag:$0x6], $0x80, s18, s5, $0xb8;
	[tilespmem:$0x1F000] =	vst v63  }
0xd8: {  	_ =	swait.ge [sflag:s9], $0x4000  }
0xd9: {  	[sflag:s9] =	ssyncset.done $0x0  }
0xda: {  	[sflag:s9] =	ssyncadd.s32 $0xFFFFC000  }
0xdb: {  	_ =	swait.ge [sflag:s10], $0x4000  }
0xdc: {  	[sflag:s10] =	ssyncset.done $0x0  }
0xdd: {  	s19 =	simm.s32 $0x3380;
	[sflag:s10] =	ssyncadd.s32 $0xFFFFC000  }
0xde: {  	[spmem:s3] =	stream.indirect.scatter.add.f32 [tilespmem:s30], [sflag:$0x5], $0x80, s19, s5, $0xb8;
	[tilespmem:$0x1F000] =	vst v63  }
0xdf: {  	_ =	swait.ge [sflag:s11], $0x4000  }
0xe0: {  	[sflag:s11] =	ssyncset.done $0x0  }
0xe1: {  	[sflag:s11] =	ssyncadd.s32 $0xFFFFC000  }
0xe2: {  	_ =	swait.ge [sflag:s0], $0x1A00  }
0xe3: {  	[sflag:s0] =	ssyncset.done $0x0  }
0xe4: {  	[sflag:s0] =	ssyncadd.s32 $0xFFFFE600  }
0xe5: {  	[tilespmem:s7], [sflag:$0x4] =	stream.indirect.gather [hbm4b:s1+s5], $0x80, s4, s5, $0xb8;
	[tilespmem:$0x1F000] =	vst v63  }
0xe6: {  	_ =	swait.ge [sflag:s8], $0x4000  }
0xe7: {  	[sflag:s8] =	ssyncset.done $0x0  }
0xe8: {  	s18 =	simm.s32 $0x100;
	[sflag:s8] =	ssyncadd.s32 $0xFFFFC000  }
0xe9: {  	[tilespmem:s30], [sflag:$0x3] =	stream.indirect.gather [hbm4b:s1+s5], $0x80, s18, s5, $0xb8;
	[tilespmem:$0x1F000] =	vst v63  }
0xea: {  	s19 =	simm.s32 $0x80  }
0xeb: {  	[spmem:s3] =	stream.indirect.scatter.add.f32 [tilespmem:s7], [sflag:$0x6], $0x80, s19, s5, $0xb8;
	[tilespmem:$0x1F000] =	vst v63  }
0xec: {  	_ =	swait.ge [sflag:s9], $0x4000  }
0xed: {  	[sflag:s9] =	ssyncset.done $0x0  }
0xee: {  	[sflag:s9] =	ssyncadd.s32 $0xFFFFC000  }
0xef: {  	_ =	swait.ge [sflag:s10], $0x4000  }
0xf0: {  	[sflag:s10] =	ssyncset.done $0x0  }
0xf1: {  	s18 =	simm.s32 $0x200;
	[sflag:s10] =	ssyncadd.s32 $0xFFFFC000  }
0xf2: {  	[tilespmem:s7], [sflag:$0x4] =	stream.indirect.gather [hbm4b:s1+s5], $0x80, s18, s5, $0xb8;
	[tilespmem:$0x1F000] =	vst v63  }
0xf3: {  	s19 =	simm.s32 $0x180  }
0xf4: {  	[spmem:s3] =	stream.indirect.scatter.add.f32 [tilespmem:s30], [sflag:$0x5], $0x80, s19, s5, $0xb8;
	[tilespmem:$0x1F000] =	vst v63  }
0xf5: {  	_ =	swait.ge [sflag:s11], $0x4000  }
0xf6: {  	s17 =	simm.s32 $0xFFFFA800;
	[sflag:s11] =	ssyncset.done $0x0  }
.LBB2_6:
0xf7: {  	p2 =	sne.s32 s17, $0xFFFFF800  }
0xf8: {  	[sflag:s11] =	ssyncadd.s32 $0xFFFFC000;
	s18 =	smov.u32 s17;
	s17 =	sadd.s32 $0x800, s17  }
0xf9: {  	_ = 	snop  }
0xfa: {  	_ =	swait.ge [sflag:s8], $0x4000  }
0xfb: {  	s18 =	sshra.s32 s18, $0x2;
	[sflag:s8] =	ssyncset.done $0x0  }
0xfc: {  	s19 =	sadd.s32 $0x1900, s18;
	[sflag:s8] =	ssyncadd.s32 $0xFFFFC000  }
0xfd: {  	[tilespmem:s30], [sflag:$0x3] =	stream.indirect.gather [hbm4b:s1+s5], $0x80, s19, s5, $0xb8;
	[tilespmem:$0x1F000] =	vst v63  }
0xfe: {  	s19 =	sadd.s32 $0x1880, s18  }
0xff: {  	[spmem:s3] =	stream.indirect.scatter.add.f32 [tilespmem:s7], [sflag:$0x6], $0x80, s19, s5, $0xb8;
	[tilespmem:$0x1F000] =	vst v63  }
0x100: {  	_ =	swait.ge [sflag:s9], $0x4000  }
0x101: {  	[sflag:s9] =	ssyncset.done $0x0  }
0x102: {  	[sflag:s9] =	ssyncadd.s32 $0xFFFFC000  }
0x103: {  	_ =	swait.ge [sflag:s10], $0x4000  }
0x104: {  	[sflag:s10] =	ssyncset.done $0x0  }
0x105: {  	s19 =	sadd.s32 $0x1A00, s18;
	[sflag:s10] =	ssyncadd.s32 $0xFFFFC000  }
0x106: {  	[tilespmem:s7], [sflag:$0x4] =	stream.indirect.gather [hbm4b:s1+s5], $0x80, s19, s5, $0xb8;
	[tilespmem:$0x1F000] =	vst v63  }
.Ltmp2:
0x107: {  	_ = 	snop;
	(pc) =	sbr.rel @p2 .LBB2_6-.Ltmp2, $4  }
0x108: {  	s18 =	sadd.s32 $0x1980, s18  }
0x109: {  	[spmem:s3] =	stream.indirect.scatter.add.f32 [tilespmem:s30], [sflag:$0x5], $0x80, s18, s5, $0xb8;
	[tilespmem:$0x1F000] =	vst v63  }
0x10a: {  	_ =	swait.ge [sflag:s11], $0x4000  }
0x10b: {  	[sflag:s11] =	ssyncset.done $0x0  }
0x10c: {  	[sflag:s11] =	ssyncadd.s32 $0xFFFFC000  }
0x10d: {  	_ =	swait.ge [sflag:s8], $0x4000  }
0x10e: {  	[sflag:s8] =	ssyncset.done $0x0  }
0x10f: {  	[sflag:s8] =	ssyncadd.s32 $0xFFFFC000  }
0x110: {  	[tilespmem:s30], [sflag:$0x3] =	stream.indirect.gather [hbm4b:s1+s5], $0x80, s12, s5, $0xb8;
	[tilespmem:$0x1F000] =	vst v63  }
0x111: {  	_ = 	snop  }
0x112: {  	[spmem:s3] =	stream.indirect.scatter.add.f32 [tilespmem:s7], [sflag:$0x6], $0x80, s13, s5, $0xb8;
	[tilespmem:$0x1F000] =	vst v63  }
0x113: {  	_ =	swait.ge [sflag:s9], $0x4000  }
0x114: {  	[sflag:s9] =	ssyncset.done $0x0  }
0x115: {  	[sflag:s9] =	ssyncadd.s32 $0xFFFFC000  }
0x116: {  	_ =	swait.ge [sflag:s10], $0x4000  }
0x117: {  	[sflag:s10] =	ssyncset.done $0x0  }
0x118: {  	[sflag:s10] =	ssyncadd.s32 $0xFFFFC000  }
0x119: {  	[spmem:s3] =	stream.indirect.scatter.add.f32 [tilespmem:s30], [sflag:$0x5], $0x80, s14, s5, $0xb8;
	[tilespmem:$0x1F000] =	vst v63  }
0x11a: {  	_ =	swait.ge [sflag:s11], $0x4000  }
0x11b: {  	[sflag:s11] =	ssyncset.done $0x0  }
0x11c: {  	s17 =	simm.s32 @!p0 $0x0;
	s18 =	simm.s32 @!p0 $0x7;
	[sflag:s11] =	ssyncadd.s32 $0xFFFFC000  }
0x11d: {  	[tilespmem:s17], [sflag:$0x7] =	stream.linear.gather @!p0 [hbm4b:s23+s17], $0x100, $0x38;
	[tilespmem:$0x1F000] =	vst v63  }
0x11e: {  	_ =	swait.ge @!p0 [sflag:s18], $0x100  }
0x11f: {  	[sflag:s18] =	ssyncset.done @!p0 $0x0  }
0x120: {  	s19 =	simm.s32 @!p0 $0x3400;
	[sflag:s18] =	ssyncadd.s32 @!p0 $0xFFFFFF00;
	s18 =	simm.s32 @!p0 $0x80  }
0x121: {  	[tilespmem:s19], [sflag:$0x3] =	stream.indirect.gather @!p0 [hbm4b:s1+s18], $0x80, s17, s18, $0xb8;
	[tilespmem:$0x1F000] =	vst v63  }
0x122: {  	s17 =	simm.s32 @!p0 $0x3  }
0x123: {  	_ =	swait.ge @!p0 [sflag:s17], $0x4000  }
0x124: {  	[sflag:s17] =	ssyncset.done @!p0 $0x0  }
0x125: {  	[sflag:s17] =	ssyncadd.s32 @!p0 $0xFFFFC000;
	s17 =	simm.s32 @!p0 $0x5  }
0x126: {  	[spmem:s3] =	stream.indirect.scatter.add.f32 @!p0 [tilespmem:s19], [sflag:$0x5], $0x80, s18, s18, $0xb8;
	[tilespmem:$0x1F000] =	vst v63  }
0x127: {  	_ =	swait.ge @!p0 [sflag:s17], $0x4000  }
0x128: {  	[sflag:s17] =	ssyncset.done @!p0 $0x0  }
0x129: {  	[sflag:s17] =	ssyncadd.s32 @!p0 $0xFFFFC000  }
0x12a: {  	s18 =	simm.s32 @p1 $0x1FC7;
	s17 =	sshrl.u32 @p1 s6, $0x3;
	[bflag:$0x0] =	sbarrier.arrive $0xFFFF  }
0x12b: {  	[hbm:s24], [sflag:s18] =	dma.local @p1 [spmem:s17], $0x2080  }
0x12c: {  	s16 =	sadd.s32 $0x1, s16;
	s17 =	simm.s32 @p1 $0x7  }
0x12d: {  	p2 =	sne.s32 s16, s25;
	s18 =	stileid.u32;
	_ =	swait.ge @p1 [sflag:s17], $0x2080  }
0x12e: {  	s18 =	sshll.u32 @!p1 s18, $0x6;
	[sflag:s17] =	ssyncset.done @p1 $0x0;
	s19 =	rddreg [dreg:$0x12]  }
0x12f: {  	[sflag:s17] =	ssyncadd.s32 @p1 $0xFFFFDF80;
	s17 =	sor.u32 @!p1 $0x1C07, s18;
	s18 =	sshrl.u32 @!p1 s6, $0x3  }
0x130: {  	[hbm:s19], [sflag:s17] =	dma.local @!p1 [spmem:s18], $0x2780  }
.Ltmp3:
0x131: {  	_ = 	snop;
	(pc) =	sbr.rel @p2 .LBB2_1-.Ltmp3, $4  }
0x132: {  	s17 =	simm.s32 @!p1 $0x7  }
0x133: {  	_ =	swait.ge @!p1 [sflag:s17], $0x2780  }
0x134: {  	[sflag:s17] =	ssyncset.done @!p1 $0x0  }
0x135: {  	[sflag:s17] =	ssyncadd.s32 @!p1 $0xFFFFD880  }
0x136: {  	_ =	sfence.sel $0x180000  }
0x137: {  	[bflag:$0x0] =	sbarrier.arrive $0xFFFF  }
0x138: {  	_ =	strace $0x90000047  }
0x139: {  	s0 =	stileid.u32;
	[bflag:$0x2] =	sbarrier.arrive $0xFFFF  }
0x13a: {  	p0 =	sne.s32 s0, $0x0;
	s0 =	rddreg [dreg:$0x4]  }
0x13b: {  	s0 =	sadd.s32 @!p0 $0x100000, s0  }
0x13c: {  	[sflag:s0] =	ssyncadd.tile.s32 @!p0 $0x1;
	_ =	shalt  }
.Lfunc_end2:
_tile_overlayer_lowered:
.L_overlay_start_2:
0x13d: {  	(tag) =	ssettag $0x2  }
0x13e: {  	s0 =	rddreg [dreg:$0x0];
	s2 =	stileid.u32  }
0x13f: {  	s1 =	rddreg [dreg:$0x1];
	p0 =	sne.s32 s2, $0x0  }
0x140: {  	s3 =	rddreg [dreg:$0x2];
	[bflag:$0x3] =	sbarrier.arrive $0xFFFF;
	s2 =	simm.s32 @!p0 $0x1C07  }
0x141: {  	[timem:s3], [sflag:s2] =	dma.local @!p0 [hbm:s0], s1  }
0x142: {  	s0 =	simm.s32 @!p0 $0x7  }
0x143: {  	_ =	swait.ge @!p0 [sflag:s0], s1  }
0x144: {  	s1 =	ssub.s32 @!p0 $0x0, s1;
	[sflag:s0] =	ssyncset.done @!p0 $0x0  }
0x145: {  	[sflag:s0] =	ssyncadd.s32 @!p0 s1  }
0x146: {  	[bflag:$0x3] =	sbarrier.arrive $0xFFFF  }
0x147: {  	_ =	shalt  }

</sc_bundles>
